<compile_context>
chip_gen: v7x
topology: tpu7x:2x2x1
jax: 0.10.2.dev20260603
libtpu: 0.0.44.dev20260713+nightly
codegen_flags: <defaults>
</compile_context>

<pallas_src>
import functools

import jax
import jax.numpy as jnp
from jax import lax
from jax.experimental import pallas as pl
from jax.experimental.pallas import tpu as pltpu
from jax.experimental.pallas import tpu_sc as plsc

NC = 2
NS = 16
CH = 128
D = 128


def _mesh():
    return plsc.VectorSubcoreMesh(core_axis_name="c", subcore_axis_name="s",
                                  num_cores=NC, num_subcores=NS)


def _fill(buf, val):
    v = jnp.full((16,), val, jnp.float32)

    def row(r, _):
        for k in range(D // 16):
            buf[r, pl.ds(16 * k, 16)] = v
        return 0
    lax.fori_loop(0, CH, row, 0)


def _agg_body(n_pad, chunks_per_tile, h_hbm, src_hbm, dst_hbm, aggp,
              idx_s, idx_da, idx_db, buf_a, buf_b, acc, gsem_a, gsem_b):
    c = lax.axis_index("c")
    s = lax.axis_index("s")
    wid = c * NS + s
    ebase = wid * (chunks_per_tile * CH)
    rows_per_tile = n_pad // NS
    tbase = s * rows_per_tile

    pltpu.sync_copy(src_hbm.at[pl.ds(ebase, chunks_per_tile * CH)],
                    idx_s.at[pl.ds(0, chunks_per_tile * CH)])
    _fill(buf_a, 0.0)
    for jj in range(rows_per_tile // CH):
        pltpu.sync_copy(buf_a, acc.at[pl.ds(tbase + jj * CH, CH)])
    zi = jnp.zeros((16,), jnp.int32)
    def ztail(i, _):
        idx_s[pl.ds(chunks_per_tile * CH + 16 * i, 16)] = zi
        return 0
    lax.fori_loop(0, 2 * CH // 16, ztail, 0)
    plsc.subcore_barrier()

    pltpu.async_copy(h_hbm.at[idx_s.at[pl.ds(0, CH)]], buf_a, gsem_a)
    pltpu.async_copy(h_hbm.at[idx_s.at[pl.ds(CH, CH)]], buf_b, gsem_b)

    def group(g, _):
        for j, buf, sem, idx_d in ((2 * g, buf_a, gsem_a, idx_da),
                                   (2 * g + 1, buf_b, gsem_b, idx_db)):
            pltpu.sync_copy(dst_hbm.at[pl.ds(ebase + j * CH, CH)], idx_d)
            pltpu.make_async_copy(h_hbm.at[idx_s.at[pl.ds(0, CH)]], buf,
                                  sem).wait()
            pltpu.sync_copy(buf, acc.at[idx_d], add=True)
            pltpu.async_copy(h_hbm.at[idx_s.at[pl.ds((j + 2) * CH, CH)]],
                             buf, sem)
        return 0
    lax.fori_loop(0, chunks_per_tile // 2, group, 0)
    pltpu.make_async_copy(h_hbm.at[idx_s.at[pl.ds(0, CH)]], buf_a, gsem_a).wait()
    pltpu.make_async_copy(h_hbm.at[idx_s.at[pl.ds(0, CH)]], buf_b, gsem_b).wait()
    plsc.subcore_barrier()

    obase = c * n_pad + tbase
    for jj in range(rows_per_tile // CH):
        buf = buf_a if jj % 2 == 0 else buf_b
        pltpu.sync_copy(acc.at[pl.ds(tbase + jj * CH, CH)], buf)
        pltpu.sync_copy(buf, aggp.at[pl.ds(obase + jj * CH, CH)])


def _aggregate(h, src_p, dst_p, n_pad):
    e_pad = src_p.shape[0]
    chunks_per_tile = e_pad // (NC * NS * CH)
    f = pl.kernel(
        functools.partial(_agg_body, n_pad, chunks_per_tile),
        out_type=jax.ShapeDtypeStruct((NC * n_pad, D), jnp.float32),
        mesh=_mesh(),
        scratch_types=[
            pltpu.VMEM(((chunks_per_tile + 2) * CH,), jnp.int32),
            pltpu.VMEM((CH,), jnp.int32),
            pltpu.VMEM((CH,), jnp.int32),
            pltpu.VMEM((CH, D), jnp.float32),
            pltpu.VMEM((CH, D), jnp.float32),
            pltpu.VMEM_SHARED((n_pad, D), jnp.float32),
            pltpu.SemaphoreType.DMA,
            pltpu.SemaphoreType.DMA,
        ],
    )
    return f(h, src_p, dst_p).reshape(NC, n_pad, D)


def _cnt_body(n_pad, chunks_per_tile, dst_hbm, cntp, idx_d, ones, acc, gsem):
    c = lax.axis_index("c")
    s = lax.axis_index("s")
    wid = c * NS + s
    ebase = wid * (chunks_per_tile * CH)
    rows_per_tile = n_pad // NS
    tbase = s * rows_per_tile

    _fill(ones, 0.0)
    for jj in range(rows_per_tile // CH):
        pltpu.sync_copy(ones, acc.at[pl.ds(tbase + jj * CH, CH)])
    _fill(ones, 1.0)
    plsc.subcore_barrier()

    def body(j, _):
        off = ebase + j * CH
        pltpu.sync_copy(dst_hbm.at[pl.ds(off, CH)], idx_d)
        pltpu.sync_copy(ones, acc.at[idx_d], add=True)
        return 0
    lax.fori_loop(0, chunks_per_tile, body, 0)
    plsc.subcore_barrier()

    obase = c * n_pad + tbase
    for jj in range(rows_per_tile // CH):
        pltpu.sync_copy(acc.at[pl.ds(tbase + jj * CH, CH)], ones)
        pltpu.sync_copy(ones, cntp.at[pl.ds(obase + jj * CH, CH)])


def _count(dst_p, n_pad):
    e_pad = dst_p.shape[0]
    chunks_per_tile = e_pad // (NC * NS * CH)
    f = pl.kernel(
        functools.partial(_cnt_body, n_pad, chunks_per_tile),
        out_type=jax.ShapeDtypeStruct((NC * n_pad, D), jnp.float32),
        mesh=_mesh(),
        scratch_types=[
            pltpu.VMEM((CH,), jnp.int32),
            pltpu.VMEM((CH, D), jnp.float32),
            pltpu.VMEM_SHARED((n_pad, D), jnp.float32),
            pltpu.SemaphoreType.DMA,
        ],
    )
    return f(dst_p).reshape(NC, n_pad, D)[:, :, 0]


def _dense_body(relu, aggp, cntp, h, wl, wr, b, o):
    cnt = jnp.sum(cntp[...], axis=0)[:, None]
    inv = 1.0 / jnp.maximum(cnt, 1.0)
    agg = (aggp[0] + aggp[1]) * inv
    acc = jnp.dot(agg, wl[...], preferred_element_type=jnp.float32)
    acc = acc + jnp.dot(h[...], wr[...], preferred_element_type=jnp.float32)
    acc = acc + b[...]
    o[...] = jnp.maximum(acc, 0.0) if relu else acc


def _block(bn, d):
    return pl.BlockSpec((bn, d), lambda i: (i, 0))


def _full(shape):
    return pl.BlockSpec(shape, lambda i: tuple(0 for _ in shape))


def _dense(aggp, cnt2, h, wlT, wrT, b, relu):
    n, d_in = h.shape
    d_out = wlT.shape[1]
    bn = 1024
    return pl.pallas_call(
        functools.partial(_dense_body, relu),
        grid=(pl.cdiv(n, bn),),
        in_specs=[pl.BlockSpec((NC, bn, d_in), lambda i: (0, i, 0)),
                  pl.BlockSpec((NC, bn), lambda i: (0, i)),
                  _block(bn, d_in),
                  _full(wlT.shape), _full(wrT.shape), _full(b.shape)],
        out_specs=_block(bn, d_out),
        out_shape=jax.ShapeDtypeStruct((n, d_out), jnp.float32),
    )(aggp, cnt2, h, wlT, wrT, b)


def kernel(x, edge_index, Wl1, bl1, Wr1, g1, be1,
           Wl2, bl2, Wr2, g2, be2, Wl3, bl3, Wr3):
    n = x.shape[0]
    e = edge_index.shape[1]
    n_pad = ((n + NS * CH - 1) // (NS * CH)) * (NS * CH)
    eq = NC * NS * CH * 8
    e_pad = ((e + eq - 1) // eq) * eq

    src = edge_index[0]
    dst = edge_index[1]
    if e_pad != e:
        pad = e_pad - e
        src = jnp.concatenate([src, jnp.zeros((pad,), jnp.int32)])
        dst = jnp.concatenate([dst, jnp.full((pad,), n_pad - CH, jnp.int32)])

    s1 = g1 / jnp.sqrt(1.0 + 1e-5)
    s2 = g2 / jnp.sqrt(1.0 + 1e-5)
    wl1T = (Wl1 * s1[:, None]).T
    wr1T = (Wr1 * s1[:, None]).T
    b1 = (bl1 * s1 + be1)[None, :]
    wl2T = (Wl2 * s2[:, None]).T
    wr2T = (Wr2 * s2[:, None]).T
    b2 = (bl2 * s2 + be2)[None, :]
    wl3T = Wl3.T
    wr3T = Wr3.T
    b3 = bl3[None, :]

    cnt2 = _count(dst, n_pad)
    aggp1 = _aggregate(x, src, dst, n_pad)
    h1 = _dense(aggp1, cnt2, x, wl1T, wr1T, b1, relu=True)
    aggp2 = _aggregate(h1, src, dst, n_pad)
    h2 = _dense(aggp2, cnt2, h1, wl2T, wr2T, b2, relu=True)
    aggp3 = _aggregate(h2, src, dst, n_pad)
    return _dense(aggp3, cnt2, h2, wl3T, wr3T, b3, relu=False)

# --- scband reference (transcript-rebuilt; emitter-appended) ---
"""Pipeline reference for scband-graph-sagemodel-19473381720256 (READ-ONLY COPY).

The authoritative reference and input builder live on the scoring server;
editing this copy changes nothing except your own understanding.
"""

import jax, jax.numpy as jnp
import numpy as np

N = 10000
E = 320000
D_IN = 128
D_H = 128
D_OUT = 64


def setup_inputs(seed: int = 0) -> dict:
    key = jax.random.key(seed)
    ks = jax.random.split(key, 20)
    s = 0.05
    x = jax.random.normal(ks[0], (N, D_IN), dtype=jnp.float32)
    edge_index = jax.random.randint(ks[1], (2, E), 0, N, dtype=jnp.int32)
    # SAGEConv layer 1: lin_l (with bias, applied to aggregated neighbors), lin_r (no bias, applied to root)
    Wl1 = jax.random.normal(ks[2], (D_H, D_IN), dtype=jnp.float32) * s
    bl1 = jnp.zeros((D_H,), dtype=jnp.float32)
    Wr1 = jax.random.normal(ks[3], (D_H, D_IN), dtype=jnp.float32) * s
    g1 = jnp.ones((D_H,), dtype=jnp.float32)
    be1 = jnp.zeros((D_H,), dtype=jnp.float32)
    # SAGEConv layer 2
    Wl2 = jax.random.normal(ks[4], (D_H, D_H), dtype=jnp.float32) * s
    bl2 = jnp.zeros((D_H,), dtype=jnp.float32)
    Wr2 = jax.random.normal(ks[5], (D_H, D_H), dtype=jnp.float32) * s
    g2 = jnp.ones((D_H,), dtype=jnp.float32)
    be2 = jnp.zeros((D_H,), dtype=jnp.float32)
    # SAGEConv layer 3 (output)
    Wl3 = jax.random.normal(ks[6], (D_OUT, D_H), dtype=jnp.float32) * s
    bl3 = jnp.zeros((D_OUT,), dtype=jnp.float32)
    Wr3 = jax.random.normal(ks[7], (D_OUT, D_H), dtype=jnp.float32) * s
    return {"x": x, "edge_index": edge_index, "Wl1": Wl1, "bl1": bl1, "Wr1": Wr1, "g1": g1, "be1": be1, "Wl2": Wl2, "bl2": bl2, "Wr2": Wr2, "g2": g2, "be2": be2, "Wl3": Wl3, "bl3": bl3, "Wr3": Wr3}


def _sage_conv(x, Wl, bl, Wr, src, dst, n):
    # mean aggregation of source-node features onto destination nodes
    msg = jnp.take(x, src, axis=0)
    agg = jax.ops.segment_sum(msg, dst, num_segments=n)
    cnt = jax.ops.segment_sum(jnp.ones((src.shape[0],), jnp.float32), dst, num_segments=n)
    agg = agg / jnp.maximum(cnt, 1.0)[:, None]
    return agg @ Wl.T + bl + x @ Wr.T


def _batch_norm_eval(h, gamma, beta, eps=1e-5):
    # eval-mode BatchNorm1d with running_mean=0, running_var=1
    return h * (gamma / jnp.sqrt(1.0 + eps)) + beta


def reference(x, edge_index, Wl1, bl1, Wr1, g1, be1, Wl2, bl2, Wr2, g2, be2, Wl3, bl3, Wr3):
    src = edge_index[0]
    dst = edge_index[1]
    n = x.shape[0]
    h = _sage_conv(x, Wl1, bl1, Wr1, src, dst, n)
    h = jax.nn.relu(_batch_norm_eval(h, g1, be1))
    h = _sage_conv(h, Wl2, bl2, Wr2, src, dst, n)
    h = jax.nn.relu(_batch_norm_eval(h, g2, be2))
    h = _sage_conv(h, Wl3, bl3, Wr3, src, dst, n)
    return h

if __name__ == "__main__":
    import jax
    _d = setup_inputs()
    print(jax.jit(kernel)(*tuple(_d.values())))

</pallas_src>

<mosaic_0001>
#map = affine_map<(d0, d1) -> (0, 0)>
#map1 = affine_map<(d0, d1) -> (0)>
module attributes {stable_mosaic.version = 14 : i64} {
  func.func @_agg_body(%arg0: i32, %arg1: i32, %arg2: memref<10000x128xf32, #tpu.memory_space<hbm>>, %arg3: memref<327680xi32, #tpu.memory_space<hbm>>, %arg4: memref<327680xi32, #tpu.memory_space<hbm>>, %arg5: memref<20480x128xf32, #tpu.memory_space<hbm>>, %arg6: memref<10496xi32, #tpu.memory_space<vmem>>, %arg7: memref<128xi32, #tpu.memory_space<vmem>>, %arg8: memref<128xi32, #tpu.memory_space<vmem>>, %arg9: memref<128x128xf32, #tpu.memory_space<vmem>>, %arg10: memref<128x128xf32, #tpu.memory_space<vmem>>, %arg11: memref<10240x128xf32, #tpu.memory_space<vmem_shared>>, %arg12: memref<!tpu.dma_semaphore, #tpu.memory_space<semaphore_mem>>, %arg13: memref<!tpu.dma_semaphore, #tpu.memory_space<semaphore_mem>>) attributes {dimension_semantics = [#tpu.dimension_semantics<core_parallel>, #tpu.dimension_semantics<subcore_parallel>], iteration_bounds = array<i64: 2, 16>, scalar_prefetch = 0 : i64, scratch_operands = 8 : i64, tpu.core_type = #tpu.core_type<sc_vector_subcore>, window_params = [{transform_indices = #map}, {transform_indices = #map1}, {transform_indices = #map1}, {transform_indices = #map}]} {
    %mul3A = arith.constant 16 : i32
    %mul3A_0 = arith.muli %arg0, %mul3A : i32
    %add3A = arith.addi %mul3A_0, %arg1 : i32
    %mul3A_1 = arith.constant 10240 : i32
    %mul3A_2 = arith.muli %add3A, %mul3A_1 : i32
    %mul3A_3 = arith.constant 640 : i32
    %mul3A_4 = arith.muli %arg1, %mul3A_3 : i32
    "tpu.region"() ({
      %run_scoped3A = tpu.sem_alloc : memref<!tpu.dma_semaphore, #tpu.memory_space<semaphore_mem>>
      %dma_start3A_80 = arith.constant 0 : i32
      %dma_start3A_81 = tpu.memref_slice %arg6[%dma_start3A_80] : memref<10496xi32, #tpu.memory_space<vmem>> -> memref<10240xi32, #tpu.memory_space<vmem>>
      %dma_start3A_82 = tpu.memref_slice %arg3[%mul3A_2] : memref<327680xi32, #tpu.memory_space<hbm>> -> memref<10240xi32, #tpu.memory_space<hbm>>
      %dma_start3A_83 = arith.constant 0 : i32
      %dma_start3A_84 = tpu.memref_slice %arg6[%dma_start3A_83] : memref<10496xi32, #tpu.memory_space<vmem>> -> memref<10240xi32, #tpu.memory_space<vmem>>
      %dma_start3A_85 = tpu.memref_slice %arg3[%mul3A_2] : memref<327680xi32, #tpu.memory_space<hbm>> -> memref<10240xi32, #tpu.memory_space<hbm>>
      tpu.enqueue_dma source(%dma_start3A_85 : memref<10240xi32, #tpu.memory_space<hbm>>) target(%dma_start3A_84 : memref<10240xi32, #tpu.memory_space<vmem>>) target_semaphore(%run_scoped3A : memref<!tpu.dma_semaphore, #tpu.memory_space<semaphore_mem>>)
      %dma_wait3A_86 = arith.constant 0 : i32
      %dma_wait3A_87 = tpu.memref_slice %arg6[%dma_wait3A_86] : memref<10496xi32, #tpu.memory_space<vmem>> -> memref<10240xi32, #tpu.memory_space<vmem>>
      %dma_wait3A_88 = tpu.memref_slice %arg3[%mul3A_2] : memref<327680xi32, #tpu.memory_space<hbm>> -> memref<10240xi32, #tpu.memory_space<hbm>>
      %dma_wait3A_89 = arith.constant 0 : i32
      %dma_wait3A_90 = tpu.memref_slice %arg6[%dma_wait3A_89] : memref<10496xi32, #tpu.memory_space<vmem>> -> memref<10240xi32, #tpu.memory_space<vmem>>
      %dma_wait3A_91 = tpu.memref_slice %arg3[%mul3A_2] : memref<327680xi32, #tpu.memory_space<hbm>> -> memref<10240xi32, #tpu.memory_space<hbm>>
      tpu.wait_dma2 semaphore(%run_scoped3A : memref<!tpu.dma_semaphore, #tpu.memory_space<semaphore_mem>>) src(%dma_wait3A_91 : memref<10240xi32, #tpu.memory_space<hbm>>) dst(%dma_wait3A_90 : memref<10240xi32, #tpu.memory_space<vmem>>)
      tpu.yield
    }) : () -> ()
    %broadcast_in_dim3A = arith.constant 0.000000e+00 : f32
    %broadcast_in_dim3A_5 = vector.broadcast %broadcast_in_dim3A : f32 to vector<16xf32>
    %scan3A = arith.constant 0 : i32
    %scan3A_6 = arith.constant 0 : i32
    %scan3A_7 = arith.constant 128 : i32
    %scan3A_8 = arith.addi %scan3A_6, %scan3A_7 : i32
    %scan3A_9 = arith.constant 1 : i32
    %scan3A_10 = scf.for %scan3A_80 = %scan3A_6 to %scan3A_8 step %scan3A_9 iter_args(%scan3A_81 = %scan3A) -> (i32)  : i32 {
      %swap3A = arith.index_cast %scan3A_80 : i32 to index
      %swap3A_82 = arith.constant 0 : index
      %swap3A_83 = tpu.vector_load %arg9[%swap3A, %swap3A_82] {strides = array<i32>} : memref<128x128xf32, #tpu.memory_space<vmem>>, vector<1x16xf32>,
      %swap3A_84 = vector.shape_cast %swap3A_83 : vector<1x16xf32> to vector<16xf32>
      %swap3A_85 = vector.shape_cast %broadcast_in_dim3A_5 : vector<16xf32> to vector<1x16xf32>
      tpu.vector_store %arg9[%swap3A, %swap3A_82], %swap3A_85 {strides = array<i32>} : memref<128x128xf32, #tpu.memory_space<vmem>>, vector<1x16xf32>,
      %swap3A_86 = arith.index_cast %scan3A_80 : i32 to index
      %swap3A_87 = arith.constant 16 : index
      %swap3A_88 = tpu.vector_load %arg9[%swap3A_86, %swap3A_87] {strides = array<i32>} : memref<128x128xf32, #tpu.memory_space<vmem>>, vector<1x16xf32>,
      %swap3A_89 = vector.shape_cast %swap3A_88 : vector<1x16xf32> to vector<16xf32>
      %swap3A_90 = vector.shape_cast %broadcast_in_dim3A_5 : vector<16xf32> to vector<1x16xf32>
      tpu.vector_store %arg9[%swap3A_86, %swap3A_87], %swap3A_90 {strides = array<i32>} : memref<128x128xf32, #tpu.memory_space<vmem>>, vector<1x16xf32>,
      %swap3A_91 = arith.index_cast %scan3A_80 : i32 to index
      %swap3A_92 = arith.constant 32 : index
      %swap3A_93 = tpu.vector_load %arg9[%swap3A_91, %swap3A_92] {strides = array<i32>} : memref<128x128xf32, #tpu.memory_space<vmem>>, vector<1x16xf32>,
      %swap3A_94 = vector.shape_cast %swap3A_93 : vector<1x16xf32> to vector<16xf32>
      %swap3A_95 = vector.shape_cast %broadcast_in_dim3A_5 : vector<16xf32> to vector<1x16xf32>
      tpu.vector_store %arg9[%swap3A_91, %swap3A_92], %swap3A_95 {strides = array<i32>} : memref<128x128xf32, #tpu.memory_space<vmem>>, vector<1x16xf32>,
      %swap3A_96 = arith.index_cast %scan3A_80 : i32 to index
      %swap3A_97 = arith.constant 48 : index
      %swap3A_98 = tpu.vector_load %arg9[%swap3A_96, %swap3A_97] {strides = array<i32>} : memref<128x128xf32, #tpu.memory_space<vmem>>, vector<1x16xf32>,
      %swap3A_99 = vector.shape_cast %swap3A_98 : vector<1x16xf32> to vector<16xf32>
      %swap3A_100 = vector.shape_cast %broadcast_in_dim3A_5 : vector<16xf32> to vector<1x16xf32>
      tpu.vector_store %arg9[%swap3A_96, %swap3A_97], %swap3A_100 {strides = array<i32>} : memref<128x128xf32, #tpu.memory_space<vmem>>, vector<1x16xf32>,
      %swap3A_101 = arith.index_cast %scan3A_80 : i32 to index
      %swap3A_102 = arith.constant 64 : index
      %swap3A_103 = tpu.vector_load %arg9[%swap3A_101, %swap3A_102] {strides = array<i32>} : memref<128x128xf32, #tpu.memory_space<vmem>>, vector<1x16xf32>,
      %swap3A_104 = vector.shape_cast %swap3A_103 : vector<1x16xf32> to vector<16xf32>
      %swap3A_105 = vector.shape_cast %broadcast_in_dim3A_5 : vector<16xf32> to vector<1x16xf32>
      tpu.vector_store %arg9[%swap3A_101, %swap3A_102], %swap3A_105 {strides = array<i32>} : memref<128x128xf32, #tpu.memory_space<vmem>>, vector<1x16xf32>,
      %swap3A_106 = arith.index_cast %scan3A_80 : i32 to index
      %swap3A_107 = arith.constant 80 : index
      %swap3A_108 = tpu.vector_load %arg9[%swap3A_106, %swap3A_107] {strides = array<i32>} : memref<128x128xf32, #tpu.memory_space<vmem>>, vector<1x16xf32>,
      %swap3A_109 = vector.shape_cast %swap3A_108 : vector<1x16xf32> to vector<16xf32>
      %swap3A_110 = vector.shape_cast %broadcast_in_dim3A_5 : vector<16xf32> to vector<1x16xf32>
      tpu.vector_store %arg9[%swap3A_106, %swap3A_107], %swap3A_110 {strides = array<i32>} : memref<128x128xf32, #tpu.memory_space<vmem>>, vector<1x16xf32>,
      %swap3A_111 = arith.index_cast %scan3A_80 : i32 to index
      %swap3A_112 = arith.constant 96 : index
      %swap3A_113 = tpu.vector_load %arg9[%swap3A_111, %swap3A_112] {strides = array<i32>} : memref<128x128xf32, #tpu.memory_space<vmem>>, vector<1x16xf32>,
      %swap3A_114 = vector.shape_cast %swap3A_113 : vector<1x16xf32> to vector<16xf32>
      %swap3A_115 = vector.shape_cast %broadcast_in_dim3A_5 : vector<16xf32> to vector<1x16xf32>
      tpu.vector_store %arg9[%swap3A_111, %swap3A_112], %swap3A_115 {strides = array<i32>} : memref<128x128xf32, #tpu.memory_space<vmem>>, vector<1x16xf32>,
      %swap3A_116 = arith.index_cast %scan3A_80 : i32 to index
      %swap3A_117 = arith.constant 112 : index
      %swap3A_118 = tpu.vector_load %arg9[%swap3A_116, %swap3A_117] {strides = array<i32>} : memref<128x128xf32, #tpu.memory_space<vmem>>, vector<1x16xf32>,
      %swap3A_119 = vector.shape_cast %swap3A_118 : vector<1x16xf32> to vector<16xf32>
      %swap3A_120 = vector.shape_cast %broadcast_in_dim3A_5 : vector<16xf32> to vector<1x16xf32>
      tpu.vector_store %arg9[%swap3A_116, %swap3A_117], %swap3A_120 {strides = array<i32>} : memref<128x128xf32, #tpu.memory_space<vmem>>, vector<1x16xf32>,
      %scan3A_121 = arith.constant 0 : i32
      scf.yield %scan3A_121 : i32
    }
    %scan3A_11 = arith.constant 128 : i32
    %add3A_12 = arith.constant 0 : i32
    %add3A_13 = arith.addi %mul3A_4, %add3A_12 : i32
    "tpu.region"() ({
      %run_scoped3A = tpu.sem_alloc : memref<!tpu.dma_semaphore, #tpu.memory_space<semaphore_mem>>
      %dma_start3A_80 = arith.constant 0 : i32
      %dma_start3A_81 = tpu.memref_slice %arg11[%add3A_13, %dma_start3A_80] : memref<10240x128xf32, #tpu.memory_space<vmem_shared>> -> memref<128x128xf32, #tpu.memory_space<vmem_shared>>
      %dma_start3A_82 = arith.constant 0 : i32
      %dma_start3A_83 = tpu.memref_slice %arg11[%add3A_13, %dma_start3A_82] : memref<10240x128xf32, #tpu.memory_space<vmem_shared>> -> memref<128x128xf32, #tpu.memory_space<vmem_shared>>
      tpu.enqueue_dma source(%arg9 : memref<128x128xf32, #tpu.memory_space<vmem>>) target(%dma_start3A_83 : memref<128x128xf32, #tpu.memory_space<vmem_shared>>) target_semaphore(%run_scoped3A : memref<!tpu.dma_semaphore, #tpu.memory_space<semaphore_mem>>)
      %dma_wait3A_84 = arith.constant 0 : i32
      %dma_wait3A_85 = tpu.memref_slice %arg11[%add3A_13, %dma_wait3A_84] : memref<10240x128xf32, #tpu.memory_space<vmem_shared>> -> memref<128x128xf32, #tpu.memory_space<vmem_shared>>
      %dma_wait3A_86 = arith.constant 0 : i32
      %dma_wait3A_87 = tpu.memref_slice %arg11[%add3A_13, %dma_wait3A_86] : memref<10240x128xf32, #tpu.memory_space<vmem_shared>> -> memref<128x128xf32, #tpu.memory_space<vmem_shared>>
      tpu.wait_dma2 semaphore(%run_scoped3A : memref<!tpu.dma_semaphore, #tpu.memory_space<semaphore_mem>>) src(%arg9 : memref<128x128xf32, #tpu.memory_space<vmem>>) dst(%dma_wait3A_87 : memref<128x128xf32, #tpu.memory_space<vmem_shared>>)
      tpu.yield
    }) : () -> ()
    %add3A_14 = arith.constant 128 : i32
    %add3A_15 = arith.addi %mul3A_4, %add3A_14 : i32
    "tpu.region"() ({
      %run_scoped3A = tpu.sem_alloc : memref<!tpu.dma_semaphore, #tpu.memory_space<semaphore_mem>>
      %dma_start3A_80 = arith.constant 0 : i32
      %dma_start3A_81 = tpu.memref_slice %arg11[%add3A_15, %dma_start3A_80] : memref<10240x128xf32, #tpu.memory_space<vmem_shared>> -> memref<128x128xf32, #tpu.memory_space<vmem_shared>>
      %dma_start3A_82 = arith.constant 0 : i32
      %dma_start3A_83 = tpu.memref_slice %arg11[%add3A_15, %dma_start3A_82] : memref<10240x128xf32, #tpu.memory_space<vmem_shared>> -> memref<128x128xf32, #tpu.memory_space<vmem_shared>>
      tpu.enqueue_dma source(%arg9 : memref<128x128xf32, #tpu.memory_space<vmem>>) target(%dma_start3A_83 : memref<128x128xf32, #tpu.memory_space<vmem_shared>>) target_semaphore(%run_scoped3A : memref<!tpu.dma_semaphore, #tpu.memory_space<semaphore_mem>>)
      %dma_wait3A_84 = arith.constant 0 : i32
      %dma_wait3A_85 = tpu.memref_slice %arg11[%add3A_15, %dma_wait3A_84] : memref<10240x128xf32, #tpu.memory_space<vmem_shared>> -> memref<128x128xf32, #tpu.memory_space<vmem_shared>>
      %dma_wait3A_86 = arith.constant 0 : i32
      %dma_wait3A_87 = tpu.memref_slice %arg11[%add3A_15, %dma_wait3A_86] : memref<10240x128xf32, #tpu.memory_space<vmem_shared>> -> memref<128x128xf32, #tpu.memory_space<vmem_shared>>
      tpu.wait_dma2 semaphore(%run_scoped3A : memref<!tpu.dma_semaphore, #tpu.memory_space<semaphore_mem>>) src(%arg9 : memref<128x128xf32, #tpu.memory_space<vmem>>) dst(%dma_wait3A_87 : memref<128x128xf32, #tpu.memory_space<vmem_shared>>)
      tpu.yield
    }) : () -> ()
    %add3A_16 = arith.constant 256 : i32
    %add3A_17 = arith.addi %mul3A_4, %add3A_16 : i32
    "tpu.region"() ({
      %run_scoped3A = tpu.sem_alloc : memref<!tpu.dma_semaphore, #tpu.memory_space<semaphore_mem>>
      %dma_start3A_80 = arith.constant 0 : i32
      %dma_start3A_81 = tpu.memref_slice %arg11[%add3A_17, %dma_start3A_80] : memref<10240x128xf32, #tpu.memory_space<vmem_shared>> -> memref<128x128xf32, #tpu.memory_space<vmem_shared>>
      %dma_start3A_82 = arith.constant 0 : i32
      %dma_start3A_83 = tpu.memref_slice %arg11[%add3A_17, %dma_start3A_82] : memref<10240x128xf32, #tpu.memory_space<vmem_shared>> -> memref<128x128xf32, #tpu.memory_space<vmem_shared>>
      tpu.enqueue_dma source(%arg9 : memref<128x128xf32, #tpu.memory_space<vmem>>) target(%dma_start3A_83 : memref<128x128xf32, #tpu.memory_space<vmem_shared>>) target_semaphore(%run_scoped3A : memref<!tpu.dma_semaphore, #tpu.memory_space<semaphore_mem>>)
      %dma_wait3A_84 = arith.constant 0 : i32
      %dma_wait3A_85 = tpu.memref_slice %arg11[%add3A_17, %dma_wait3A_84] : memref<10240x128xf32, #tpu.memory_space<vmem_shared>> -> memref<128x128xf32, #tpu.memory_space<vmem_shared>>
      %dma_wait3A_86 = arith.constant 0 : i32
      %dma_wait3A_87 = tpu.memref_slice %arg11[%add3A_17, %dma_wait3A_86] : memref<10240x128xf32, #tpu.memory_space<vmem_shared>> -> memref<128x128xf32, #tpu.memory_space<vmem_shared>>
      tpu.wait_dma2 semaphore(%run_scoped3A : memref<!tpu.dma_semaphore, #tpu.memory_space<semaphore_mem>>) src(%arg9 : memref<128x128xf32, #tpu.memory_space<vmem>>) dst(%dma_wait3A_87 : memref<128x128xf32, #tpu.memory_space<vmem_shared>>)
      tpu.yield
    }) : () -> ()
    %add3A_18 = arith.constant 384 : i32
    %add3A_19 = arith.addi %mul3A_4, %add3A_18 : i32
    "tpu.region"() ({
      %run_scoped3A = tpu.sem_alloc : memref<!tpu.dma_semaphore, #tpu.memory_space<semaphore_mem>>
      %dma_start3A_80 = arith.constant 0 : i32
      %dma_start3A_81 = tpu.memref_slice %arg11[%add3A_19, %dma_start3A_80] : memref<10240x128xf32, #tpu.memory_space<vmem_shared>> -> memref<128x128xf32, #tpu.memory_space<vmem_shared>>
      %dma_start3A_82 = arith.constant 0 : i32
      %dma_start3A_83 = tpu.memref_slice %arg11[%add3A_19, %dma_start3A_82] : memref<10240x128xf32, #tpu.memory_space<vmem_shared>> -> memref<128x128xf32, #tpu.memory_space<vmem_shared>>
      tpu.enqueue_dma source(%arg9 : memref<128x128xf32, #tpu.memory_space<vmem>>) target(%dma_start3A_83 : memref<128x128xf32, #tpu.memory_space<vmem_shared>>) target_semaphore(%run_scoped3A : memref<!tpu.dma_semaphore, #tpu.memory_space<semaphore_mem>>)
      %dma_wait3A_84 = arith.constant 0 : i32
      %dma_wait3A_85 = tpu.memref_slice %arg11[%add3A_19, %dma_wait3A_84] : memref<10240x128xf32, #tpu.memory_space<vmem_shared>> -> memref<128x128xf32, #tpu.memory_space<vmem_shared>>
      %dma_wait3A_86 = arith.constant 0 : i32
      %dma_wait3A_87 = tpu.memref_slice %arg11[%add3A_19, %dma_wait3A_86] : memref<10240x128xf32, #tpu.memory_space<vmem_shared>> -> memref<128x128xf32, #tpu.memory_space<vmem_shared>>
      tpu.wait_dma2 semaphore(%run_scoped3A : memref<!tpu.dma_semaphore, #tpu.memory_space<semaphore_mem>>) src(%arg9 : memref<128x128xf32, #tpu.memory_space<vmem>>) dst(%dma_wait3A_87 : memref<128x128xf32, #tpu.memory_space<vmem_shared>>)
      tpu.yield
    }) : () -> ()
    %add3A_20 = arith.constant 512 : i32
    %add3A_21 = arith.addi %mul3A_4, %add3A_20 : i32
    "tpu.region"() ({
      %run_scoped3A = tpu.sem_alloc : memref<!tpu.dma_semaphore, #tpu.memory_space<semaphore_mem>>
      %dma_start3A_80 = arith.constant 0 : i32
      %dma_start3A_81 = tpu.memref_slice %arg11[%add3A_21, %dma_start3A_80] : memref<10240x128xf32, #tpu.memory_space<vmem_shared>> -> memref<128x128xf32, #tpu.memory_space<vmem_shared>>
      %dma_start3A_82 = arith.constant 0 : i32
      %dma_start3A_83 = tpu.memref_slice %arg11[%add3A_21, %dma_start3A_82] : memref<10240x128xf32, #tpu.memory_space<vmem_shared>> -> memref<128x128xf32, #tpu.memory_space<vmem_shared>>
      tpu.enqueue_dma source(%arg9 : memref<128x128xf32, #tpu.memory_space<vmem>>) target(%dma_start3A_83 : memref<128x128xf32, #tpu.memory_space<vmem_shared>>) target_semaphore(%run_scoped3A : memref<!tpu.dma_semaphore, #tpu.memory_space<semaphore_mem>>)
      %dma_wait3A_84 = arith.constant 0 : i32
      %dma_wait3A_85 = tpu.memref_slice %arg11[%add3A_21, %dma_wait3A_84] : memref<10240x128xf32, #tpu.memory_space<vmem_shared>> -> memref<128x128xf32, #tpu.memory_space<vmem_shared>>
      %dma_wait3A_86 = arith.constant 0 : i32
      %dma_wait3A_87 = tpu.memref_slice %arg11[%add3A_21, %dma_wait3A_86] : memref<10240x128xf32, #tpu.memory_space<vmem_shared>> -> memref<128x128xf32, #tpu.memory_space<vmem_shared>>
      tpu.wait_dma2 semaphore(%run_scoped3A : memref<!tpu.dma_semaphore, #tpu.memory_space<semaphore_mem>>) src(%arg9 : memref<128x128xf32, #tpu.memory_space<vmem>>) dst(%dma_wait3A_87 : memref<128x128xf32, #tpu.memory_space<vmem_shared>>)
      tpu.yield
    }) : () -> ()
    %broadcast_in_dim3A_22 = arith.constant 0 : i32
    %broadcast_in_dim3A_23 = vector.broadcast %broadcast_in_dim3A_22 : i32 to vector<16xi32>
    %scan3A_24 = arith.constant 0 : i32
    %scan3A_25 = arith.constant 0 : i32
    %scan3A_26 = arith.constant 16 : i32
    %scan3A_27 = arith.addi %scan3A_25, %scan3A_26 : i32
    %scan3A_28 = arith.constant 1 : i32
    %scan3A_29 = scf.for %scan3A_80 = %scan3A_25 to %scan3A_27 step %scan3A_28 iter_args(%scan3A_81 = %scan3A_24) -> (i32)  : i32 {
      %mul3A_82 = arith.constant 16 : i32
      %mul3A_83 = arith.muli %mul3A_82, %scan3A_80 : i32
      %add3A_84 = arith.constant 10240 : i32
      %add3A_85 = arith.addi %add3A_84, %mul3A_83 : i32
      %swap3A = arith.index_cast %add3A_85 : i32 to index
      %swap3A_86 = tpu.vector_load %arg6[%swap3A] {strides = array<i32>} : memref<10496xi32, #tpu.memory_space<vmem>>, vector<16xi32>,
      %swap3A_87 = vector.shape_cast %swap3A_86 : vector<16xi32> to vector<16xi32>
      %swap3A_88 = vector.shape_cast %broadcast_in_dim3A_23 : vector<16xi32> to vector<16xi32>
      tpu.vector_store %arg6[%swap3A], %swap3A_88 {strides = array<i32>} : memref<10496xi32, #tpu.memory_space<vmem>>, vector<16xi32>,
      %scan3A_89 = arith.constant 0 : i32
      scf.yield %scan3A_89 : i32
    }
    %scan3A_30 = arith.constant 16 : i32
    %barrier3A = arith.constant 0 : index
    tpu.barrier barrier_id(%barrier3A)
    %dma_start3A = arith.constant 0 : i32
    %dma_start3A_31 = tpu.memref_slice %arg6[%dma_start3A] : memref<10496xi32, #tpu.memory_space<vmem>> -> memref<128xi32, #tpu.memory_space<vmem>>
    %dma_start3A_32 = arith.constant 0 : i32
    %dma_start3A_33 = arith.constant 0 : i32
    %dma_start3A_34 = tpu.memref_slice %arg2[%dma_start3A_32, %dma_start3A_33] : memref<10000x128xf32, #tpu.memory_space<hbm>> -> memref<10000x128xf32, #tpu.memory_space<hbm>>
    tpu.enqueue_indirect_dma source(%dma_start3A_34 : memref<10000x128xf32, #tpu.memory_space<hbm>>) target(%arg9 : memref<128x128xf32, #tpu.memory_space<vmem>>) offsets(%dma_start3A_31 : memref<128xi32, #tpu.memory_space<vmem>>) semaphore(%arg12 : memref<!tpu.dma_semaphore, #tpu.memory_space<semaphore_mem>>)
    %dma_start3A_35 = arith.constant 128 : i32
    %dma_start3A_36 = tpu.memref_slice %arg6[%dma_start3A_35] : memref<10496xi32, #tpu.memory_space<vmem>> -> memref<128xi32, #tpu.memory_space<vmem>>
    %dma_start3A_37 = arith.constant 0 : i32
    %dma_start3A_38 = arith.constant 0 : i32
    %dma_start3A_39 = tpu.memref_slice %arg2[%dma_start3A_37, %dma_start3A_38] : memref<10000x128xf32, #tpu.memory_space<hbm>> -> memref<10000x128xf32, #tpu.memory_space<hbm>>
    tpu.enqueue_indirect_dma source(%dma_start3A_39 : memref<10000x128xf32, #tpu.memory_space<hbm>>) target(%arg10 : memref<128x128xf32, #tpu.memory_space<vmem>>) offsets(%dma_start3A_36 : memref<128xi32, #tpu.memory_space<vmem>>) semaphore(%arg13 : memref<!tpu.dma_semaphore, #tpu.memory_space<semaphore_mem>>)
    %scan3A_40 = arith.constant 0 : i32
    %scan3A_41 = arith.constant 0 : i32
    %scan3A_42 = arith.constant 40 : i32
    %scan3A_43 = arith.addi %scan3A_41, %scan3A_42 : i32
    %scan3A_44 = arith.constant 1 : i32
    %scan3A_45 = scf.for %scan3A_80 = %scan3A_41 to %scan3A_43 step %scan3A_44 iter_args(%scan3A_81 = %scan3A_40) -> (i32)  : i32 {
      %mul3A_82 = arith.constant 2 : i32
      %mul3A_83 = arith.muli %mul3A_82, %scan3A_80 : i32
      %mul3A_84 = arith.constant 2 : i32
      %mul3A_85 = arith.muli %mul3A_84, %scan3A_80 : i32
      %add3A_86 = arith.constant 1 : i32
      %add3A_87 = arith.addi %mul3A_85, %add3A_86 : i32
      %mul3A_88 = arith.constant 128 : i32
      %mul3A_89 = arith.muli %mul3A_83, %mul3A_88 : i32
      %add3A_90 = arith.addi %mul3A_2, %mul3A_89 : i32
      "tpu.region"() ({
        %run_scoped3A = tpu.sem_alloc : memref<!tpu.dma_semaphore, #tpu.memory_space<semaphore_mem>>
        %dma_start3A_121 = tpu.memref_slice %arg4[%add3A_90] : memref<327680xi32, #tpu.memory_space<hbm>> -> memref<128xi32, #tpu.memory_space<hbm>>
        %dma_start3A_122 = tpu.memref_slice %arg4[%add3A_90] : memref<327680xi32, #tpu.memory_space<hbm>> -> memref<128xi32, #tpu.memory_space<hbm>>
        tpu.enqueue_dma source(%dma_start3A_122 : memref<128xi32, #tpu.memory_space<hbm>>) target(%arg7 : memref<128xi32, #tpu.memory_space<vmem>>) target_semaphore(%run_scoped3A : memref<!tpu.dma_semaphore, #tpu.memory_space<semaphore_mem>>)
        %dma_wait3A_123 = tpu.memref_slice %arg4[%add3A_90] : memref<327680xi32, #tpu.memory_space<hbm>> -> memref<128xi32, #tpu.memory_space<hbm>>
        %dma_wait3A_124 = tpu.memref_slice %arg4[%add3A_90] : memref<327680xi32, #tpu.memory_space<hbm>> -> memref<128xi32, #tpu.memory_space<hbm>>
        tpu.wait_dma2 semaphore(%run_scoped3A : memref<!tpu.dma_semaphore, #tpu.memory_space<semaphore_mem>>) src(%dma_wait3A_124 : memref<128xi32, #tpu.memory_space<hbm>>) dst(%arg7 : memref<128xi32, #tpu.memory_space<vmem>>)
        tpu.yield
      }) : () -> ()
      %dma_wait3A_91 = arith.constant 0 : i32
      %dma_wait3A_92 = tpu.memref_slice %arg6[%dma_wait3A_91] : memref<10496xi32, #tpu.memory_space<vmem>> -> memref<128xi32, #tpu.memory_space<vmem>>
      %dma_wait3A_93 = arith.constant 0 : i32
      %dma_wait3A_94 = arith.constant 0 : i32
      %dma_wait3A_95 = tpu.memref_slice %arg2[%dma_wait3A_93, %dma_wait3A_94] : memref<10000x128xf32, #tpu.memory_space<hbm>> -> memref<10000x128xf32, #tpu.memory_space<hbm>>
      tpu.wait_indirect_dma semaphore(%arg12 : memref<!tpu.dma_semaphore, #tpu.memory_space<semaphore_mem>>) src(%dma_wait3A_95 : memref<10000x128xf32, #tpu.memory_space<hbm>>) dst(%arg9 : memref<128x128xf32, #tpu.memory_space<vmem>>)
      "tpu.region"() ({
        %run_scoped3A = tpu.sem_alloc : memref<!tpu.dma_semaphore, #tpu.memory_space<semaphore_mem>>
        %dma_start3A_121 = arith.constant 0 : i32
        %dma_start3A_122 = arith.constant 0 : i32
        %dma_start3A_123 = tpu.memref_slice %arg11[%dma_start3A_121, %dma_start3A_122] : memref<10240x128xf32, #tpu.memory_space<vmem_shared>> -> memref<10240x128xf32, #tpu.memory_space<vmem_shared>>
        tpu.enqueue_indirect_dma source(%arg9 : memref<128x128xf32, #tpu.memory_space<vmem>>) target(%dma_start3A_123 : memref<10240x128xf32, #tpu.memory_space<vmem_shared>>) offsets(%arg7 : memref<128xi32, #tpu.memory_space<vmem>>) semaphore(%run_scoped3A : memref<!tpu.dma_semaphore, #tpu.memory_space<semaphore_mem>>) {add = true}
        %dma_wait3A_124 = arith.constant 0 : i32
        %dma_wait3A_125 = arith.constant 0 : i32
        %dma_wait3A_126 = tpu.memref_slice %arg11[%dma_wait3A_124, %dma_wait3A_125] : memref<10240x128xf32, #tpu.memory_space<vmem_shared>> -> memref<10240x128xf32, #tpu.memory_space<vmem_shared>>
        tpu.wait_indirect_dma semaphore(%run_scoped3A : memref<!tpu.dma_semaphore, #tpu.memory_space<semaphore_mem>>) src(%arg9 : memref<128x128xf32, #tpu.memory_space<vmem>>) dst(%dma_wait3A_126 : memref<10240x128xf32, #tpu.memory_space<vmem_shared>>)
        tpu.yield
      }) : () -> ()
      %add3A_96 = arith.constant 2 : i32
      %add3A_97 = arith.addi %mul3A_83, %add3A_96 : i32
      %mul3A_98 = arith.constant 128 : i32
      %mul3A_99 = arith.muli %add3A_97, %mul3A_98 : i32
      %dma_start3A_100 = tpu.memref_slice %arg6[%mul3A_99] : memref<10496xi32, #tpu.memory_space<vmem>> -> memref<128xi32, #tpu.memory_space<vmem>>
      %dma_start3A_101 = arith.constant 0 : i32
      %dma_start3A_102 = arith.constant 0 : i32
      %dma_start3A_103 = tpu.memref_slice %arg2[%dma_start3A_101, %dma_start3A_102] : memref<10000x128xf32, #tpu.memory_space<hbm>> -> memref<10000x128xf32, #tpu.memory_space<hbm>>
      tpu.enqueue_indirect_dma source(%dma_start3A_103 : memref<10000x128xf32, #tpu.memory_space<hbm>>) target(%arg9 : memref<128x128xf32, #tpu.memory_space<vmem>>) offsets(%dma_start3A_100 : memref<128xi32, #tpu.memory_space<vmem>>) semaphore(%arg12 : memref<!tpu.dma_semaphore, #tpu.memory_space<semaphore_mem>>)
      %mul3A_104 = arith.constant 128 : i32
      %mul3A_105 = arith.muli %add3A_87, %mul3A_104 : i32
      %add3A_106 = arith.addi %mul3A_2, %mul3A_105 : i32
      "tpu.region"() ({
        %run_scoped3A = tpu.sem_alloc : memref<!tpu.dma_semaphore, #tpu.memory_space<semaphore_mem>>
        %dma_start3A_121 = tpu.memref_slice %arg4[%add3A_106] : memref<327680xi32, #tpu.memory_space<hbm>> -> memref<128xi32, #tpu.memory_space<hbm>>
        %dma_start3A_122 = tpu.memref_slice %arg4[%add3A_106] : memref<327680xi32, #tpu.memory_space<hbm>> -> memref<128xi32, #tpu.memory_space<hbm>>
        tpu.enqueue_dma source(%dma_start3A_122 : memref<128xi32, #tpu.memory_space<hbm>>) target(%arg8 : memref<128xi32, #tpu.memory_space<vmem>>) target_semaphore(%run_scoped3A : memref<!tpu.dma_semaphore, #tpu.memory_space<semaphore_mem>>)
        %dma_wait3A_123 = tpu.memref_slice %arg4[%add3A_106] : memref<327680xi32, #tpu.memory_space<hbm>> -> memref<128xi32, #tpu.memory_space<hbm>>
        %dma_wait3A_124 = tpu.memref_slice %arg4[%add3A_106] : memref<327680xi32, #tpu.memory_space<hbm>> -> memref<128xi32, #tpu.memory_space<hbm>>
        tpu.wait_dma2 semaphore(%run_scoped3A : memref<!tpu.dma_semaphore, #tpu.memory_space<semaphore_mem>>) src(%dma_wait3A_124 : memref<128xi32, #tpu.memory_space<hbm>>) dst(%arg8 : memref<128xi32, #tpu.memory_space<vmem>>)
        tpu.yield
      }) : () -> ()
      %dma_wait3A_107 = arith.constant 0 : i32
      %dma_wait3A_108 = tpu.memref_slice %arg6[%dma_wait3A_107] : memref<10496xi32, #tpu.memory_space<vmem>> -> memref<128xi32, #tpu.memory_space<vmem>>
      %dma_wait3A_109 = arith.constant 0 : i32
      %dma_wait3A_110 = arith.constant 0 : i32
      %dma_wait3A_111 = tpu.memref_slice %arg2[%dma_wait3A_109, %dma_wait3A_110] : memref<10000x128xf32, #tpu.memory_space<hbm>> -> memref<10000x128xf32, #tpu.memory_space<hbm>>
      tpu.wait_indirect_dma semaphore(%arg13 : memref<!tpu.dma_semaphore, #tpu.memory_space<semaphore_mem>>) src(%dma_wait3A_111 : memref<10000x128xf32, #tpu.memory_space<hbm>>) dst(%arg10 : memref<128x128xf32, #tpu.memory_space<vmem>>)
      "tpu.region"() ({
        %run_scoped3A = tpu.sem_alloc : memref<!tpu.dma_semaphore, #tpu.memory_space<semaphore_mem>>
        %dma_start3A_121 = arith.constant 0 : i32
        %dma_start3A_122 = arith.constant 0 : i32
        %dma_start3A_123 = tpu.memref_slice %arg11[%dma_start3A_121, %dma_start3A_122] : memref<10240x128xf32, #tpu.memory_space<vmem_shared>> -> memref<10240x128xf32, #tpu.memory_space<vmem_shared>>
        tpu.enqueue_indirect_dma source(%arg10 : memref<128x128xf32, #tpu.memory_space<vmem>>) target(%dma_start3A_123 : memref<10240x128xf32, #tpu.memory_space<vmem_shared>>) offsets(%arg8 : memref<128xi32, #tpu.memory_space<vmem>>) semaphore(%run_scoped3A : memref<!tpu.dma_semaphore, #tpu.memory_space<semaphore_mem>>) {add = true}
        %dma_wait3A_124 = arith.constant 0 : i32
        %dma_wait3A_125 = arith.constant 0 : i32
        %dma_wait3A_126 = tpu.memref_slice %arg11[%dma_wait3A_124, %dma_wait3A_125] : memref<10240x128xf32, #tpu.memory_space<vmem_shared>> -> memref<10240x128xf32, #tpu.memory_space<vmem_shared>>
        tpu.wait_indirect_dma semaphore(%run_scoped3A : memref<!tpu.dma_semaphore, #tpu.memory_space<semaphore_mem>>) src(%arg10 : memref<128x128xf32, #tpu.memory_space<vmem>>) dst(%dma_wait3A_126 : memref<10240x128xf32, #tpu.memory_space<vmem_shared>>)
        tpu.yield
      }) : () -> ()
      %add3A_112 = arith.constant 2 : i32
      %add3A_113 = arith.addi %add3A_87, %add3A_112 : i32
      %mul3A_114 = arith.constant 128 : i32
      %mul3A_115 = arith.muli %add3A_113, %mul3A_114 : i32
      %dma_start3A_116 = tpu.memref_slice %arg6[%mul3A_115] : memref<10496xi32, #tpu.memory_space<vmem>> -> memref<128xi32, #tpu.memory_space<vmem>>
      %dma_start3A_117 = arith.constant 0 : i32
      %dma_start3A_118 = arith.constant 0 : i32
      %dma_start3A_119 = tpu.memref_slice %arg2[%dma_start3A_117, %dma_start3A_118] : memref<10000x128xf32, #tpu.memory_space<hbm>> -> memref<10000x128xf32, #tpu.memory_space<hbm>>
      tpu.enqueue_indirect_dma source(%dma_start3A_119 : memref<10000x128xf32, #tpu.memory_space<hbm>>) target(%arg10 : memref<128x128xf32, #tpu.memory_space<vmem>>) offsets(%dma_start3A_116 : memref<128xi32, #tpu.memory_space<vmem>>) semaphore(%arg13 : memref<!tpu.dma_semaphore, #tpu.memory_space<semaphore_mem>>)
      %scan3A_120 = arith.constant 0 : i32
      scf.yield %scan3A_120 : i32
    }
    %scan3A_46 = arith.constant 40 : i32
    %dma_wait3A = arith.constant 0 : i32
    %dma_wait3A_47 = tpu.memref_slice %arg6[%dma_wait3A] : memref<10496xi32, #tpu.memory_space<vmem>> -> memref<128xi32, #tpu.memory_space<vmem>>
    %dma_wait3A_48 = arith.constant 0 : i32
    %dma_wait3A_49 = arith.constant 0 : i32
    %dma_wait3A_50 = tpu.memref_slice %arg2[%dma_wait3A_48, %dma_wait3A_49] : memref<10000x128xf32, #tpu.memory_space<hbm>> -> memref<10000x128xf32, #tpu.memory_space<hbm>>
    tpu.wait_indirect_dma semaphore(%arg12 : memref<!tpu.dma_semaphore, #tpu.memory_space<semaphore_mem>>) src(%dma_wait3A_50 : memref<10000x128xf32, #tpu.memory_space<hbm>>) dst(%arg9 : memref<128x128xf32, #tpu.memory_space<vmem>>)
    %dma_wait3A_51 = arith.constant 0 : i32
    %dma_wait3A_52 = tpu.memref_slice %arg6[%dma_wait3A_51] : memref<10496xi32, #tpu.memory_space<vmem>> -> memref<128xi32, #tpu.memory_space<vmem>>
    %dma_wait3A_53 = arith.constant 0 : i32
    %dma_wait3A_54 = arith.constant 0 : i32
    %dma_wait3A_55 = tpu.memref_slice %arg2[%dma_wait3A_53, %dma_wait3A_54] : memref<10000x128xf32, #tpu.memory_space<hbm>> -> memref<10000x128xf32, #tpu.memory_space<hbm>>
    tpu.wait_indirect_dma semaphore(%arg13 : memref<!tpu.dma_semaphore, #tpu.memory_space<semaphore_mem>>) src(%dma_wait3A_55 : memref<10000x128xf32, #tpu.memory_space<hbm>>) dst(%arg10 : memref<128x128xf32, #tpu.memory_space<vmem>>)
    %barrier3A_56 = arith.constant 0 : index
    tpu.barrier barrier_id(%barrier3A_56)
    %mul3A_57 = arith.constant 10240 : i32
    %mul3A_58 = arith.muli %arg0, %mul3A_57 : i32
    %add3A_59 = arith.addi %mul3A_58, %mul3A_4 : i32
    %add3A_60 = arith.constant 0 : i32
    %add3A_61 = arith.addi %mul3A_4, %add3A_60 : i32
    "tpu.region"() ({
      %run_scoped3A = tpu.sem_alloc : memref<!tpu.dma_semaphore, #tpu.memory_space<semaphore_mem>>
      %dma_start3A_80 = arith.constant 0 : i32
      %dma_start3A_81 = tpu.memref_slice %arg11[%add3A_61, %dma_start3A_80] : memref<10240x128xf32, #tpu.memory_space<vmem_shared>> -> memref<128x128xf32, #tpu.memory_space<vmem_shared>>
      %dma_start3A_82 = arith.constant 0 : i32
      %dma_start3A_83 = tpu.memref_slice %arg11[%add3A_61, %dma_start3A_82] : memref<10240x128xf32, #tpu.memory_space<vmem_shared>> -> memref<128x128xf32, #tpu.memory_space<vmem_shared>>
      tpu.enqueue_dma source(%dma_start3A_83 : memref<128x128xf32, #tpu.memory_space<vmem_shared>>) target(%arg9 : memref<128x128xf32, #tpu.memory_space<vmem>>) target_semaphore(%run_scoped3A : memref<!tpu.dma_semaphore, #tpu.memory_space<semaphore_mem>>)
      %dma_wait3A_84 = arith.constant 0 : i32
      %dma_wait3A_85 = tpu.memref_slice %arg11[%add3A_61, %dma_wait3A_84] : memref<10240x128xf32, #tpu.memory_space<vmem_shared>> -> memref<128x128xf32, #tpu.memory_space<vmem_shared>>
      %dma_wait3A_86 = arith.constant 0 : i32
      %dma_wait3A_87 = tpu.memref_slice %arg11[%add3A_61, %dma_wait3A_86] : memref<10240x128xf32, #tpu.memory_space<vmem_shared>> -> memref<128x128xf32, #tpu.memory_space<vmem_shared>>
      tpu.wait_dma2 semaphore(%run_scoped3A : memref<!tpu.dma_semaphore, #tpu.memory_space<semaphore_mem>>) src(%dma_wait3A_87 : memref<128x128xf32, #tpu.memory_space<vmem_shared>>) dst(%arg9 : memref<128x128xf32, #tpu.memory_space<vmem>>)
      tpu.yield
    }) : () -> ()
    %add3A_62 = arith.constant 0 : i32
    %add3A_63 = arith.addi %add3A_59, %add3A_62 : i32
    "tpu.region"() ({
      %run_scoped3A = tpu.sem_alloc : memref<!tpu.dma_semaphore, #tpu.memory_space<semaphore_mem>>
      %dma_start3A_80 = arith.constant 0 : i32
      %dma_start3A_81 = tpu.memref_slice %arg5[%add3A_63, %dma_start3A_80] : memref<20480x128xf32, #tpu.memory_space<hbm>> -> memref<128x128xf32, #tpu.memory_space<hbm>>
      %dma_start3A_82 = arith.constant 0 : i32
      %dma_start3A_83 = tpu.memref_slice %arg5[%add3A_63, %dma_start3A_82] : memref<20480x128xf32, #tpu.memory_space<hbm>> -> memref<128x128xf32, #tpu.memory_space<hbm>>
      tpu.enqueue_dma source(%arg9 : memref<128x128xf32, #tpu.memory_space<vmem>>) target(%dma_start3A_83 : memref<128x128xf32, #tpu.memory_space<hbm>>) target_semaphore(%run_scoped3A : memref<!tpu.dma_semaphore, #tpu.memory_space<semaphore_mem>>)
      %dma_wait3A_84 = arith.constant 0 : i32
      %dma_wait3A_85 = tpu.memref_slice %arg5[%add3A_63, %dma_wait3A_84] : memref<20480x128xf32, #tpu.memory_space<hbm>> -> memref<128x128xf32, #tpu.memory_space<hbm>>
      %dma_wait3A_86 = arith.constant 0 : i32
      %dma_wait3A_87 = tpu.memref_slice %arg5[%add3A_63, %dma_wait3A_86] : memref<20480x128xf32, #tpu.memory_space<hbm>> -> memref<128x128xf32, #tpu.memory_space<hbm>>
      tpu.wait_dma2 semaphore(%run_scoped3A : memref<!tpu.dma_semaphore, #tpu.memory_space<semaphore_mem>>) src(%arg9 : memref<128x128xf32, #tpu.memory_space<vmem>>) dst(%dma_wait3A_87 : memref<128x128xf32, #tpu.memory_space<hbm>>)
      tpu.yield
    }) : () -> ()
    %add3A_64 = arith.constant 128 : i32
    %add3A_65 = arith.addi %mul3A_4, %add3A_64 : i32
    "tpu.region"() ({
      %run_scoped3A = tpu.sem_alloc : memref<!tpu.dma_semaphore, #tpu.memory_space<semaphore_mem>>
      %dma_start3A_80 = arith.constant 0 : i32
      %dma_start3A_81 = tpu.memref_slice %arg11[%add3A_65, %dma_start3A_80] : memref<10240x128xf32, #tpu.memory_space<vmem_shared>> -> memref<128x128xf32, #tpu.memory_space<vmem_shared>>
      %dma_start3A_82 = arith.constant 0 : i32
      %dma_start3A_83 = tpu.memref_slice %arg11[%add3A_65, %dma_start3A_82] : memref<10240x128xf32, #tpu.memory_space<vmem_shared>> -> memref<128x128xf32, #tpu.memory_space<vmem_shared>>
      tpu.enqueue_dma source(%dma_start3A_83 : memref<128x128xf32, #tpu.memory_space<vmem_shared>>) target(%arg10 : memref<128x128xf32, #tpu.memory_space<vmem>>) target_semaphore(%run_scoped3A : memref<!tpu.dma_semaphore, #tpu.memory_space<semaphore_mem>>)
      %dma_wait3A_84 = arith.constant 0 : i32
      %dma_wait3A_85 = tpu.memref_slice %arg11[%add3A_65, %dma_wait3A_84] : memref<10240x128xf32, #tpu.memory_space<vmem_shared>> -> memref<128x128xf32, #tpu.memory_space<vmem_shared>>
      %dma_wait3A_86 = arith.constant 0 : i32
      %dma_wait3A_87 = tpu.memref_slice %arg11[%add3A_65, %dma_wait3A_86] : memref<10240x128xf32, #tpu.memory_space<vmem_shared>> -> memref<128x128xf32, #tpu.memory_space<vmem_shared>>
      tpu.wait_dma2 semaphore(%run_scoped3A : memref<!tpu.dma_semaphore, #tpu.memory_space<semaphore_mem>>) src(%dma_wait3A_87 : memref<128x128xf32, #tpu.memory_space<vmem_shared>>) dst(%arg10 : memref<128x128xf32, #tpu.memory_space<vmem>>)
      tpu.yield
    }) : () -> ()
    %add3A_66 = arith.constant 128 : i32
    %add3A_67 = arith.addi %add3A_59, %add3A_66 : i32
    "tpu.region"() ({
      %run_scoped3A = tpu.sem_alloc : memref<!tpu.dma_semaphore, #tpu.memory_space<semaphore_mem>>
      %dma_start3A_80 = arith.constant 0 : i32
      %dma_start3A_81 = tpu.memref_slice %arg5[%add3A_67, %dma_start3A_80] : memref<20480x128xf32, #tpu.memory_space<hbm>> -> memref<128x128xf32, #tpu.memory_space<hbm>>
      %dma_start3A_82 = arith.constant 0 : i32
      %dma_start3A_83 = tpu.memref_slice %arg5[%add3A_67, %dma_start3A_82] : memref<20480x128xf32, #tpu.memory_space<hbm>> -> memref<128x128xf32, #tpu.memory_space<hbm>>
      tpu.enqueue_dma source(%arg10 : memref<128x128xf32, #tpu.memory_space<vmem>>) target(%dma_start3A_83 : memref<128x128xf32, #tpu.memory_space<hbm>>) target_semaphore(%run_scoped3A : memref<!tpu.dma_semaphore, #tpu.memory_space<semaphore_mem>>)
      %dma_wait3A_84 = arith.constant 0 : i32
      %dma_wait3A_85 = tpu.memref_slice %arg5[%add3A_67, %dma_wait3A_84] : memref<20480x128xf32, #tpu.memory_space<hbm>> -> memref<128x128xf32, #tpu.memory_space<hbm>>
      %dma_wait3A_86 = arith.constant 0 : i32
      %dma_wait3A_87 = tpu.memref_slice %arg5[%add3A_67, %dma_wait3A_86] : memref<20480x128xf32, #tpu.memory_space<hbm>> -> memref<128x128xf32, #tpu.memory_space<hbm>>
      tpu.wait_dma2 semaphore(%run_scoped3A : memref<!tpu.dma_semaphore, #tpu.memory_space<semaphore_mem>>) src(%arg10 : memref<128x128xf32, #tpu.memory_space<vmem>>) dst(%dma_wait3A_87 : memref<128x128xf32, #tpu.memory_space<hbm>>)
      tpu.yield
    }) : () -> ()
    %add3A_68 = arith.constant 256 : i32
    %add3A_69 = arith.addi %mul3A_4, %add3A_68 : i32
    "tpu.region"() ({
      %run_scoped3A = tpu.sem_alloc : memref<!tpu.dma_semaphore, #tpu.memory_space<semaphore_mem>>
      %dma_start3A_80 = arith.constant 0 : i32
      %dma_start3A_81 = tpu.memref_slice %arg11[%add3A_69, %dma_start3A_80] : memref<10240x128xf32, #tpu.memory_space<vmem_shared>> -> memref<128x128xf32, #tpu.memory_space<vmem_shared>>
      %dma_start3A_82 = arith.constant 0 : i32
      %dma_start3A_83 = tpu.memref_slice %arg11[%add3A_69, %dma_start3A_82] : memref<10240x128xf32, #tpu.memory_space<vmem_shared>> -> memref<128x128xf32, #tpu.memory_space<vmem_shared>>
      tpu.enqueue_dma source(%dma_start3A_83 : memref<128x128xf32, #tpu.memory_space<vmem_shared>>) target(%arg9 : memref<128x128xf32, #tpu.memory_space<vmem>>) target_semaphore(%run_scoped3A : memref<!tpu.dma_semaphore, #tpu.memory_space<semaphore_mem>>)
      %dma_wait3A_84 = arith.constant 0 : i32
      %dma_wait3A_85 = tpu.memref_slice %arg11[%add3A_69, %dma_wait3A_84] : memref<10240x128xf32, #tpu.memory_space<vmem_shared>> -> memref<128x128xf32, #tpu.memory_space<vmem_shared>>
      %dma_wait3A_86 = arith.constant 0 : i32
      %dma_wait3A_87 = tpu.memref_slice %arg11[%add3A_69, %dma_wait3A_86] : memref<10240x128xf32, #tpu.memory_space<vmem_shared>> -> memref<128x128xf32, #tpu.memory_space<vmem_shared>>
      tpu.wait_dma2 semaphore(%run_scoped3A : memref<!tpu.dma_semaphore, #tpu.memory_space<semaphore_mem>>) src(%dma_wait3A_87 : memref<128x128xf32, #tpu.memory_space<vmem_shared>>) dst(%arg9 : memref<128x128xf32, #tpu.memory_space<vmem>>)
      tpu.yield
    }) : () -> ()
    %add3A_70 = arith.constant 256 : i32
    %add3A_71 = arith.addi %add3A_59, %add3A_70 : i32
    "tpu.region"() ({
      %run_scoped3A = tpu.sem_alloc : memref<!tpu.dma_semaphore, #tpu.memory_space<semaphore_mem>>
      %dma_start3A_80 = arith.constant 0 : i32
      %dma_start3A_81 = tpu.memref_slice %arg5[%add3A_71, %dma_start3A_80] : memref<20480x128xf32, #tpu.memory_space<hbm>> -> memref<128x128xf32, #tpu.memory_space<hbm>>
      %dma_start3A_82 = arith.constant 0 : i32
      %dma_start3A_83 = tpu.memref_slice %arg5[%add3A_71, %dma_start3A_82] : memref<20480x128xf32, #tpu.memory_space<hbm>> -> memref<128x128xf32, #tpu.memory_space<hbm>>
      tpu.enqueue_dma source(%arg9 : memref<128x128xf32, #tpu.memory_space<vmem>>) target(%dma_start3A_83 : memref<128x128xf32, #tpu.memory_space<hbm>>) target_semaphore(%run_scoped3A : memref<!tpu.dma_semaphore, #tpu.memory_space<semaphore_mem>>)
      %dma_wait3A_84 = arith.constant 0 : i32
      %dma_wait3A_85 = tpu.memref_slice %arg5[%add3A_71, %dma_wait3A_84] : memref<20480x128xf32, #tpu.memory_space<hbm>> -> memref<128x128xf32, #tpu.memory_space<hbm>>
      %dma_wait3A_86 = arith.constant 0 : i32
      %dma_wait3A_87 = tpu.memref_slice %arg5[%add3A_71, %dma_wait3A_86] : memref<20480x128xf32, #tpu.memory_space<hbm>> -> memref<128x128xf32, #tpu.memory_space<hbm>>
      tpu.wait_dma2 semaphore(%run_scoped3A : memref<!tpu.dma_semaphore, #tpu.memory_space<semaphore_mem>>) src(%arg9 : memref<128x128xf32, #tpu.memory_space<vmem>>) dst(%dma_wait3A_87 : memref<128x128xf32, #tpu.memory_space<hbm>>)
      tpu.yield
    }) : () -> ()
    %add3A_72 = arith.constant 384 : i32
    %add3A_73 = arith.addi %mul3A_4, %add3A_72 : i32
    "tpu.region"() ({
      %run_scoped3A = tpu.sem_alloc : memref<!tpu.dma_semaphore, #tpu.memory_space<semaphore_mem>>
      %dma_start3A_80 = arith.constant 0 : i32
      %dma_start3A_81 = tpu.memref_slice %arg11[%add3A_73, %dma_start3A_80] : memref<10240x128xf32, #tpu.memory_space<vmem_shared>> -> memref<128x128xf32, #tpu.memory_space<vmem_shared>>
      %dma_start3A_82 = arith.constant 0 : i32
      %dma_start3A_83 = tpu.memref_slice %arg11[%add3A_73, %dma_start3A_82] : memref<10240x128xf32, #tpu.memory_space<vmem_shared>> -> memref<128x128xf32, #tpu.memory_space<vmem_shared>>
      tpu.enqueue_dma source(%dma_start3A_83 : memref<128x128xf32, #tpu.memory_space<vmem_shared>>) target(%arg10 : memref<128x128xf32, #tpu.memory_space<vmem>>) target_semaphore(%run_scoped3A : memref<!tpu.dma_semaphore, #tpu.memory_space<semaphore_mem>>)
      %dma_wait3A_84 = arith.constant 0 : i32
      %dma_wait3A_85 = tpu.memref_slice %arg11[%add3A_73, %dma_wait3A_84] : memref<10240x128xf32, #tpu.memory_space<vmem_shared>> -> memref<128x128xf32, #tpu.memory_space<vmem_shared>>
      %dma_wait3A_86 = arith.constant 0 : i32
      %dma_wait3A_87 = tpu.memref_slice %arg11[%add3A_73, %dma_wait3A_86] : memref<10240x128xf32, #tpu.memory_space<vmem_shared>> -> memref<128x128xf32, #tpu.memory_space<vmem_shared>>
      tpu.wait_dma2 semaphore(%run_scoped3A : memref<!tpu.dma_semaphore, #tpu.memory_space<semaphore_mem>>) src(%dma_wait3A_87 : memref<128x128xf32, #tpu.memory_space<vmem_shared>>) dst(%arg10 : memref<128x128xf32, #tpu.memory_space<vmem>>)
      tpu.yield
    }) : () -> ()
    %add3A_74 = arith.constant 384 : i32
    %add3A_75 = arith.addi %add3A_59, %add3A_74 : i32
    "tpu.region"() ({
      %run_scoped3A = tpu.sem_alloc : memref<!tpu.dma_semaphore, #tpu.memory_space<semaphore_mem>>
      %dma_start3A_80 = arith.constant 0 : i32
      %dma_start3A_81 = tpu.memref_slice %arg5[%add3A_75, %dma_start3A_80] : memref<20480x128xf32, #tpu.memory_space<hbm>> -> memref<128x128xf32, #tpu.memory_space<hbm>>
      %dma_start3A_82 = arith.constant 0 : i32
      %dma_start3A_83 = tpu.memref_slice %arg5[%add3A_75, %dma_start3A_82] : memref<20480x128xf32, #tpu.memory_space<hbm>> -> memref<128x128xf32, #tpu.memory_space<hbm>>
      tpu.enqueue_dma source(%arg10 : memref<128x128xf32, #tpu.memory_space<vmem>>) target(%dma_start3A_83 : memref<128x128xf32, #tpu.memory_space<hbm>>) target_semaphore(%run_scoped3A : memref<!tpu.dma_semaphore, #tpu.memory_space<semaphore_mem>>)
      %dma_wait3A_84 = arith.constant 0 : i32
      %dma_wait3A_85 = tpu.memref_slice %arg5[%add3A_75, %dma_wait3A_84] : memref<20480x128xf32, #tpu.memory_space<hbm>> -> memref<128x128xf32, #tpu.memory_space<hbm>>
      %dma_wait3A_86 = arith.constant 0 : i32
      %dma_wait3A_87 = tpu.memref_slice %arg5[%add3A_75, %dma_wait3A_86] : memref<20480x128xf32, #tpu.memory_space<hbm>> -> memref<128x128xf32, #tpu.memory_space<hbm>>
      tpu.wait_dma2 semaphore(%run_scoped3A : memref<!tpu.dma_semaphore, #tpu.memory_space<semaphore_mem>>) src(%arg10 : memref<128x128xf32, #tpu.memory_space<vmem>>) dst(%dma_wait3A_87 : memref<128x128xf32, #tpu.memory_space<hbm>>)
      tpu.yield
    }) : () -> ()
    %add3A_76 = arith.constant 512 : i32
    %add3A_77 = arith.addi %mul3A_4, %add3A_76 : i32
    "tpu.region"() ({
      %run_scoped3A = tpu.sem_alloc : memref<!tpu.dma_semaphore, #tpu.memory_space<semaphore_mem>>
      %dma_start3A_80 = arith.constant 0 : i32
      %dma_start3A_81 = tpu.memref_slice %arg11[%add3A_77, %dma_start3A_80] : memref<10240x128xf32, #tpu.memory_space<vmem_shared>> -> memref<128x128xf32, #tpu.memory_space<vmem_shared>>
      %dma_start3A_82 = arith.constant 0 : i32
      %dma_start3A_83 = tpu.memref_slice %arg11[%add3A_77, %dma_start3A_82] : memref<10240x128xf32, #tpu.memory_space<vmem_shared>> -> memref<128x128xf32, #tpu.memory_space<vmem_shared>>
      tpu.enqueue_dma source(%dma_start3A_83 : memref<128x128xf32, #tpu.memory_space<vmem_shared>>) target(%arg9 : memref<128x128xf32, #tpu.memory_space<vmem>>) target_semaphore(%run_scoped3A : memref<!tpu.dma_semaphore, #tpu.memory_space<semaphore_mem>>)
      %dma_wait3A_84 = arith.constant 0 : i32
      %dma_wait3A_85 = tpu.memref_slice %arg11[%add3A_77, %dma_wait3A_84] : memref<10240x128xf32, #tpu.memory_space<vmem_shared>> -> memref<128x128xf32, #tpu.memory_space<vmem_shared>>
      %dma_wait3A_86 = arith.constant 0 : i32
      %dma_wait3A_87 = tpu.memref_slice %arg11[%add3A_77, %dma_wait3A_86] : memref<10240x128xf32, #tpu.memory_space<vmem_shared>> -> memref<128x128xf32, #tpu.memory_space<vmem_shared>>
      tpu.wait_dma2 semaphore(%run_scoped3A : memref<!tpu.dma_semaphore, #tpu.memory_space<semaphore_mem>>) src(%dma_wait3A_87 : memref<128x128xf32, #tpu.memory_space<vmem_shared>>) dst(%arg9 : memref<128x128xf32, #tpu.memory_space<vmem>>)
      tpu.yield
    }) : () -> ()
    %add3A_78 = arith.constant 512 : i32
    %add3A_79 = arith.addi %add3A_59, %add3A_78 : i32
    "tpu.region"() ({
      %run_scoped3A = tpu.sem_alloc : memref<!tpu.dma_semaphore, #tpu.memory_space<semaphore_mem>>
      %dma_start3A_80 = arith.constant 0 : i32
      %dma_start3A_81 = tpu.memref_slice %arg5[%add3A_79, %dma_start3A_80] : memref<20480x128xf32, #tpu.memory_space<hbm>> -> memref<128x128xf32, #tpu.memory_space<hbm>>
      %dma_start3A_82 = arith.constant 0 : i32
      %dma_start3A_83 = tpu.memref_slice %arg5[%add3A_79, %dma_start3A_82] : memref<20480x128xf32, #tpu.memory_space<hbm>> -> memref<128x128xf32, #tpu.memory_space<hbm>>
      tpu.enqueue_dma source(%arg9 : memref<128x128xf32, #tpu.memory_space<vmem>>) target(%dma_start3A_83 : memref<128x128xf32, #tpu.memory_space<hbm>>) target_semaphore(%run_scoped3A : memref<!tpu.dma_semaphore, #tpu.memory_space<semaphore_mem>>)
      %dma_wait3A_84 = arith.constant 0 : i32
      %dma_wait3A_85 = tpu.memref_slice %arg5[%add3A_79, %dma_wait3A_84] : memref<20480x128xf32, #tpu.memory_space<hbm>> -> memref<128x128xf32, #tpu.memory_space<hbm>>
      %dma_wait3A_86 = arith.constant 0 : i32
      %dma_wait3A_87 = tpu.memref_slice %arg5[%add3A_79, %dma_wait3A_86] : memref<20480x128xf32, #tpu.memory_space<hbm>> -> memref<128x128xf32, #tpu.memory_space<hbm>>
      tpu.wait_dma2 semaphore(%run_scoped3A : memref<!tpu.dma_semaphore, #tpu.memory_space<semaphore_mem>>) src(%arg9 : memref<128x128xf32, #tpu.memory_space<vmem>>) dst(%dma_wait3A_87 : memref<128x128xf32, #tpu.memory_space<hbm>>)
      tpu.yield
    }) : () -> ()
    return
  }
}

#map = affine_map<(d0, d1) -> (0, 0)>
#map1 = affine_map<(d0, d1) -> (0)>
module attributes {stable_mosaic.version = 14 : i64} {
  func.func @_agg_body(%arg0: i32, %arg1: i32, %arg2: memref<10000x128xf32, #tpu.memory_space<hbm>>, %arg3: memref<327680xi32, #tpu.memory_space<hbm>>, %arg4: memref<327680xi32, #tpu.memory_space<hbm>>, %arg5: memref<20480x128xf32, #tpu.memory_space<hbm>>, %arg6: memref<10496xi32, #tpu.memory_space<vmem>>, %arg7: memref<128xi32, #tpu.memory_space<vmem>>, %arg8: memref<128xi32, #tpu.memory_space<vmem>>, %arg9: memref<128x128xf32, #tpu.memory_space<vmem>>, %arg10: memref<128x128xf32, #tpu.memory_space<vmem>>, %arg11: memref<10240x128xf32, #tpu.memory_space<vmem_shared>>, %arg12: memref<!tpu.dma_semaphore, #tpu.memory_space<semaphore_mem>>, %arg13: memref<!tpu.dma_semaphore, #tpu.memory_space<semaphore_mem>>) attributes {dimension_semantics = [#tpu.dimension_semantics<core_parallel>, #tpu.dimension_semantics<subcore_parallel>], iteration_bounds = array<i64: 2, 16>, scalar_prefetch = 0 : i64, scratch_operands = 8 : i64, tpu.core_type = #tpu.core_type<sc_vector_subcore>, window_params = [{transform_indices = #map}, {transform_indices = #map1}, {transform_indices = #map1}, {transform_indices = #map}]} {
    %mul3A = arith.constant 16 : i32
    %mul3A_0 = arith.muli %arg0, %mul3A : i32
    %add3A = arith.addi %mul3A_0, %arg1 : i32
    %mul3A_1 = arith.constant 10240 : i32
    %mul3A_2 = arith.muli %add3A, %mul3A_1 : i32
    %mul3A_3 = arith.constant 640 : i32
    %mul3A_4 = arith.muli %arg1, %mul3A_3 : i32
    "tpu.region"() ({
      %run_scoped3A = tpu.sem_alloc : memref<!tpu.dma_semaphore, #tpu.memory_space<semaphore_mem>>
      %dma_start3A_80 = arith.constant 0 : i32
      %dma_start3A_81 = tpu.memref_slice %arg6[%dma_start3A_80] : memref<10496xi32, #tpu.memory_space<vmem>> -> memref<10240xi32, #tpu.memory_space<vmem>>
      %dma_start3A_82 = tpu.memref_slice %arg3[%mul3A_2] : memref<327680xi32, #tpu.memory_space<hbm>> -> memref<10240xi32, #tpu.memory_space<hbm>>
      %dma_start3A_83 = arith.constant 0 : i32
      %dma_start3A_84 = tpu.memref_slice %arg6[%dma_start3A_83] : memref<10496xi32, #tpu.memory_space<vmem>> -> memref<10240xi32, #tpu.memory_space<vmem>>
      %dma_start3A_85 = tpu.memref_slice %arg3[%mul3A_2] : memref<327680xi32, #tpu.memory_space<hbm>> -> memref<10240xi32, #tpu.memory_space<hbm>>
      tpu.enqueue_dma source(%dma_start3A_85 : memref<10240xi32, #tpu.memory_space<hbm>>) target(%dma_start3A_84 : memref<10240xi32, #tpu.memory_space<vmem>>) target_semaphore(%run_scoped3A : memref<!tpu.dma_semaphore, #tpu.memory_space<semaphore_mem>>)
      %dma_wait3A_86 = arith.constant 0 : i32
      %dma_wait3A_87 = tpu.memref_slice %arg6[%dma_wait3A_86] : memref<10496xi32, #tpu.memory_space<vmem>> -> memref<10240xi32, #tpu.memory_space<vmem>>
      %dma_wait3A_88 = tpu.memref_slice %arg3[%mul3A_2] : memref<327680xi32, #tpu.memory_space<hbm>> -> memref<10240xi32, #tpu.memory_space<hbm>>
      %dma_wait3A_89 = arith.constant 0 : i32
      %dma_wait3A_90 = tpu.memref_slice %arg6[%dma_wait3A_89] : memref<10496xi32, #tpu.memory_space<vmem>> -> memref<10240xi32, #tpu.memory_space<vmem>>
      %dma_wait3A_91 = tpu.memref_slice %arg3[%mul3A_2] : memref<327680xi32, #tpu.memory_space<hbm>> -> memref<10240xi32, #tpu.memory_space<hbm>>
      tpu.wait_dma2 semaphore(%run_scoped3A : memref<!tpu.dma_semaphore, #tpu.memory_space<semaphore_mem>>) src(%dma_wait3A_91 : memref<10240xi32, #tpu.memory_space<hbm>>) dst(%dma_wait3A_90 : memref<10240xi32, #tpu.memory_space<vmem>>)
      tpu.yield
    }) : () -> ()
    %broadcast_in_dim3A = arith.constant 0.000000e+00 : f32
    %broadcast_in_dim3A_5 = vector.broadcast %broadcast_in_dim3A : f32 to vector<16xf32>
    %scan3A = arith.constant 0 : i32
    %scan3A_6 = arith.constant 0 : i32
    %scan3A_7 = arith.constant 128 : i32
    %scan3A_8 = arith.addi %scan3A_6, %scan3A_7 : i32
    %scan3A_9 = arith.constant 1 : i32
    %scan3A_10 = scf.for %scan3A_80 = %scan3A_6 to %scan3A_8 step %scan3A_9 iter_args(%scan3A_81 = %scan3A) -> (i32)  : i32 {
      %swap3A = arith.index_cast %scan3A_80 : i32 to index
      %swap3A_82 = arith.constant 0 : index
      %swap3A_83 = tpu.vector_load %arg9[%swap3A, %swap3A_82] {strides = array<i32>} : memref<128x128xf32, #tpu.memory_space<vmem>>, vector<1x16xf32>,
      %swap3A_84 = vector.shape_cast %swap3A_83 : vector<1x16xf32> to vector<16xf32>
      %swap3A_85 = vector.shape_cast %broadcast_in_dim3A_5 : vector<16xf32> to vector<1x16xf32>
      tpu.vector_store %arg9[%swap3A, %swap3A_82], %swap3A_85 {strides = array<i32>} : memref<128x128xf32, #tpu.memory_space<vmem>>, vector<1x16xf32>,
      %swap3A_86 = arith.index_cast %scan3A_80 : i32 to index
      %swap3A_87 = arith.constant 16 : index
      %swap3A_88 = tpu.vector_load %arg9[%swap3A_86, %swap3A_87] {strides = array<i32>} : memref<128x128xf32, #tpu.memory_space<vmem>>, vector<1x16xf32>,
      %swap3A_89 = vector.shape_cast %swap3A_88 : vector<1x16xf32> to vector<16xf32>
      %swap3A_90 = vector.shape_cast %broadcast_in_dim3A_5 : vector<16xf32> to vector<1x16xf32>
      tpu.vector_store %arg9[%swap3A_86, %swap3A_87], %swap3A_90 {strides = array<i32>} : memref<128x128xf32, #tpu.memory_space<vmem>>, vector<1x16xf32>,
      %swap3A_91 = arith.index_cast %scan3A_80 : i32 to index
      %swap3A_92 = arith.constant 32 : index
      %swap3A_93 = tpu.vector_load %arg9[%swap3A_91, %swap3A_92] {strides = array<i32>} : memref<128x128xf32, #tpu.memory_space<vmem>>, vector<1x16xf32>,
      %swap3A_94 = vector.shape_cast %swap3A_93 : vector<1x16xf32> to vector<16xf32>
      %swap3A_95 = vector.shape_cast %broadcast_in_dim3A_5 : vector<16xf32> to vector<1x16xf32>
      tpu.vector_store %arg9[%swap3A_91, %swap3A_92], %swap3A_95 {strides = array<i32>} : memref<128x128xf32, #tpu.memory_space<vmem>>, vector<1x16xf32>,
      %swap3A_96 = arith.index_cast %scan3A_80 : i32 to index
      %swap3A_97 = arith.constant 48 : index
      %swap3A_98 = tpu.vector_load %arg9[%swap3A_96, %swap3A_97] {strides = array<i32>} : memref<128x128xf32, #tpu.memory_space<vmem>>, vector<1x16xf32>,
      %swap3A_99 = vector.shape_cast %swap3A_98 : vector<1x16xf32> to vector<16xf32>
      %swap3A_100 = vector.shape_cast %broadcast_in_dim3A_5 : vector<16xf32> to vector<1x16xf32>
      tpu.vector_store %arg9[%swap3A_96, %swap3A_97], %swap3A_100 {strides = array<i32>} : memref<128x128xf32, #tpu.memory_space<vmem>>, vector<1x16xf32>,
      %swap3A_101 = arith.index_cast %scan3A_80 : i32 to index
      %swap3A_102 = arith.constant 64 : index
      %swap3A_103 = tpu.vector_load %arg9[%swap3A_101, %swap3A_102] {strides = array<i32>} : memref<128x128xf32, #tpu.memory_space<vmem>>, vector<1x16xf32>,
      %swap3A_104 = vector.shape_cast %swap3A_103 : vector<1x16xf32> to vector<16xf32>
      %swap3A_105 = vector.shape_cast %broadcast_in_dim3A_5 : vector<16xf32> to vector<1x16xf32>
      tpu.vector_store %arg9[%swap3A_101, %swap3A_102], %swap3A_105 {strides = array<i32>} : memref<128x128xf32, #tpu.memory_space<vmem>>, vector<1x16xf32>,
      %swap3A_106 = arith.index_cast %scan3A_80 : i32 to index
      %swap3A_107 = arith.constant 80 : index
      %swap3A_108 = tpu.vector_load %arg9[%swap3A_106, %swap3A_107] {strides = array<i32>} : memref<128x128xf32, #tpu.memory_space<vmem>>, vector<1x16xf32>,
      %swap3A_109 = vector.shape_cast %swap3A_108 : vector<1x16xf32> to vector<16xf32>
      %swap3A_110 = vector.shape_cast %broadcast_in_dim3A_5 : vector<16xf32> to vector<1x16xf32>
      tpu.vector_store %arg9[%swap3A_106, %swap3A_107], %swap3A_110 {strides = array<i32>} : memref<128x128xf32, #tpu.memory_space<vmem>>, vector<1x16xf32>,
      %swap3A_111 = arith.index_cast %scan3A_80 : i32 to index
      %swap3A_112 = arith.constant 96 : index
      %swap3A_113 = tpu.vector_load %arg9[%swap3A_111, %swap3A_112] {strides = array<i32>} : memref<128x128xf32, #tpu.memory_space<vmem>>, vector<1x16xf32>,
      %swap3A_114 = vector.shape_cast %swap3A_113 : vector<1x16xf32> to vector<16xf32>
      %swap3A_115 = vector.shape_cast %broadcast_in_dim3A_5 : vector<16xf32> to vector<1x16xf32>
      tpu.vector_store %arg9[%swap3A_111, %swap3A_112], %swap3A_115 {strides = array<i32>} : memref<128x128xf32, #tpu.memory_space<vmem>>, vector<1x16xf32>,
      %swap3A_116 = arith.index_cast %scan3A_80 : i32 to index
      %swap3A_117 = arith.constant 112 : index
      %swap3A_118 = tpu.vector_load %arg9[%swap3A_116, %swap3A_117] {strides = array<i32>} : memref<128x128xf32, #tpu.memory_space<vmem>>, vector<1x16xf32>,
      %swap3A_119 = vector.shape_cast %swap3A_118 : vector<1x16xf32> to vector<16xf32>
      %swap3A_120 = vector.shape_cast %broadcast_in_dim3A_5 : vector<16xf32> to vector<1x16xf32>
      tpu.vector_store %arg9[%swap3A_116, %swap3A_117], %swap3A_120 {strides = array<i32>} : memref<128x128xf32, #tpu.memory_space<vmem>>, vector<1x16xf32>,
      %scan3A_121 = arith.constant 0 : i32
      scf.yield %scan3A_121 : i32
    }
    %scan3A_11 = arith.constant 128 : i32
    %add3A_12 = arith.constant 0 : i32
    %add3A_13 = arith.addi %mul3A_4, %add3A_12 : i32
    "tpu.region"() ({
      %run_scoped3A = tpu.sem_alloc : memref<!tpu.dma_semaphore, #tpu.memory_space<semaphore_mem>>
      %dma_start3A_80 = arith.constant 0 : i32
      %dma_start3A_81 = tpu.memref_slice %arg11[%add3A_13, %dma_start3A_80] : memref<10240x128xf32, #tpu.memory_space<vmem_shared>> -> memref<128x128xf32, #tpu.memory_space<vmem_shared>>
      %dma_start3A_82 = arith.constant 0 : i32
      %dma_start3A_83 = tpu.memref_slice %arg11[%add3A_13, %dma_start3A_82] : memref<10240x128xf32, #tpu.memory_space<vmem_shared>> -> memref<128x128xf32, #tpu.memory_space<vmem_shared>>
      tpu.enqueue_dma source(%arg9 : memref<128x128xf32, #tpu.memory_space<vmem>>) target(%dma_start3A_83 : memref<128x128xf32, #tpu.memory_space<vmem_shared>>) target_semaphore(%run_scoped3A : memref<!tpu.dma_semaphore, #tpu.memory_space<semaphore_mem>>)
      %dma_wait3A_84 = arith.constant 0 : i32
      %dma_wait3A_85 = tpu.memref_slice %arg11[%add3A_13, %dma_wait3A_84] : memref<10240x128xf32, #tpu.memory_space<vmem_shared>> -> memref<128x128xf32, #tpu.memory_space<vmem_shared>>
      %dma_wait3A_86 = arith.constant 0 : i32
      %dma_wait3A_87 = tpu.memref_slice %arg11[%add3A_13, %dma_wait3A_86] : memref<10240x128xf32, #tpu.memory_space<vmem_shared>> -> memref<128x128xf32, #tpu.memory_space<vmem_shared>>
      tpu.wait_dma2 semaphore(%run_scoped3A : memref<!tpu.dma_semaphore, #tpu.memory_space<semaphore_mem>>) src(%arg9 : memref<128x128xf32, #tpu.memory_space<vmem>>) dst(%dma_wait3A_87 : memref<128x128xf32, #tpu.memory_space<vmem_shared>>)
      tpu.yield
    }) : () -> ()
    %add3A_14 = arith.constant 128 : i32
    %add3A_15 = arith.addi %mul3A_4, %add3A_14 : i32
    "tpu.region"() ({
      %run_scoped3A = tpu.sem_alloc : memref<!tpu.dma_semaphore, #tpu.memory_space<semaphore_mem>>
      %dma_start3A_80 = arith.constant 0 : i32
      %dma_start3A_81 = tpu.memref_slice %arg11[%add3A_15, %dma_start3A_80] : memref<10240x128xf32, #tpu.memory_space<vmem_shared>> -> memref<128x128xf32, #tpu.memory_space<vmem_shared>>
      %dma_start3A_82 = arith.constant 0 : i32
      %dma_start3A_83 = tpu.memref_slice %arg11[%add3A_15, %dma_start3A_82] : memref<10240x128xf32, #tpu.memory_space<vmem_shared>> -> memref<128x128xf32, #tpu.memory_space<vmem_shared>>
      tpu.enqueue_dma source(%arg9 : memref<128x128xf32, #tpu.memory_space<vmem>>) target(%dma_start3A_83 : memref<128x128xf32, #tpu.memory_space<vmem_shared>>) target_semaphore(%run_scoped3A : memref<!tpu.dma_semaphore, #tpu.memory_space<semaphore_mem>>)
      %dma_wait3A_84 = arith.constant 0 : i32
      %dma_wait3A_85 = tpu.memref_slice %arg11[%add3A_15, %dma_wait3A_84] : memref<10240x128xf32, #tpu.memory_space<vmem_shared>> -> memref<128x128xf32, #tpu.memory_space<vmem_shared>>
      %dma_wait3A_86 = arith.constant 0 : i32
      %dma_wait3A_87 = tpu.memref_slice %arg11[%add3A_15, %dma_wait3A_86] : memref<10240x128xf32, #tpu.memory_space<vmem_shared>> -> memref<128x128xf32, #tpu.memory_space<vmem_shared>>
      tpu.wait_dma2 semaphore(%run_scoped3A : memref<!tpu.dma_semaphore, #tpu.memory_space<semaphore_mem>>) src(%arg9 : memref<128x128xf32, #tpu.memory_space<vmem>>) dst(%dma_wait3A_87 : memref<128x128xf32, #tpu.memory_space<vmem_shared>>)
      tpu.yield
    }) : () -> ()
    %add3A_16 = arith.constant 256 : i32
    %add3A_17 = arith.addi %mul3A_4, %add3A_16 : i32
    "tpu.region"() ({
      %run_scoped3A = tpu.sem_alloc : memref<!tpu.dma_semaphore, #tpu.memory_space<semaphore_mem>>
      %dma_start3A_80 = arith.constant 0 : i32
      %dma_start3A_81 = tpu.memref_slice %arg11[%add3A_17, %dma_start3A_80] : memref<10240x128xf32, #tpu.memory_space<vmem_shared>> -> memref<128x128xf32, #tpu.memory_space<vmem_shared>>
      %dma_start3A_82 = arith.constant 0 : i32
      %dma_start3A_83 = tpu.memref_slice %arg11[%add3A_17, %dma_start3A_82] : memref<10240x128xf32, #tpu.memory_space<vmem_shared>> -> memref<128x128xf32, #tpu.memory_space<vmem_shared>>
      tpu.enqueue_dma source(%arg9 : memref<128x128xf32, #tpu.memory_space<vmem>>) target(%dma_start3A_83 : memref<128x128xf32, #tpu.memory_space<vmem_shared>>) target_semaphore(%run_scoped3A : memref<!tpu.dma_semaphore, #tpu.memory_space<semaphore_mem>>)
      %dma_wait3A_84 = arith.constant 0 : i32
      %dma_wait3A_85 = tpu.memref_slice %arg11[%add3A_17, %dma_wait3A_84] : memref<10240x128xf32, #tpu.memory_space<vmem_shared>> -> memref<128x128xf32, #tpu.memory_space<vmem_shared>>
      %dma_wait3A_86 = arith.constant 0 : i32
      %dma_wait3A_87 = tpu.memref_slice %arg11[%add3A_17, %dma_wait3A_86] : memref<10240x128xf32, #tpu.memory_space<vmem_shared>> -> memref<128x128xf32, #tpu.memory_space<vmem_shared>>
      tpu.wait_dma2 semaphore(%run_scoped3A : memref<!tpu.dma_semaphore, #tpu.memory_space<semaphore_mem>>) src(%arg9 : memref<128x128xf32, #tpu.memory_space<vmem>>) dst(%dma_wait3A_87 : memref<128x128xf32, #tpu.memory_space<vmem_shared>>)
      tpu.yield
    }) : () -> ()
    %add3A_18 = arith.constant 384 : i32
    %add3A_19 = arith.addi %mul3A_4, %add3A_18 : i32
    "tpu.region"() ({
      %run_scoped3A = tpu.sem_alloc : memref<!tpu.dma_semaphore, #tpu.memory_space<semaphore_mem>>
      %dma_start3A_80 = arith.constant 0 : i32
      %dma_start3A_81 = tpu.memref_slice %arg11[%add3A_19, %dma_start3A_80] : memref<10240x128xf32, #tpu.memory_space<vmem_shared>> -> memref<128x128xf32, #tpu.memory_space<vmem_shared>>
      %dma_start3A_82 = arith.constant 0 : i32
      %dma_start3A_83 = tpu.memref_slice %arg11[%add3A_19, %dma_start3A_82] : memref<10240x128xf32, #tpu.memory_space<vmem_shared>> -> memref<128x128xf32, #tpu.memory_space<vmem_shared>>
      tpu.enqueue_dma source(%arg9 : memref<128x128xf32, #tpu.memory_space<vmem>>) target(%dma_start3A_83 : memref<128x128xf32, #tpu.memory_space<vmem_shared>>) target_semaphore(%run_scoped3A : memref<!tpu.dma_semaphore, #tpu.memory_space<semaphore_mem>>)
      %dma_wait3A_84 = arith.constant 0 : i32
      %dma_wait3A_85 = tpu.memref_slice %arg11[%add3A_19, %dma_wait3A_84] : memref<10240x128xf32, #tpu.memory_space<vmem_shared>> -> memref<128x128xf32, #tpu.memory_space<vmem_shared>>
      %dma_wait3A_86 = arith.constant 0 : i32
      %dma_wait3A_87 = tpu.memref_slice %arg11[%add3A_19, %dma_wait3A_86] : memref<10240x128xf32, #tpu.memory_space<vmem_shared>> -> memref<128x128xf32, #tpu.memory_space<vmem_shared>>
      tpu.wait_dma2 semaphore(%run_scoped3A : memref<!tpu.dma_semaphore, #tpu.memory_space<semaphore_mem>>) src(%arg9 : memref<128x128xf32, #tpu.memory_space<vmem>>) dst(%dma_wait3A_87 : memref<128x128xf32, #tpu.memory_space<vmem_shared>>)
      tpu.yield
    }) : () -> ()
    %add3A_20 = arith.constant 512 : i32
    %add3A_21 = arith.addi %mul3A_4, %add3A_20 : i32
    "tpu.region"() ({
      %run_scoped3A = tpu.sem_alloc : memref<!tpu.dma_semaphore, #tpu.memory_space<semaphore_mem>>
      %dma_start3A_80 = arith.constant 0 : i32
      %dma_start3A_81 = tpu.memref_slice %arg11[%add3A_21, %dma_start3A_80] : memref<10240x128xf32, #tpu.memory_space<vmem_shared>> -> memref<128x128xf32, #tpu.memory_space<vmem_shared>>
      %dma_start3A_82 = arith.constant 0 : i32
      %dma_start3A_83 = tpu.memref_slice %arg11[%add3A_21, %dma_start3A_82] : memref<10240x128xf32, #tpu.memory_space<vmem_shared>> -> memref<128x128xf32, #tpu.memory_space<vmem_shared>>
      tpu.enqueue_dma source(%arg9 : memref<128x128xf32, #tpu.memory_space<vmem>>) target(%dma_start3A_83 : memref<128x128xf32, #tpu.memory_space<vmem_shared>>) target_semaphore(%run_scoped3A : memref<!tpu.dma_semaphore, #tpu.memory_space<semaphore_mem>>)
      %dma_wait3A_84 = arith.constant 0 : i32
      %dma_wait3A_85 = tpu.memref_slice %arg11[%add3A_21, %dma_wait3A_84] : memref<10240x128xf32, #tpu.memory_space<vmem_shared>> -> memref<128x128xf32, #tpu.memory_space<vmem_shared>>
      %dma_wait3A_86 = arith.constant 0 : i32
      %dma_wait3A_87 = tpu.memref_slice %arg11[%add3A_21, %dma_wait3A_86] : memref<10240x128xf32, #tpu.memory_space<vmem_shared>> -> memref<128x128xf32, #tpu.memory_space<vmem_shared>>
      tpu.wait_dma2 semaphore(%run_scoped3A : memref<!tpu.dma_semaphore, #tpu.memory_space<semaphore_mem>>) src(%arg9 : memref<128x128xf32, #tpu.memory_space<vmem>>) dst(%dma_wait3A_87 : memref<128x128xf32, #tpu.memory_space<vmem_shared>>)
      tpu.yield
    }) : () -> ()
    %broadcast_in_dim3A_22 = arith.constant 0 : i32
    %broadcast_in_dim3A_23 = vector.broadcast %broadcast_in_dim3A_22 : i32 to vector<16xi32>
    %scan3A_24 = arith.constant 0 : i32
    %scan3A_25 = arith.constant 0 : i32
    %scan3A_26 = arith.constant 16 : i32
    %scan3A_27 = arith.addi %scan3A_25, %scan3A_26 : i32
    %scan3A_28 = arith.constant 1 : i32
    %scan3A_29 = scf.for %scan3A_80 = %scan3A_25 to %scan3A_27 step %scan3A_28 iter_args(%scan3A_81 = %scan3A_24) -> (i32)  : i32 {
      %mul3A_82 = arith.constant 16 : i32
      %mul3A_83 = arith.muli %mul3A_82, %scan3A_80 : i32
      %add3A_84 = arith.constant 10240 : i32
      %add3A_85 = arith.addi %add3A_84, %mul3A_83 : i32
      %swap3A = arith.index_cast %add3A_85 : i32 to index
      %swap3A_86 = tpu.vector_load %arg6[%swap3A] {strides = array<i32>} : memref<10496xi32, #tpu.memory_space<vmem>>, vector<16xi32>,
      %swap3A_87 = vector.shape_cast %swap3A_86 : vector<16xi32> to vector<16xi32>
      %swap3A_88 = vector.shape_cast %broadcast_in_dim3A_23 : vector<16xi32> to vector<16xi32>
      tpu.vector_store %arg6[%swap3A], %swap3A_88 {strides = array<i32>} : memref<10496xi32, #tpu.memory_space<vmem>>, vector<16xi32>,
      %scan3A_89 = arith.constant 0 : i32
      scf.yield %scan3A_89 : i32
    }
    %scan3A_30 = arith.constant 16 : i32
    %barrier3A = arith.constant 0 : index
    tpu.barrier barrier_id(%barrier3A)
    %dma_start3A = arith.constant 0 : i32
    %dma_start3A_31 = tpu.memref_slice %arg6[%dma_start3A] : memref<10496xi32, #tpu.memory_space<vmem>> -> memref<128xi32, #tpu.memory_space<vmem>>
    %dma_start3A_32 = arith.constant 0 : i32
    %dma_start3A_33 = arith.constant 0 : i32
    %dma_start3A_34 = tpu.memref_slice %arg2[%dma_start3A_32, %dma_start3A_33] : memref<10000x128xf32, #tpu.memory_space<hbm>> -> memref<10000x128xf32, #tpu.memory_space<hbm>>
    tpu.enqueue_indirect_dma source(%dma_start3A_34 : memref<10000x128xf32, #tpu.memory_space<hbm>>) target(%arg9 : memref<128x128xf32, #tpu.memory_space<vmem>>) offsets(%dma_start3A_31 : memref<128xi32, #tpu.memory_space<vmem>>) semaphore(%arg12 : memref<!tpu.dma_semaphore, #tpu.memory_space<semaphore_mem>>)
    %dma_start3A_35 = arith.constant 128 : i32
    %dma_start3A_36 = tpu.memref_slice %arg6[%dma_start3A_35] : memref<10496xi32, #tpu.memory_space<vmem>> -> memref<128xi32, #tpu.memory_space<vmem>>
    %dma_start3A_37 = arith.constant 0 : i32
    %dma_start3A_38 = arith.constant 0 : i32
    %dma_start3A_39 = tpu.memref_slice %arg2[%dma_start3A_37, %dma_start3A_38] : memref<10000x128xf32, #tpu.memory_space<hbm>> -> memref<10000x128xf32, #tpu.memory_space<hbm>>
    tpu.enqueue_indirect_dma source(%dma_start3A_39 : memref<10000x128xf32, #tpu.memory_space<hbm>>) target(%arg10 : memref<128x128xf32, #tpu.memory_space<vmem>>) offsets(%dma_start3A_36 : memref<128xi32, #tpu.memory_space<vmem>>) semaphore(%arg13 : memref<!tpu.dma_semaphore, #tpu.memory_space<semaphore_mem>>)
    %scan3A_40 = arith.constant 0 : i32
    %scan3A_41 = arith.constant 0 : i32
    %scan3A_42 = arith.constant 40 : i32
    %scan3A_43 = arith.addi %scan3A_41, %scan3A_42 : i32
    %scan3A_44 = arith.constant 1 : i32
    %scan3A_45 = scf.for %scan3A_80 = %scan3A_41 to %scan3A_43 step %scan3A_44 iter_args(%scan3A_81 = %scan3A_40) -> (i32)  : i32 {
      %mul3A_82 = arith.constant 2 : i32
      %mul3A_83 = arith.muli %mul3A_82, %scan3A_80 : i32
      %mul3A_84 = arith.constant 2 : i32
      %mul3A_85 = arith.muli %mul3A_84, %scan3A_80 : i32
      %add3A_86 = arith.constant 1 : i32
      %add3A_87 = arith.addi %mul3A_85, %add3A_86 : i32
      %mul3A_88 = arith.constant 128 : i32
      %mul3A_89 = arith.muli %mul3A_83, %mul3A_88 : i32
      %add3A_90 = arith.addi %mul3A_2, %mul3A_89 : i32
      "tpu.region"() ({
        %run_scoped3A = tpu.sem_alloc : memref<!tpu.dma_semaphore, #tpu.memory_space<semaphore_mem>>
        %dma_start3A_121 = tpu.memref_slice %arg4[%add3A_90] : memref<327680xi32, #tpu.memory_space<hbm>> -> memref<128xi32, #tpu.memory_space<hbm>>
        %dma_start3A_122 = tpu.memref_slice %arg4[%add3A_90] : memref<327680xi32, #tpu.memory_space<hbm>> -> memref<128xi32, #tpu.memory_space<hbm>>
        tpu.enqueue_dma source(%dma_start3A_122 : memref<128xi32, #tpu.memory_space<hbm>>) target(%arg7 : memref<128xi32, #tpu.memory_space<vmem>>) target_semaphore(%run_scoped3A : memref<!tpu.dma_semaphore, #tpu.memory_space<semaphore_mem>>)
        %dma_wait3A_123 = tpu.memref_slice %arg4[%add3A_90] : memref<327680xi32, #tpu.memory_space<hbm>> -> memref<128xi32, #tpu.memory_space<hbm>>
        %dma_wait3A_124 = tpu.memref_slice %arg4[%add3A_90] : memref<327680xi32, #tpu.memory_space<hbm>> -> memref<128xi32, #tpu.memory_space<hbm>>
        tpu.wait_dma2 semaphore(%run_scoped3A : memref<!tpu.dma_semaphore, #tpu.memory_space<semaphore_mem>>) src(%dma_wait3A_124 : memref<128xi32, #tpu.memory_space<hbm>>) dst(%arg7 : memref<128xi32, #tpu.memory_space<vmem>>)
        tpu.yield
      }) : () -> ()
      %dma_wait3A_91 = arith.constant 0 : i32
      %dma_wait3A_92 = tpu.memref_slice %arg6[%dma_wait3A_91] : memref<10496xi32, #tpu.memory_space<vmem>> -> memref<128xi32, #tpu.memory_space<vmem>>
      %dma_wait3A_93 = arith.constant 0 : i32
      %dma_wait3A_94 = arith.constant 0 : i32
      %dma_wait3A_95 = tpu.memref_slice %arg2[%dma_wait3A_93, %dma_wait3A_94] : memref<10000x128xf32, #tpu.memory_space<hbm>> -> memref<10000x128xf32, #tpu.memory_space<hbm>>
      tpu.wait_indirect_dma semaphore(%arg12 : memref<!tpu.dma_semaphore, #tpu.memory_space<semaphore_mem>>) src(%dma_wait3A_95 : memref<10000x128xf32, #tpu.memory_space<hbm>>) dst(%arg9 : memref<128x128xf32, #tpu.memory_space<vmem>>)
      "tpu.region"() ({
        %run_scoped3A = tpu.sem_alloc : memref<!tpu.dma_semaphore, #tpu.memory_space<semaphore_mem>>
        %dma_start3A_121 = arith.constant 0 : i32
        %dma_start3A_122 = arith.constant 0 : i32
        %dma_start3A_123 = tpu.memref_slice %arg11[%dma_start3A_121, %dma_start3A_122] : memref<10240x128xf32, #tpu.memory_space<vmem_shared>> -> memref<10240x128xf32, #tpu.memory_space<vmem_shared>>
        tpu.enqueue_indirect_dma source(%arg9 : memref<128x128xf32, #tpu.memory_space<vmem>>) target(%dma_start3A_123 : memref<10240x128xf32, #tpu.memory_space<vmem_shared>>) offsets(%arg7 : memref<128xi32, #tpu.memory_space<vmem>>) semaphore(%run_scoped3A : memref<!tpu.dma_semaphore, #tpu.memory_space<semaphore_mem>>) {add = true}
        %dma_wait3A_124 = arith.constant 0 : i32
        %dma_wait3A_125 = arith.constant 0 : i32
        %dma_wait3A_126 = tpu.memref_slice %arg11[%dma_wait3A_124, %dma_wait3A_125] : memref<10240x128xf32, #tpu.memory_space<vmem_shared>> -> memref<10240x128xf32, #tpu.memory_space<vmem_shared>>
        tpu.wait_indirect_dma semaphore(%run_scoped3A : memref<!tpu.dma_semaphore, #tpu.memory_space<semaphore_mem>>) src(%arg9 : memref<128x128xf32, #tpu.memory_space<vmem>>) dst(%dma_wait3A_126 : memref<10240x128xf32, #tpu.memory_space<vmem_shared>>)
        tpu.yield
      }) : () -> ()
      %add3A_96 = arith.constant 2 : i32
      %add3A_97 = arith.addi %mul3A_83, %add3A_96 : i32
      %mul3A_98 = arith.constant 128 : i32
      %mul3A_99 = arith.muli %add3A_97, %mul3A_98 : i32
      %dma_start3A_100 = tpu.memref_slice %arg6[%mul3A_99] : memref<10496xi32, #tpu.memory_space<vmem>> -> memref<128xi32, #tpu.memory_space<vmem>>
      %dma_start3A_101 = arith.constant 0 : i32
      %dma_start3A_102 = arith.constant 0 : i32
      %dma_start3A_103 = tpu.memref_slice %arg2[%dma_start3A_101, %dma_start3A_102] : memref<10000x128xf32, #tpu.memory_space<hbm>> -> memref<10000x128xf32, #tpu.memory_space<hbm>>
      tpu.enqueue_indirect_dma source(%dma_start3A_103 : memref<10000x128xf32, #tpu.memory_space<hbm>>) target(%arg9 : memref<128x128xf32, #tpu.memory_space<vmem>>) offsets(%dma_start3A_100 : memref<128xi32, #tpu.memory_space<vmem>>) semaphore(%arg12 : memref<!tpu.dma_semaphore, #tpu.memory_space<semaphore_mem>>)
      %mul3A_104 = arith.constant 128 : i32
      %mul3A_105 = arith.muli %add3A_87, %mul3A_104 : i32
      %add3A_106 = arith.addi %mul3A_2, %mul3A_105 : i32
      "tpu.region"() ({
        %run_scoped3A = tpu.sem_alloc : memref<!tpu.dma_semaphore, #tpu.memory_space<semaphore_mem>>
        %dma_start3A_121 = tpu.memref_slice %arg4[%add3A_106] : memref<327680xi32, #tpu.memory_space<hbm>> -> memref<128xi32, #tpu.memory_space<hbm>>
        %dma_start3A_122 = tpu.memref_slice %arg4[%add3A_106] : memref<327680xi32, #tpu.memory_space<hbm>> -> memref<128xi32, #tpu.memory_space<hbm>>
        tpu.enqueue_dma source(%dma_start3A_122 : memref<128xi32, #tpu.memory_space<hbm>>) target(%arg8 : memref<128xi32, #tpu.memory_space<vmem>>) target_semaphore(%run_scoped3A : memref<!tpu.dma_semaphore, #tpu.memory_space<semaphore_mem>>)
        %dma_wait3A_123 = tpu.memref_slice %arg4[%add3A_106] : memref<327680xi32, #tpu.memory_space<hbm>> -> memref<128xi32, #tpu.memory_space<hbm>>
        %dma_wait3A_124 = tpu.memref_slice %arg4[%add3A_106] : memref<327680xi32, #tpu.memory_space<hbm>> -> memref<128xi32, #tpu.memory_space<hbm>>
        tpu.wait_dma2 semaphore(%run_scoped3A : memref<!tpu.dma_semaphore, #tpu.memory_space<semaphore_mem>>) src(%dma_wait3A_124 : memref<128xi32, #tpu.memory_space<hbm>>) dst(%arg8 : memref<128xi32, #tpu.memory_space<vmem>>)
        tpu.yield
      }) : () -> ()
      %dma_wait3A_107 = arith.constant 0 : i32
      %dma_wait3A_108 = tpu.memref_slice %arg6[%dma_wait3A_107] : memref<10496xi32, #tpu.memory_space<vmem>> -> memref<128xi32, #tpu.memory_space<vmem>>
      %dma_wait3A_109 = arith.constant 0 : i32
      %dma_wait3A_110 = arith.constant 0 : i32
      %dma_wait3A_111 = tpu.memref_slice %arg2[%dma_wait3A_109, %dma_wait3A_110] : memref<10000x128xf32, #tpu.memory_space<hbm>> -> memref<10000x128xf32, #tpu.memory_space<hbm>>
      tpu.wait_indirect_dma semaphore(%arg13 : memref<!tpu.dma_semaphore, #tpu.memory_space<semaphore_mem>>) src(%dma_wait3A_111 : memref<10000x128xf32, #tpu.memory_space<hbm>>) dst(%arg10 : memref<128x128xf32, #tpu.memory_space<vmem>>)
      "tpu.region"() ({
        %run_scoped3A = tpu.sem_alloc : memref<!tpu.dma_semaphore, #tpu.memory_space<semaphore_mem>>
        %dma_start3A_121 = arith.constant 0 : i32
        %dma_start3A_122 = arith.constant 0 : i32
        %dma_start3A_123 = tpu.memref_slice %arg11[%dma_start3A_121, %dma_start3A_122] : memref<10240x128xf32, #tpu.memory_space<vmem_shared>> -> memref<10240x128xf32, #tpu.memory_space<vmem_shared>>
        tpu.enqueue_indirect_dma source(%arg10 : memref<128x128xf32, #tpu.memory_space<vmem>>) target(%dma_start3A_123 : memref<10240x128xf32, #tpu.memory_space<vmem_shared>>) offsets(%arg8 : memref<128xi32, #tpu.memory_space<vmem>>) semaphore(%run_scoped3A : memref<!tpu.dma_semaphore, #tpu.memory_space<semaphore_mem>>) {add = true}
        %dma_wait3A_124 = arith.constant 0 : i32
        %dma_wait3A_125 = arith.constant 0 : i32
        %dma_wait3A_126 = tpu.memref_slice %arg11[%dma_wait3A_124, %dma_wait3A_125] : memref<10240x128xf32, #tpu.memory_space<vmem_shared>> -> memref<10240x128xf32, #tpu.memory_space<vmem_shared>>
        tpu.wait_indirect_dma semaphore(%run_scoped3A : memref<!tpu.dma_semaphore, #tpu.memory_space<semaphore_mem>>) src(%arg10 : memref<128x128xf32, #tpu.memory_space<vmem>>) dst(%dma_wait3A_126 : memref<10240x128xf32, #tpu.memory_space<vmem_shared>>)
        tpu.yield
      }) : () -> ()
      %add3A_112 = arith.constant 2 : i32
      %add3A_113 = arith.addi %add3A_87, %add3A_112 : i32
      %mul3A_114 = arith.constant 128 : i32
      %mul3A_115 = arith.muli %add3A_113, %mul3A_114 : i32
      %dma_start3A_116 = tpu.memref_slice %arg6[%mul3A_115] : memref<10496xi32, #tpu.memory_space<vmem>> -> memref<128xi32, #tpu.memory_space<vmem>>
      %dma_start3A_117 = arith.constant 0 : i32
      %dma_start3A_118 = arith.constant 0 : i32
      %dma_start3A_119 = tpu.memref_slice %arg2[%dma_start3A_117, %dma_start3A_118] : memref<10000x128xf32, #tpu.memory_space<hbm>> -> memref<10000x128xf32, #tpu.memory_space<hbm>>
      tpu.enqueue_indirect_dma source(%dma_start3A_119 : memref<10000x128xf32, #tpu.memory_space<hbm>>) target(%arg10 : memref<128x128xf32, #tpu.memory_space<vmem>>) offsets(%dma_start3A_116 : memref<128xi32, #tpu.memory_space<vmem>>) semaphore(%arg13 : memref<!tpu.dma_semaphore, #tpu.memory_space<semaphore_mem>>)
      %scan3A_120 = arith.constant 0 : i32
      scf.yield %scan3A_120 : i32
    }
    %scan3A_46 = arith.constant 40 : i32
    %dma_wait3A = arith.constant 0 : i32
    %dma_wait3A_47 = tpu.memref_slice %arg6[%dma_wait3A] : memref<10496xi32, #tpu.memory_space<vmem>> -> memref<128xi32, #tpu.memory_space<vmem>>
    %dma_wait3A_48 = arith.constant 0 : i32
    %dma_wait3A_49 = arith.constant 0 : i32
    %dma_wait3A_50 = tpu.memref_slice %arg2[%dma_wait3A_48, %dma_wait3A_49] : memref<10000x128xf32, #tpu.memory_space<hbm>> -> memref<10000x128xf32, #tpu.memory_space<hbm>>
    tpu.wait_indirect_dma semaphore(%arg12 : memref<!tpu.dma_semaphore, #tpu.memory_space<semaphore_mem>>) src(%dma_wait3A_50 : memref<10000x128xf32, #tpu.memory_space<hbm>>) dst(%arg9 : memref<128x128xf32, #tpu.memory_space<vmem>>)
    %dma_wait3A_51 = arith.constant 0 : i32
    %dma_wait3A_52 = tpu.memref_slice %arg6[%dma_wait3A_51] : memref<10496xi32, #tpu.memory_space<vmem>> -> memref<128xi32, #tpu.memory_space<vmem>>
    %dma_wait3A_53 = arith.constant 0 : i32
    %dma_wait3A_54 = arith.constant 0 : i32
    %dma_wait3A_55 = tpu.memref_slice %arg2[%dma_wait3A_53, %dma_wait3A_54] : memref<10000x128xf32, #tpu.memory_space<hbm>> -> memref<10000x128xf32, #tpu.memory_space<hbm>>
    tpu.wait_indirect_dma semaphore(%arg13 : memref<!tpu.dma_semaphore, #tpu.memory_space<semaphore_mem>>) src(%dma_wait3A_55 : memref<10000x128xf32, #tpu.memory_space<hbm>>) dst(%arg10 : memref<128x128xf32, #tpu.memory_space<vmem>>)
    %barrier3A_56 = arith.constant 0 : index
    tpu.barrier barrier_id(%barrier3A_56)
    %mul3A_57 = arith.constant 10240 : i32
    %mul3A_58 = arith.muli %arg0, %mul3A_57 : i32
    %add3A_59 = arith.addi %mul3A_58, %mul3A_4 : i32
    %add3A_60 = arith.constant 0 : i32
    %add3A_61 = arith.addi %mul3A_4, %add3A_60 : i32
    "tpu.region"() ({
      %run_scoped3A = tpu.sem_alloc : memref<!tpu.dma_semaphore, #tpu.memory_space<semaphore_mem>>
      %dma_start3A_80 = arith.constant 0 : i32
      %dma_start3A_81 = tpu.memref_slice %arg11[%add3A_61, %dma_start3A_80] : memref<10240x128xf32, #tpu.memory_space<vmem_shared>> -> memref<128x128xf32, #tpu.memory_space<vmem_shared>>
      %dma_start3A_82 = arith.constant 0 : i32
      %dma_start3A_83 = tpu.memref_slice %arg11[%add3A_61, %dma_start3A_82] : memref<10240x128xf32, #tpu.memory_space<vmem_shared>> -> memref<128x128xf32, #tpu.memory_space<vmem_shared>>
      tpu.enqueue_dma source(%dma_start3A_83 : memref<128x128xf32, #tpu.memory_space<vmem_shared>>) target(%arg9 : memref<128x128xf32, #tpu.memory_space<vmem>>) target_semaphore(%run_scoped3A : memref<!tpu.dma_semaphore, #tpu.memory_space<semaphore_mem>>)
      %dma_wait3A_84 = arith.constant 0 : i32
      %dma_wait3A_85 = tpu.memref_slice %arg11[%add3A_61, %dma_wait3A_84] : memref<10240x128xf32, #tpu.memory_space<vmem_shared>> -> memref<128x128xf32, #tpu.memory_space<vmem_shared>>
      %dma_wait3A_86 = arith.constant 0 : i32
      %dma_wait3A_87 = tpu.memref_slice %arg11[%add3A_61, %dma_wait3A_86] : memref<10240x128xf32, #tpu.memory_space<vmem_shared>> -> memref<128x128xf32, #tpu.memory_space<vmem_shared>>
      tpu.wait_dma2 semaphore(%run_scoped3A : memref<!tpu.dma_semaphore, #tpu.memory_space<semaphore_mem>>) src(%dma_wait3A_87 : memref<128x128xf32, #tpu.memory_space<vmem_shared>>) dst(%arg9 : memref<128x128xf32, #tpu.memory_space<vmem>>)
      tpu.yield
    }) : () -> ()
    %add3A_62 = arith.constant 0 : i32
    %add3A_63 = arith.addi %add3A_59, %add3A_62 : i32
    "tpu.region"() ({
      %run_scoped3A = tpu.sem_alloc : memref<!tpu.dma_semaphore, #tpu.memory_space<semaphore_mem>>
      %dma_start3A_80 = arith.constant 0 : i32
      %dma_start3A_81 = tpu.memref_slice %arg5[%add3A_63, %dma_start3A_80] : memref<20480x128xf32, #tpu.memory_space<hbm>> -> memref<128x128xf32, #tpu.memory_space<hbm>>
      %dma_start3A_82 = arith.constant 0 : i32
      %dma_start3A_83 = tpu.memref_slice %arg5[%add3A_63, %dma_start3A_82] : memref<20480x128xf32, #tpu.memory_space<hbm>> -> memref<128x128xf32, #tpu.memory_space<hbm>>
      tpu.enqueue_dma source(%arg9 : memref<128x128xf32, #tpu.memory_space<vmem>>) target(%dma_start3A_83 : memref<128x128xf32, #tpu.memory_space<hbm>>) target_semaphore(%run_scoped3A : memref<!tpu.dma_semaphore, #tpu.memory_space<semaphore_mem>>)
      %dma_wait3A_84 = arith.constant 0 : i32
      %dma_wait3A_85 = tpu.memref_slice %arg5[%add3A_63, %dma_wait3A_84] : memref<20480x128xf32, #tpu.memory_space<hbm>> -> memref<128x128xf32, #tpu.memory_space<hbm>>
      %dma_wait3A_86 = arith.constant 0 : i32
      %dma_wait3A_87 = tpu.memref_slice %arg5[%add3A_63, %dma_wait3A_86] : memref<20480x128xf32, #tpu.memory_space<hbm>> -> memref<128x128xf32, #tpu.memory_space<hbm>>
      tpu.wait_dma2 semaphore(%run_scoped3A : memref<!tpu.dma_semaphore, #tpu.memory_space<semaphore_mem>>) src(%arg9 : memref<128x128xf32, #tpu.memory_space<vmem>>) dst(%dma_wait3A_87 : memref<128x128xf32, #tpu.memory_space<hbm>>)
      tpu.yield
    }) : () -> ()
    %add3A_64 = arith.constant 128 : i32
    %add3A_65 = arith.addi %mul3A_4, %add3A_64 : i32
    "tpu.region"() ({
      %run_scoped3A = tpu.sem_alloc : memref<!tpu.dma_semaphore, #tpu.memory_space<semaphore_mem>>
      %dma_start3A_80 = arith.constant 0 : i32
      %dma_start3A_81 = tpu.memref_slice %arg11[%add3A_65, %dma_start3A_80] : memref<10240x128xf32, #tpu.memory_space<vmem_shared>> -> memref<128x128xf32, #tpu.memory_space<vmem_shared>>
      %dma_start3A_82 = arith.constant 0 : i32
      %dma_start3A_83 = tpu.memref_slice %arg11[%add3A_65, %dma_start3A_82] : memref<10240x128xf32, #tpu.memory_space<vmem_shared>> -> memref<128x128xf32, #tpu.memory_space<vmem_shared>>
      tpu.enqueue_dma source(%dma_start3A_83 : memref<128x128xf32, #tpu.memory_space<vmem_shared>>) target(%arg10 : memref<128x128xf32, #tpu.memory_space<vmem>>) target_semaphore(%run_scoped3A : memref<!tpu.dma_semaphore, #tpu.memory_space<semaphore_mem>>)
      %dma_wait3A_84 = arith.constant 0 : i32
      %dma_wait3A_85 = tpu.memref_slice %arg11[%add3A_65, %dma_wait3A_84] : memref<10240x128xf32, #tpu.memory_space<vmem_shared>> -> memref<128x128xf32, #tpu.memory_space<vmem_shared>>
      %dma_wait3A_86 = arith.constant 0 : i32
      %dma_wait3A_87 = tpu.memref_slice %arg11[%add3A_65, %dma_wait3A_86] : memref<10240x128xf32, #tpu.memory_space<vmem_shared>> -> memref<128x128xf32, #tpu.memory_space<vmem_shared>>
      tpu.wait_dma2 semaphore(%run_scoped3A : memref<!tpu.dma_semaphore, #tpu.memory_space<semaphore_mem>>) src(%dma_wait3A_87 : memref<128x128xf32, #tpu.memory_space<vmem_shared>>) dst(%arg10 : memref<128x128xf32, #tpu.memory_space<vmem>>)
      tpu.yield
    }) : () -> ()
    %add3A_66 = arith.constant 128 : i32
    %add3A_67 = arith.addi %add3A_59, %add3A_66 : i32
    "tpu.region"() ({
      %run_scoped3A = tpu.sem_alloc : memref<!tpu.dma_semaphore, #tpu.memory_space<semaphore_mem>>
      %dma_start3A_80 = arith.constant 0 : i32
      %dma_start3A_81 = tpu.memref_slice %arg5[%add3A_67, %dma_start3A_80] : memref<20480x128xf32, #tpu.memory_space<hbm>> -> memref<128x128xf32, #tpu.memory_space<hbm>>
      %dma_start3A_82 = arith.constant 0 : i32
      %dma_start3A_83 = tpu.memref_slice %arg5[%add3A_67, %dma_start3A_82] : memref<20480x128xf32, #tpu.memory_space<hbm>> -> memref<128x128xf32, #tpu.memory_space<hbm>>
      tpu.enqueue_dma source(%arg10 : memref<128x128xf32, #tpu.memory_space<vmem>>) target(%dma_start3A_83 : memref<128x128xf32, #tpu.memory_space<hbm>>) target_semaphore(%run_scoped3A : memref<!tpu.dma_semaphore, #tpu.memory_space<semaphore_mem>>)
      %dma_wait3A_84 = arith.constant 0 : i32
      %dma_wait3A_85 = tpu.memref_slice %arg5[%add3A_67, %dma_wait3A_84] : memref<20480x128xf32, #tpu.memory_space<hbm>> -> memref<128x128xf32, #tpu.memory_space<hbm>>
      %dma_wait3A_86 = arith.constant 0 : i32
      %dma_wait3A_87 = tpu.memref_slice %arg5[%add3A_67, %dma_wait3A_86] : memref<20480x128xf32, #tpu.memory_space<hbm>> -> memref<128x128xf32, #tpu.memory_space<hbm>>
      tpu.wait_dma2 semaphore(%run_scoped3A : memref<!tpu.dma_semaphore, #tpu.memory_space<semaphore_mem>>) src(%arg10 : memref<128x128xf32, #tpu.memory_space<vmem>>) dst(%dma_wait3A_87 : memref<128x128xf32, #tpu.memory_space<hbm>>)
      tpu.yield
    }) : () -> ()
    %add3A_68 = arith.constant 256 : i32
    %add3A_69 = arith.addi %mul3A_4, %add3A_68 : i32
    "tpu.region"() ({
      %run_scoped3A = tpu.sem_alloc : memref<!tpu.dma_semaphore, #tpu.memory_space<semaphore_mem>>
      %dma_start3A_80 = arith.constant 0 : i32
      %dma_start3A_81 = tpu.memref_slice %arg11[%add3A_69, %dma_start3A_80] : memref<10240x128xf32, #tpu.memory_space<vmem_shared>> -> memref<128x128xf32, #tpu.memory_space<vmem_shared>>
      %dma_start3A_82 = arith.constant 0 : i32
      %dma_start3A_83 = tpu.memref_slice %arg11[%add3A_69, %dma_start3A_82] : memref<10240x128xf32, #tpu.memory_space<vmem_shared>> -> memref<128x128xf32, #tpu.memory_space<vmem_shared>>
      tpu.enqueue_dma source(%dma_start3A_83 : memref<128x128xf32, #tpu.memory_space<vmem_shared>>) target(%arg9 : memref<128x128xf32, #tpu.memory_space<vmem>>) target_semaphore(%run_scoped3A : memref<!tpu.dma_semaphore, #tpu.memory_space<semaphore_mem>>)
      %dma_wait3A_84 = arith.constant 0 : i32
      %dma_wait3A_85 = tpu.memref_slice %arg11[%add3A_69, %dma_wait3A_84] : memref<10240x128xf32, #tpu.memory_space<vmem_shared>> -> memref<128x128xf32, #tpu.memory_space<vmem_shared>>
      %dma_wait3A_86 = arith.constant 0 : i32
      %dma_wait3A_87 = tpu.memref_slice %arg11[%add3A_69, %dma_wait3A_86] : memref<10240x128xf32, #tpu.memory_space<vmem_shared>> -> memref<128x128xf32, #tpu.memory_space<vmem_shared>>
      tpu.wait_dma2 semaphore(%run_scoped3A : memref<!tpu.dma_semaphore, #tpu.memory_space<semaphore_mem>>) src(%dma_wait3A_87 : memref<128x128xf32, #tpu.memory_space<vmem_shared>>) dst(%arg9 : memref<128x128xf32, #tpu.memory_space<vmem>>)
      tpu.yield
    }) : () -> ()
    %add3A_70 = arith.constant 256 : i32
    %add3A_71 = arith.addi %add3A_59, %add3A_70 : i32
    "tpu.region"() ({
      %run_scoped3A = tpu.sem_alloc : memref<!tpu.dma_semaphore, #tpu.memory_space<semaphore_mem>>
      %dma_start3A_80 = arith.constant 0 : i32
      %dma_start3A_81 = tpu.memref_slice %arg5[%add3A_71, %dma_start3A_80] : memref<20480x128xf32, #tpu.memory_space<hbm>> -> memref<128x128xf32, #tpu.memory_space<hbm>>
      %dma_start3A_82 = arith.constant 0 : i32
      %dma_start3A_83 = tpu.memref_slice %arg5[%add3A_71, %dma_start3A_82] : memref<20480x128xf32, #tpu.memory_space<hbm>> -> memref<128x128xf32, #tpu.memory_space<hbm>>
      tpu.enqueue_dma source(%arg9 : memref<128x128xf32, #tpu.memory_space<vmem>>) target(%dma_start3A_83 : memref<128x128xf32, #tpu.memory_space<hbm>>) target_semaphore(%run_scoped3A : memref<!tpu.dma_semaphore, #tpu.memory_space<semaphore_mem>>)
      %dma_wait3A_84 = arith.constant 0 : i32
      %dma_wait3A_85 = tpu.memref_slice %arg5[%add3A_71, %dma_wait3A_84] : memref<20480x128xf32, #tpu.memory_space<hbm>> -> memref<128x128xf32, #tpu.memory_space<hbm>>
      %dma_wait3A_86 = arith.constant 0 : i32
      %dma_wait3A_87 = tpu.memref_slice %arg5[%add3A_71, %dma_wait3A_86] : memref<20480x128xf32, #tpu.memory_space<hbm>> -> memref<128x128xf32, #tpu.memory_space<hbm>>
      tpu.wait_dma2 semaphore(%run_scoped3A : memref<!tpu.dma_semaphore, #tpu.memory_space<semaphore_mem>>) src(%arg9 : memref<128x128xf32, #tpu.memory_space<vmem>>) dst(%dma_wait3A_87 : memref<128x128xf32, #tpu.memory_space<hbm>>)
      tpu.yield
    }) : () -> ()
    %add3A_72 = arith.constant 384 : i32
    %add3A_73 = arith.addi %mul3A_4, %add3A_72 : i32
    "tpu.region"() ({
      %run_scoped3A = tpu.sem_alloc : memref<!tpu.dma_semaphore, #tpu.memory_space<semaphore_mem>>
      %dma_start3A_80 = arith.constant 0 : i32
      %dma_start3A_81 = tpu.memref_slice %arg11[%add3A_73, %dma_start3A_80] : memref<10240x128xf32, #tpu.memory_space<vmem_shared>> -> memref<128x128xf32, #tpu.memory_space<vmem_shared>>
      %dma_start3A_82 = arith.constant 0 : i32
      %dma_start3A_83 = tpu.memref_slice %arg11[%add3A_73, %dma_start3A_82] : memref<10240x128xf32, #tpu.memory_space<vmem_shared>> -> memref<128x128xf32, #tpu.memory_space<vmem_shared>>
      tpu.enqueue_dma source(%dma_start3A_83 : memref<128x128xf32, #tpu.memory_space<vmem_shared>>) target(%arg10 : memref<128x128xf32, #tpu.memory_space<vmem>>) target_semaphore(%run_scoped3A : memref<!tpu.dma_semaphore, #tpu.memory_space<semaphore_mem>>)
      %dma_wait3A_84 = arith.constant 0 : i32
      %dma_wait3A_85 = tpu.memref_slice %arg11[%add3A_73, %dma_wait3A_84] : memref<10240x128xf32, #tpu.memory_space<vmem_shared>> -> memref<128x128xf32, #tpu.memory_space<vmem_shared>>
      %dma_wait3A_86 = arith.constant 0 : i32
      %dma_wait3A_87 = tpu.memref_slice %arg11[%add3A_73, %dma_wait3A_86] : memref<10240x128xf32, #tpu.memory_space<vmem_shared>> -> memref<128x128xf32, #tpu.memory_space<vmem_shared>>
      tpu.wait_dma2 semaphore(%run_scoped3A : memref<!tpu.dma_semaphore, #tpu.memory_space<semaphore_mem>>) src(%dma_wait3A_87 : memref<128x128xf32, #tpu.memory_space<vmem_shared>>) dst(%arg10 : memref<128x128xf32, #tpu.memory_space<vmem>>)
      tpu.yield
    }) : () -> ()
    %add3A_74 = arith.constant 384 : i32
    %add3A_75 = arith.addi %add3A_59, %add3A_74 : i32
    "tpu.region"() ({
      %run_scoped3A = tpu.sem_alloc : memref<!tpu.dma_semaphore, #tpu.memory_space<semaphore_mem>>
      %dma_start3A_80 = arith.constant 0 : i32
      %dma_start3A_81 = tpu.memref_slice %arg5[%add3A_75, %dma_start3A_80] : memref<20480x128xf32, #tpu.memory_space<hbm>> -> memref<128x128xf32, #tpu.memory_space<hbm>>
      %dma_start3A_82 = arith.constant 0 : i32
      %dma_start3A_83 = tpu.memref_slice %arg5[%add3A_75, %dma_start3A_82] : memref<20480x128xf32, #tpu.memory_space<hbm>> -> memref<128x128xf32, #tpu.memory_space<hbm>>
      tpu.enqueue_dma source(%arg10 : memref<128x128xf32, #tpu.memory_space<vmem>>) target(%dma_start3A_83 : memref<128x128xf32, #tpu.memory_space<hbm>>) target_semaphore(%run_scoped3A : memref<!tpu.dma_semaphore, #tpu.memory_space<semaphore_mem>>)
      %dma_wait3A_84 = arith.constant 0 : i32
      %dma_wait3A_85 = tpu.memref_slice %arg5[%add3A_75, %dma_wait3A_84] : memref<20480x128xf32, #tpu.memory_space<hbm>> -> memref<128x128xf32, #tpu.memory_space<hbm>>
      %dma_wait3A_86 = arith.constant 0 : i32
      %dma_wait3A_87 = tpu.memref_slice %arg5[%add3A_75, %dma_wait3A_86] : memref<20480x128xf32, #tpu.memory_space<hbm>> -> memref<128x128xf32, #tpu.memory_space<hbm>>
      tpu.wait_dma2 semaphore(%run_scoped3A : memref<!tpu.dma_semaphore, #tpu.memory_space<semaphore_mem>>) src(%arg10 : memref<128x128xf32, #tpu.memory_space<vmem>>) dst(%dma_wait3A_87 : memref<128x128xf32, #tpu.memory_space<hbm>>)
      tpu.yield
    }) : () -> ()
    %add3A_76 = arith.constant 512 : i32
    %add3A_77 = arith.addi %mul3A_4, %add3A_76 : i32
    "tpu.region"() ({
      %run_scoped3A = tpu.sem_alloc : memref<!tpu.dma_semaphore, #tpu.memory_space<semaphore_mem>>
      %dma_start3A_80 = arith.constant 0 : i32
      %dma_start3A_81 = tpu.memref_slice %arg11[%add3A_77, %dma_start3A_80] : memref<10240x128xf32, #tpu.memory_space<vmem_shared>> -> memref<128x128xf32, #tpu.memory_space<vmem_shared>>
      %dma_start3A_82 = arith.constant 0 : i32
      %dma_start3A_83 = tpu.memref_slice %arg11[%add3A_77, %dma_start3A_82] : memref<10240x128xf32, #tpu.memory_space<vmem_shared>> -> memref<128x128xf32, #tpu.memory_space<vmem_shared>>
      tpu.enqueue_dma source(%dma_start3A_83 : memref<128x128xf32, #tpu.memory_space<vmem_shared>>) target(%arg9 : memref<128x128xf32, #tpu.memory_space<vmem>>) target_semaphore(%run_scoped3A : memref<!tpu.dma_semaphore, #tpu.memory_space<semaphore_mem>>)
      %dma_wait3A_84 = arith.constant 0 : i32
      %dma_wait3A_85 = tpu.memref_slice %arg11[%add3A_77, %dma_wait3A_84] : memref<10240x128xf32, #tpu.memory_space<vmem_shared>> -> memref<128x128xf32, #tpu.memory_space<vmem_shared>>
      %dma_wait3A_86 = arith.constant 0 : i32
      %dma_wait3A_87 = tpu.memref_slice %arg11[%add3A_77, %dma_wait3A_86] : memref<10240x128xf32, #tpu.memory_space<vmem_shared>> -> memref<128x128xf32, #tpu.memory_space<vmem_shared>>
      tpu.wait_dma2 semaphore(%run_scoped3A : memref<!tpu.dma_semaphore, #tpu.memory_space<semaphore_mem>>) src(%dma_wait3A_87 : memref<128x128xf32, #tpu.memory_space<vmem_shared>>) dst(%arg9 : memref<128x128xf32, #tpu.memory_space<vmem>>)
      tpu.yield
    }) : () -> ()
    %add3A_78 = arith.constant 512 : i32
    %add3A_79 = arith.addi %add3A_59, %add3A_78 : i32
    "tpu.region"() ({
      %run_scoped3A = tpu.sem_alloc : memref<!tpu.dma_semaphore, #tpu.memory_space<semaphore_mem>>
      %dma_start3A_80 = arith.constant 0 : i32
      %dma_start3A_81 = tpu.memref_slice %arg5[%add3A_79, %dma_start3A_80] : memref<20480x128xf32, #tpu.memory_space<hbm>> -> memref<128x128xf32, #tpu.memory_space<hbm>>
      %dma_start3A_82 = arith.constant 0 : i32
      %dma_start3A_83 = tpu.memref_slice %arg5[%add3A_79, %dma_start3A_82] : memref<20480x128xf32, #tpu.memory_space<hbm>> -> memref<128x128xf32, #tpu.memory_space<hbm>>
      tpu.enqueue_dma source(%arg9 : memref<128x128xf32, #tpu.memory_space<vmem>>) target(%dma_start3A_83 : memref<128x128xf32, #tpu.memory_space<hbm>>) target_semaphore(%run_scoped3A : memref<!tpu.dma_semaphore, #tpu.memory_space<semaphore_mem>>)
      %dma_wait3A_84 = arith.constant 0 : i32
      %dma_wait3A_85 = tpu.memref_slice %arg5[%add3A_79, %dma_wait3A_84] : memref<20480x128xf32, #tpu.memory_space<hbm>> -> memref<128x128xf32, #tpu.memory_space<hbm>>
      %dma_wait3A_86 = arith.constant 0 : i32
      %dma_wait3A_87 = tpu.memref_slice %arg5[%add3A_79, %dma_wait3A_86] : memref<20480x128xf32, #tpu.memory_space<hbm>> -> memref<128x128xf32, #tpu.memory_space<hbm>>
      tpu.wait_dma2 semaphore(%run_scoped3A : memref<!tpu.dma_semaphore, #tpu.memory_space<semaphore_mem>>) src(%arg9 : memref<128x128xf32, #tpu.memory_space<vmem>>) dst(%dma_wait3A_87 : memref<128x128xf32, #tpu.memory_space<hbm>>)
      tpu.yield
    }) : () -> ()
    return
  }
}

#map = affine_map<(d0, d1) -> (0)>
#map1 = affine_map<(d0, d1) -> (0, 0)>
module attributes {stable_mosaic.version = 14 : i64} {
  func.func @_cnt_body(%arg0: i32, %arg1: i32, %arg2: memref<327680xi32, #tpu.memory_space<hbm>>, %arg3: memref<20480x128xf32, #tpu.memory_space<hbm>>, %arg4: memref<128xi32, #tpu.memory_space<vmem>>, %arg5: memref<128x128xf32, #tpu.memory_space<vmem>>, %arg6: memref<10240x128xf32, #tpu.memory_space<vmem_shared>>, %arg7: memref<!tpu.dma_semaphore, #tpu.memory_space<semaphore_mem>>) attributes {dimension_semantics = [#tpu.dimension_semantics<core_parallel>, #tpu.dimension_semantics<subcore_parallel>], iteration_bounds = array<i64: 2, 16>, scalar_prefetch = 0 : i64, scratch_operands = 4 : i64, tpu.core_type = #tpu.core_type<sc_vector_subcore>, window_params = [{transform_indices = #map}, {transform_indices = #map1}]} {
    %mul3A = arith.constant 16 : i32
    %mul3A_0 = arith.muli %arg0, %mul3A : i32
    %add3A = arith.addi %mul3A_0, %arg1 : i32
    %mul3A_1 = arith.constant 10240 : i32
    %mul3A_2 = arith.muli %add3A, %mul3A_1 : i32
    %mul3A_3 = arith.constant 640 : i32
    %mul3A_4 = arith.muli %arg1, %mul3A_3 : i32
    %broadcast_in_dim3A = arith.constant 0.000000e+00 : f32
    %broadcast_in_dim3A_5 = vector.broadcast %broadcast_in_dim3A : f32 to vector<16xf32>
    %scan3A = arith.constant 0 : i32
    %scan3A_6 = arith.constant 0 : i32
    %scan3A_7 = arith.constant 128 : i32
    %scan3A_8 = arith.addi %scan3A_6, %scan3A_7 : i32
    %scan3A_9 = arith.constant 1 : i32
    %scan3A_10 = scf.for %scan3A_62 = %scan3A_6 to %scan3A_8 step %scan3A_9 iter_args(%scan3A_63 = %scan3A) -> (i32)  : i32 {
      %swap3A = arith.index_cast %scan3A_62 : i32 to index
      %swap3A_64 = arith.constant 0 : index
      %swap3A_65 = tpu.vector_load %arg5[%swap3A, %swap3A_64] {strides = array<i32>} : memref<128x128xf32, #tpu.memory_space<vmem>>, vector<1x16xf32>,
      %swap3A_66 = vector.shape_cast %swap3A_65 : vector<1x16xf32> to vector<16xf32>
      %swap3A_67 = vector.shape_cast %broadcast_in_dim3A_5 : vector<16xf32> to vector<1x16xf32>
      tpu.vector_store %arg5[%swap3A, %swap3A_64], %swap3A_67 {strides = array<i32>} : memref<128x128xf32, #tpu.memory_space<vmem>>, vector<1x16xf32>,
      %swap3A_68 = arith.index_cast %scan3A_62 : i32 to index
      %swap3A_69 = arith.constant 16 : index
      %swap3A_70 = tpu.vector_load %arg5[%swap3A_68, %swap3A_69] {strides = array<i32>} : memref<128x128xf32, #tpu.memory_space<vmem>>, vector<1x16xf32>,
      %swap3A_71 = vector.shape_cast %swap3A_70 : vector<1x16xf32> to vector<16xf32>
      %swap3A_72 = vector.shape_cast %broadcast_in_dim3A_5 : vector<16xf32> to vector<1x16xf32>
      tpu.vector_store %arg5[%swap3A_68, %swap3A_69], %swap3A_72 {strides = array<i32>} : memref<128x128xf32, #tpu.memory_space<vmem>>, vector<1x16xf32>,
      %swap3A_73 = arith.index_cast %scan3A_62 : i32 to index
      %swap3A_74 = arith.constant 32 : index
      %swap3A_75 = tpu.vector_load %arg5[%swap3A_73, %swap3A_74] {strides = array<i32>} : memref<128x128xf32, #tpu.memory_space<vmem>>, vector<1x16xf32>,
      %swap3A_76 = vector.shape_cast %swap3A_75 : vector<1x16xf32> to vector<16xf32>
      %swap3A_77 = vector.shape_cast %broadcast_in_dim3A_5 : vector<16xf32> to vector<1x16xf32>
      tpu.vector_store %arg5[%swap3A_73, %swap3A_74], %swap3A_77 {strides = array<i32>} : memref<128x128xf32, #tpu.memory_space<vmem>>, vector<1x16xf32>,
      %swap3A_78 = arith.index_cast %scan3A_62 : i32 to index
      %swap3A_79 = arith.constant 48 : index
      %swap3A_80 = tpu.vector_load %arg5[%swap3A_78, %swap3A_79] {strides = array<i32>} : memref<128x128xf32, #tpu.memory_space<vmem>>, vector<1x16xf32>,
      %swap3A_81 = vector.shape_cast %swap3A_80 : vector<1x16xf32> to vector<16xf32>
      %swap3A_82 = vector.shape_cast %broadcast_in_dim3A_5 : vector<16xf32> to vector<1x16xf32>
      tpu.vector_store %arg5[%swap3A_78, %swap3A_79], %swap3A_82 {strides = array<i32>} : memref<128x128xf32, #tpu.memory_space<vmem>>, vector<1x16xf32>,
      %swap3A_83 = arith.index_cast %scan3A_62 : i32 to index
      %swap3A_84 = arith.constant 64 : index
      %swap3A_85 = tpu.vector_load %arg5[%swap3A_83, %swap3A_84] {strides = array<i32>} : memref<128x128xf32, #tpu.memory_space<vmem>>, vector<1x16xf32>,
      %swap3A_86 = vector.shape_cast %swap3A_85 : vector<1x16xf32> to vector<16xf32>
      %swap3A_87 = vector.shape_cast %broadcast_in_dim3A_5 : vector<16xf32> to vector<1x16xf32>
      tpu.vector_store %arg5[%swap3A_83, %swap3A_84], %swap3A_87 {strides = array<i32>} : memref<128x128xf32, #tpu.memory_space<vmem>>, vector<1x16xf32>,
      %swap3A_88 = arith.index_cast %scan3A_62 : i32 to index
      %swap3A_89 = arith.constant 80 : index
      %swap3A_90 = tpu.vector_load %arg5[%swap3A_88, %swap3A_89] {strides = array<i32>} : memref<128x128xf32, #tpu.memory_space<vmem>>, vector<1x16xf32>,
      %swap3A_91 = vector.shape_cast %swap3A_90 : vector<1x16xf32> to vector<16xf32>
      %swap3A_92 = vector.shape_cast %broadcast_in_dim3A_5 : vector<16xf32> to vector<1x16xf32>
      tpu.vector_store %arg5[%swap3A_88, %swap3A_89], %swap3A_92 {strides = array<i32>} : memref<128x128xf32, #tpu.memory_space<vmem>>, vector<1x16xf32>,
      %swap3A_93 = arith.index_cast %scan3A_62 : i32 to index
      %swap3A_94 = arith.constant 96 : index
      %swap3A_95 = tpu.vector_load %arg5[%swap3A_93, %swap3A_94] {strides = array<i32>} : memref<128x128xf32, #tpu.memory_space<vmem>>, vector<1x16xf32>,
      %swap3A_96 = vector.shape_cast %swap3A_95 : vector<1x16xf32> to vector<16xf32>
      %swap3A_97 = vector.shape_cast %broadcast_in_dim3A_5 : vector<16xf32> to vector<1x16xf32>
      tpu.vector_store %arg5[%swap3A_93, %swap3A_94], %swap3A_97 {strides = array<i32>} : memref<128x128xf32, #tpu.memory_space<vmem>>, vector<1x16xf32>,
      %swap3A_98 = arith.index_cast %scan3A_62 : i32 to index
      %swap3A_99 = arith.constant 112 : index
      %swap3A_100 = tpu.vector_load %arg5[%swap3A_98, %swap3A_99] {strides = array<i32>} : memref<128x128xf32, #tpu.memory_space<vmem>>, vector<1x16xf32>,
      %swap3A_101 = vector.shape_cast %swap3A_100 : vector<1x16xf32> to vector<16xf32>
      %swap3A_102 = vector.shape_cast %broadcast_in_dim3A_5 : vector<16xf32> to vector<1x16xf32>
      tpu.vector_store %arg5[%swap3A_98, %swap3A_99], %swap3A_102 {strides = array<i32>} : memref<128x128xf32, #tpu.memory_space<vmem>>, vector<1x16xf32>,
      %scan3A_103 = arith.constant 0 : i32
      scf.yield %scan3A_103 : i32
    }
    %scan3A_11 = arith.constant 128 : i32
    %add3A_12 = arith.constant 0 : i32
    %add3A_13 = arith.addi %mul3A_4, %add3A_12 : i32
    "tpu.region"() ({
      %run_scoped3A = tpu.sem_alloc : memref<!tpu.dma_semaphore, #tpu.memory_space<semaphore_mem>>
      %dma_start3A = arith.constant 0 : i32
      %dma_start3A_62 = tpu.memref_slice %arg6[%add3A_13, %dma_start3A] : memref<10240x128xf32, #tpu.memory_space<vmem_shared>> -> memref<128x128xf32, #tpu.memory_space<vmem_shared>>
      %dma_start3A_63 = arith.constant 0 : i32
      %dma_start3A_64 = tpu.memref_slice %arg6[%add3A_13, %dma_start3A_63] : memref<10240x128xf32, #tpu.memory_space<vmem_shared>> -> memref<128x128xf32, #tpu.memory_space<vmem_shared>>
      tpu.enqueue_dma source(%arg5 : memref<128x128xf32, #tpu.memory_space<vmem>>) target(%dma_start3A_64 : memref<128x128xf32, #tpu.memory_space<vmem_shared>>) target_semaphore(%run_scoped3A : memref<!tpu.dma_semaphore, #tpu.memory_space<semaphore_mem>>)
      %dma_wait3A = arith.constant 0 : i32
      %dma_wait3A_65 = tpu.memref_slice %arg6[%add3A_13, %dma_wait3A] : memref<10240x128xf32, #tpu.memory_space<vmem_shared>> -> memref<128x128xf32, #tpu.memory_space<vmem_shared>>
      %dma_wait3A_66 = arith.constant 0 : i32
      %dma_wait3A_67 = tpu.memref_slice %arg6[%add3A_13, %dma_wait3A_66] : memref<10240x128xf32, #tpu.memory_space<vmem_shared>> -> memref<128x128xf32, #tpu.memory_space<vmem_shared>>
      tpu.wait_dma2 semaphore(%run_scoped3A : memref<!tpu.dma_semaphore, #tpu.memory_space<semaphore_mem>>) src(%arg5 : memref<128x128xf32, #tpu.memory_space<vmem>>) dst(%dma_wait3A_67 : memref<128x128xf32, #tpu.memory_space<vmem_shared>>)
      tpu.yield
    }) : () -> ()
    %add3A_14 = arith.constant 128 : i32
    %add3A_15 = arith.addi %mul3A_4, %add3A_14 : i32
    "tpu.region"() ({
      %run_scoped3A = tpu.sem_alloc : memref<!tpu.dma_semaphore, #tpu.memory_space<semaphore_mem>>
      %dma_start3A = arith.constant 0 : i32
      %dma_start3A_62 = tpu.memref_slice %arg6[%add3A_15, %dma_start3A] : memref<10240x128xf32, #tpu.memory_space<vmem_shared>> -> memref<128x128xf32, #tpu.memory_space<vmem_shared>>
      %dma_start3A_63 = arith.constant 0 : i32
      %dma_start3A_64 = tpu.memref_slice %arg6[%add3A_15, %dma_start3A_63] : memref<10240x128xf32, #tpu.memory_space<vmem_shared>> -> memref<128x128xf32, #tpu.memory_space<vmem_shared>>
      tpu.enqueue_dma source(%arg5 : memref<128x128xf32, #tpu.memory_space<vmem>>) target(%dma_start3A_64 : memref<128x128xf32, #tpu.memory_space<vmem_shared>>) target_semaphore(%run_scoped3A : memref<!tpu.dma_semaphore, #tpu.memory_space<semaphore_mem>>)
      %dma_wait3A = arith.constant 0 : i32
      %dma_wait3A_65 = tpu.memref_slice %arg6[%add3A_15, %dma_wait3A] : memref<10240x128xf32, #tpu.memory_space<vmem_shared>> -> memref<128x128xf32, #tpu.memory_space<vmem_shared>>
      %dma_wait3A_66 = arith.constant 0 : i32
      %dma_wait3A_67 = tpu.memref_slice %arg6[%add3A_15, %dma_wait3A_66] : memref<10240x128xf32, #tpu.memory_space<vmem_shared>> -> memref<128x128xf32, #tpu.memory_space<vmem_shared>>
      tpu.wait_dma2 semaphore(%run_scoped3A : memref<!tpu.dma_semaphore, #tpu.memory_space<semaphore_mem>>) src(%arg5 : memref<128x128xf32, #tpu.memory_space<vmem>>) dst(%dma_wait3A_67 : memref<128x128xf32, #tpu.memory_space<vmem_shared>>)
      tpu.yield
    }) : () -> ()
    %add3A_16 = arith.constant 256 : i32
    %add3A_17 = arith.addi %mul3A_4, %add3A_16 : i32
    "tpu.region"() ({
      %run_scoped3A = tpu.sem_alloc : memref<!tpu.dma_semaphore, #tpu.memory_space<semaphore_mem>>
      %dma_start3A = arith.constant 0 : i32
      %dma_start3A_62 = tpu.memref_slice %arg6[%add3A_17, %dma_start3A] : memref<10240x128xf32, #tpu.memory_space<vmem_shared>> -> memref<128x128xf32, #tpu.memory_space<vmem_shared>>
      %dma_start3A_63 = arith.constant 0 : i32
      %dma_start3A_64 = tpu.memref_slice %arg6[%add3A_17, %dma_start3A_63] : memref<10240x128xf32, #tpu.memory_space<vmem_shared>> -> memref<128x128xf32, #tpu.memory_space<vmem_shared>>
      tpu.enqueue_dma source(%arg5 : memref<128x128xf32, #tpu.memory_space<vmem>>) target(%dma_start3A_64 : memref<128x128xf32, #tpu.memory_space<vmem_shared>>) target_semaphore(%run_scoped3A : memref<!tpu.dma_semaphore, #tpu.memory_space<semaphore_mem>>)
      %dma_wait3A = arith.constant 0 : i32
      %dma_wait3A_65 = tpu.memref_slice %arg6[%add3A_17, %dma_wait3A] : memref<10240x128xf32, #tpu.memory_space<vmem_shared>> -> memref<128x128xf32, #tpu.memory_space<vmem_shared>>
      %dma_wait3A_66 = arith.constant 0 : i32
      %dma_wait3A_67 = tpu.memref_slice %arg6[%add3A_17, %dma_wait3A_66] : memref<10240x128xf32, #tpu.memory_space<vmem_shared>> -> memref<128x128xf32, #tpu.memory_space<vmem_shared>>
      tpu.wait_dma2 semaphore(%run_scoped3A : memref<!tpu.dma_semaphore, #tpu.memory_space<semaphore_mem>>) src(%arg5 : memref<128x128xf32, #tpu.memory_space<vmem>>) dst(%dma_wait3A_67 : memref<128x128xf32, #tpu.memory_space<vmem_shared>>)
      tpu.yield
    }) : () -> ()
    %add3A_18 = arith.constant 384 : i32
    %add3A_19 = arith.addi %mul3A_4, %add3A_18 : i32
    "tpu.region"() ({
      %run_scoped3A = tpu.sem_alloc : memref<!tpu.dma_semaphore, #tpu.memory_space<semaphore_mem>>
      %dma_start3A = arith.constant 0 : i32
      %dma_start3A_62 = tpu.memref_slice %arg6[%add3A_19, %dma_start3A] : memref<10240x128xf32, #tpu.memory_space<vmem_shared>> -> memref<128x128xf32, #tpu.memory_space<vmem_shared>>
      %dma_start3A_63 = arith.constant 0 : i32
      %dma_start3A_64 = tpu.memref_slice %arg6[%add3A_19, %dma_start3A_63] : memref<10240x128xf32, #tpu.memory_space<vmem_shared>> -> memref<128x128xf32, #tpu.memory_space<vmem_shared>>
      tpu.enqueue_dma source(%arg5 : memref<128x128xf32, #tpu.memory_space<vmem>>) target(%dma_start3A_64 : memref<128x128xf32, #tpu.memory_space<vmem_shared>>) target_semaphore(%run_scoped3A : memref<!tpu.dma_semaphore, #tpu.memory_space<semaphore_mem>>)
      %dma_wait3A = arith.constant 0 : i32
      %dma_wait3A_65 = tpu.memref_slice %arg6[%add3A_19, %dma_wait3A] : memref<10240x128xf32, #tpu.memory_space<vmem_shared>> -> memref<128x128xf32, #tpu.memory_space<vmem_shared>>
      %dma_wait3A_66 = arith.constant 0 : i32
      %dma_wait3A_67 = tpu.memref_slice %arg6[%add3A_19, %dma_wait3A_66] : memref<10240x128xf32, #tpu.memory_space<vmem_shared>> -> memref<128x128xf32, #tpu.memory_space<vmem_shared>>
      tpu.wait_dma2 semaphore(%run_scoped3A : memref<!tpu.dma_semaphore, #tpu.memory_space<semaphore_mem>>) src(%arg5 : memref<128x128xf32, #tpu.memory_space<vmem>>) dst(%dma_wait3A_67 : memref<128x128xf32, #tpu.memory_space<vmem_shared>>)
      tpu.yield
    }) : () -> ()
    %add3A_20 = arith.constant 512 : i32
    %add3A_21 = arith.addi %mul3A_4, %add3A_20 : i32
    "tpu.region"() ({
      %run_scoped3A = tpu.sem_alloc : memref<!tpu.dma_semaphore, #tpu.memory_space<semaphore_mem>>
      %dma_start3A = arith.constant 0 : i32
      %dma_start3A_62 = tpu.memref_slice %arg6[%add3A_21, %dma_start3A] : memref<10240x128xf32, #tpu.memory_space<vmem_shared>> -> memref<128x128xf32, #tpu.memory_space<vmem_shared>>
      %dma_start3A_63 = arith.constant 0 : i32
      %dma_start3A_64 = tpu.memref_slice %arg6[%add3A_21, %dma_start3A_63] : memref<10240x128xf32, #tpu.memory_space<vmem_shared>> -> memref<128x128xf32, #tpu.memory_space<vmem_shared>>
      tpu.enqueue_dma source(%arg5 : memref<128x128xf32, #tpu.memory_space<vmem>>) target(%dma_start3A_64 : memref<128x128xf32, #tpu.memory_space<vmem_shared>>) target_semaphore(%run_scoped3A : memref<!tpu.dma_semaphore, #tpu.memory_space<semaphore_mem>>)
      %dma_wait3A = arith.constant 0 : i32
      %dma_wait3A_65 = tpu.memref_slice %arg6[%add3A_21, %dma_wait3A] : memref<10240x128xf32, #tpu.memory_space<vmem_shared>> -> memref<128x128xf32, #tpu.memory_space<vmem_shared>>
      %dma_wait3A_66 = arith.constant 0 : i32
      %dma_wait3A_67 = tpu.memref_slice %arg6[%add3A_21, %dma_wait3A_66] : memref<10240x128xf32, #tpu.memory_space<vmem_shared>> -> memref<128x128xf32, #tpu.memory_space<vmem_shared>>
      tpu.wait_dma2 semaphore(%run_scoped3A : memref<!tpu.dma_semaphore, #tpu.memory_space<semaphore_mem>>) src(%arg5 : memref<128x128xf32, #tpu.memory_space<vmem>>) dst(%dma_wait3A_67 : memref<128x128xf32, #tpu.memory_space<vmem_shared>>)
      tpu.yield
    }) : () -> ()
    %broadcast_in_dim3A_22 = arith.constant 1.000000e+00 : f32
    %broadcast_in_dim3A_23 = vector.broadcast %broadcast_in_dim3A_22 : f32 to vector<16xf32>
    %scan3A_24 = arith.constant 0 : i32
    %scan3A_25 = arith.constant 0 : i32
    %scan3A_26 = arith.constant 128 : i32
    %scan3A_27 = arith.addi %scan3A_25, %scan3A_26 : i32
    %scan3A_28 = arith.constant 1 : i32
    %scan3A_29 = scf.for %scan3A_62 = %scan3A_25 to %scan3A_27 step %scan3A_28 iter_args(%scan3A_63 = %scan3A_24) -> (i32)  : i32 {
      %swap3A = arith.index_cast %scan3A_62 : i32 to index
      %swap3A_64 = arith.constant 0 : index
      %swap3A_65 = tpu.vector_load %arg5[%swap3A, %swap3A_64] {strides = array<i32>} : memref<128x128xf32, #tpu.memory_space<vmem>>, vector<1x16xf32>,
      %swap3A_66 = vector.shape_cast %swap3A_65 : vector<1x16xf32> to vector<16xf32>
      %swap3A_67 = vector.shape_cast %broadcast_in_dim3A_23 : vector<16xf32> to vector<1x16xf32>
      tpu.vector_store %arg5[%swap3A, %swap3A_64], %swap3A_67 {strides = array<i32>} : memref<128x128xf32, #tpu.memory_space<vmem>>, vector<1x16xf32>,
      %swap3A_68 = arith.index_cast %scan3A_62 : i32 to index
      %swap3A_69 = arith.constant 16 : index
      %swap3A_70 = tpu.vector_load %arg5[%swap3A_68, %swap3A_69] {strides = array<i32>} : memref<128x128xf32, #tpu.memory_space<vmem>>, vector<1x16xf32>,
      %swap3A_71 = vector.shape_cast %swap3A_70 : vector<1x16xf32> to vector<16xf32>
      %swap3A_72 = vector.shape_cast %broadcast_in_dim3A_23 : vector<16xf32> to vector<1x16xf32>
      tpu.vector_store %arg5[%swap3A_68, %swap3A_69], %swap3A_72 {strides = array<i32>} : memref<128x128xf32, #tpu.memory_space<vmem>>, vector<1x16xf32>,
      %swap3A_73 = arith.index_cast %scan3A_62 : i32 to index
      %swap3A_74 = arith.constant 32 : index
      %swap3A_75 = tpu.vector_load %arg5[%swap3A_73, %swap3A_74] {strides = array<i32>} : memref<128x128xf32, #tpu.memory_space<vmem>>, vector<1x16xf32>,
      %swap3A_76 = vector.shape_cast %swap3A_75 : vector<1x16xf32> to vector<16xf32>
      %swap3A_77 = vector.shape_cast %broadcast_in_dim3A_23 : vector<16xf32> to vector<1x16xf32>
      tpu.vector_store %arg5[%swap3A_73, %swap3A_74], %swap3A_77 {strides = array<i32>} : memref<128x128xf32, #tpu.memory_space<vmem>>, vector<1x16xf32>,
      %swap3A_78 = arith.index_cast %scan3A_62 : i32 to index
      %swap3A_79 = arith.constant 48 : index
      %swap3A_80 = tpu.vector_load %arg5[%swap3A_78, %swap3A_79] {strides = array<i32>} : memref<128x128xf32, #tpu.memory_space<vmem>>, vector<1x16xf32>,
      %swap3A_81 = vector.shape_cast %swap3A_80 : vector<1x16xf32> to vector<16xf32>
      %swap3A_82 = vector.shape_cast %broadcast_in_dim3A_23 : vector<16xf32> to vector<1x16xf32>
      tpu.vector_store %arg5[%swap3A_78, %swap3A_79], %swap3A_82 {strides = array<i32>} : memref<128x128xf32, #tpu.memory_space<vmem>>, vector<1x16xf32>,
      %swap3A_83 = arith.index_cast %scan3A_62 : i32 to index
      %swap3A_84 = arith.constant 64 : index
      %swap3A_85 = tpu.vector_load %arg5[%swap3A_83, %swap3A_84] {strides = array<i32>} : memref<128x128xf32, #tpu.memory_space<vmem>>, vector<1x16xf32>,
      %swap3A_86 = vector.shape_cast %swap3A_85 : vector<1x16xf32> to vector<16xf32>
      %swap3A_87 = vector.shape_cast %broadcast_in_dim3A_23 : vector<16xf32> to vector<1x16xf32>
      tpu.vector_store %arg5[%swap3A_83, %swap3A_84], %swap3A_87 {strides = array<i32>} : memref<128x128xf32, #tpu.memory_space<vmem>>, vector<1x16xf32>,
      %swap3A_88 = arith.index_cast %scan3A_62 : i32 to index
      %swap3A_89 = arith.constant 80 : index
      %swap3A_90 = tpu.vector_load %arg5[%swap3A_88, %swap3A_89] {strides = array<i32>} : memref<128x128xf32, #tpu.memory_space<vmem>>, vector<1x16xf32>,
      %swap3A_91 = vector.shape_cast %swap3A_90 : vector<1x16xf32> to vector<16xf32>
      %swap3A_92 = vector.shape_cast %broadcast_in_dim3A_23 : vector<16xf32> to vector<1x16xf32>
      tpu.vector_store %arg5[%swap3A_88, %swap3A_89], %swap3A_92 {strides = array<i32>} : memref<128x128xf32, #tpu.memory_space<vmem>>, vector<1x16xf32>,
      %swap3A_93 = arith.index_cast %scan3A_62 : i32 to index
      %swap3A_94 = arith.constant 96 : index
      %swap3A_95 = tpu.vector_load %arg5[%swap3A_93, %swap3A_94] {strides = array<i32>} : memref<128x128xf32, #tpu.memory_space<vmem>>, vector<1x16xf32>,
      %swap3A_96 = vector.shape_cast %swap3A_95 : vector<1x16xf32> to vector<16xf32>
      %swap3A_97 = vector.shape_cast %broadcast_in_dim3A_23 : vector<16xf32> to vector<1x16xf32>
      tpu.vector_store %arg5[%swap3A_93, %swap3A_94], %swap3A_97 {strides = array<i32>} : memref<128x128xf32, #tpu.memory_space<vmem>>, vector<1x16xf32>,
      %swap3A_98 = arith.index_cast %scan3A_62 : i32 to index
      %swap3A_99 = arith.constant 112 : index
      %swap3A_100 = tpu.vector_load %arg5[%swap3A_98, %swap3A_99] {strides = array<i32>} : memref<128x128xf32, #tpu.memory_space<vmem>>, vector<1x16xf32>,
      %swap3A_101 = vector.shape_cast %swap3A_100 : vector<1x16xf32> to vector<16xf32>
      %swap3A_102 = vector.shape_cast %broadcast_in_dim3A_23 : vector<16xf32> to vector<1x16xf32>
      tpu.vector_store %arg5[%swap3A_98, %swap3A_99], %swap3A_102 {strides = array<i32>} : memref<128x128xf32, #tpu.memory_space<vmem>>, vector<1x16xf32>,
      %scan3A_103 = arith.constant 0 : i32
      scf.yield %scan3A_103 : i32
    }
    %scan3A_30 = arith.constant 128 : i32
    %barrier3A = arith.constant 0 : index
    tpu.barrier barrier_id(%barrier3A)
    %scan3A_31 = arith.constant 0 : i32
    %scan3A_32 = arith.constant 0 : i32
    %scan3A_33 = arith.constant 80 : i32
    %scan3A_34 = arith.addi %scan3A_32, %scan3A_33 : i32
    %scan3A_35 = arith.constant 1 : i32
    %scan3A_36 = scf.for %scan3A_62 = %scan3A_32 to %scan3A_34 step %scan3A_35 iter_args(%scan3A_63 = %scan3A_31) -> (i32)  : i32 {
      %mul3A_64 = arith.constant 128 : i32
      %mul3A_65 = arith.muli %scan3A_62, %mul3A_64 : i32
      %add3A_66 = arith.addi %mul3A_2, %mul3A_65 : i32
      "tpu.region"() ({
        %run_scoped3A = tpu.sem_alloc : memref<!tpu.dma_semaphore, #tpu.memory_space<semaphore_mem>>
        %dma_start3A = tpu.memref_slice %arg2[%add3A_66] : memref<327680xi32, #tpu.memory_space<hbm>> -> memref<128xi32, #tpu.memory_space<hbm>>
        %dma_start3A_68 = tpu.memref_slice %arg2[%add3A_66] : memref<327680xi32, #tpu.memory_space<hbm>> -> memref<128xi32, #tpu.memory_space<hbm>>
        tpu.enqueue_dma source(%dma_start3A_68 : memref<128xi32, #tpu.memory_space<hbm>>) target(%arg4 : memref<128xi32, #tpu.memory_space<vmem>>) target_semaphore(%run_scoped3A : memref<!tpu.dma_semaphore, #tpu.memory_space<semaphore_mem>>)
        %dma_wait3A = tpu.memref_slice %arg2[%add3A_66] : memref<327680xi32, #tpu.memory_space<hbm>> -> memref<128xi32, #tpu.memory_space<hbm>>
        %dma_wait3A_69 = tpu.memref_slice %arg2[%add3A_66] : memref<327680xi32, #tpu.memory_space<hbm>> -> memref<128xi32, #tpu.memory_space<hbm>>
        tpu.wait_dma2 semaphore(%run_scoped3A : memref<!tpu.dma_semaphore, #tpu.memory_space<semaphore_mem>>) src(%dma_wait3A_69 : memref<128xi32, #tpu.memory_space<hbm>>) dst(%arg4 : memref<128xi32, #tpu.memory_space<vmem>>)
        tpu.yield
      }) : () -> ()
      "tpu.region"() ({
        %run_scoped3A = tpu.sem_alloc : memref<!tpu.dma_semaphore, #tpu.memory_space<semaphore_mem>>
        %dma_start3A = arith.constant 0 : i32
        %dma_start3A_68 = arith.constant 0 : i32
        %dma_start3A_69 = tpu.memref_slice %arg6[%dma_start3A, %dma_start3A_68] : memref<10240x128xf32, #tpu.memory_space<vmem_shared>> -> memref<10240x128xf32, #tpu.memory_space<vmem_shared>>
        tpu.enqueue_indirect_dma source(%arg5 : memref<128x128xf32, #tpu.memory_space<vmem>>) target(%dma_start3A_69 : memref<10240x128xf32, #tpu.memory_space<vmem_shared>>) offsets(%arg4 : memref<128xi32, #tpu.memory_space<vmem>>) semaphore(%run_scoped3A : memref<!tpu.dma_semaphore, #tpu.memory_space<semaphore_mem>>) {add = true}
        %dma_wait3A = arith.constant 0 : i32
        %dma_wait3A_70 = arith.constant 0 : i32
        %dma_wait3A_71 = tpu.memref_slice %arg6[%dma_wait3A, %dma_wait3A_70] : memref<10240x128xf32, #tpu.memory_space<vmem_shared>> -> memref<10240x128xf32, #tpu.memory_space<vmem_shared>>
        tpu.wait_indirect_dma semaphore(%run_scoped3A : memref<!tpu.dma_semaphore, #tpu.memory_space<semaphore_mem>>) src(%arg5 : memref<128x128xf32, #tpu.memory_space<vmem>>) dst(%dma_wait3A_71 : memref<10240x128xf32, #tpu.memory_space<vmem_shared>>)
        tpu.yield
      }) : () -> ()
      %scan3A_67 = arith.constant 0 : i32
      scf.yield %scan3A_67 : i32
    }
    %scan3A_37 = arith.constant 80 : i32
    %barrier3A_38 = arith.constant 0 : index
    tpu.barrier barrier_id(%barrier3A_38)
    %mul3A_39 = arith.constant 10240 : i32
    %mul3A_40 = arith.muli %arg0, %mul3A_39 : i32
    %add3A_41 = arith.addi %mul3A_40, %mul3A_4 : i32
    %add3A_42 = arith.constant 0 : i32
    %add3A_43 = arith.addi %mul3A_4, %add3A_42 : i32
    "tpu.region"() ({
      %run_scoped3A = tpu.sem_alloc : memref<!tpu.dma_semaphore, #tpu.memory_space<semaphore_mem>>
      %dma_start3A = arith.constant 0 : i32
      %dma_start3A_62 = tpu.memref_slice %arg6[%add3A_43, %dma_start3A] : memref<10240x128xf32, #tpu.memory_space<vmem_shared>> -> memref<128x128xf32, #tpu.memory_space<vmem_shared>>
      %dma_start3A_63 = arith.constant 0 : i32
      %dma_start3A_64 = tpu.memref_slice %arg6[%add3A_43, %dma_start3A_63] : memref<10240x128xf32, #tpu.memory_space<vmem_shared>> -> memref<128x128xf32, #tpu.memory_space<vmem_shared>>
      tpu.enqueue_dma source(%dma_start3A_64 : memref<128x128xf32, #tpu.memory_space<vmem_shared>>) target(%arg5 : memref<128x128xf32, #tpu.memory_space<vmem>>) target_semaphore(%run_scoped3A : memref<!tpu.dma_semaphore, #tpu.memory_space<semaphore_mem>>)
      %dma_wait3A = arith.constant 0 : i32
      %dma_wait3A_65 = tpu.memref_slice %arg6[%add3A_43, %dma_wait3A] : memref<10240x128xf32, #tpu.memory_space<vmem_shared>> -> memref<128x128xf32, #tpu.memory_space<vmem_shared>>
      %dma_wait3A_66 = arith.constant 0 : i32
      %dma_wait3A_67 = tpu.memref_slice %arg6[%add3A_43, %dma_wait3A_66] : memref<10240x128xf32, #tpu.memory_space<vmem_shared>> -> memref<128x128xf32, #tpu.memory_space<vmem_shared>>
      tpu.wait_dma2 semaphore(%run_scoped3A : memref<!tpu.dma_semaphore, #tpu.memory_space<semaphore_mem>>) src(%dma_wait3A_67 : memref<128x128xf32, #tpu.memory_space<vmem_shared>>) dst(%arg5 : memref<128x128xf32, #tpu.memory_space<vmem>>)
      tpu.yield
    }) : () -> ()
    %add3A_44 = arith.constant 0 : i32
    %add3A_45 = arith.addi %add3A_41, %add3A_44 : i32
    "tpu.region"() ({
      %run_scoped3A = tpu.sem_alloc : memref<!tpu.dma_semaphore, #tpu.memory_space<semaphore_mem>>
      %dma_start3A = arith.constant 0 : i32
      %dma_start3A_62 = tpu.memref_slice %arg3[%add3A_45, %dma_start3A] : memref<20480x128xf32, #tpu.memory_space<hbm>> -> memref<128x128xf32, #tpu.memory_space<hbm>>
      %dma_start3A_63 = arith.constant 0 : i32
      %dma_start3A_64 = tpu.memref_slice %arg3[%add3A_45, %dma_start3A_63] : memref<20480x128xf32, #tpu.memory_space<hbm>> -> memref<128x128xf32, #tpu.memory_space<hbm>>
      tpu.enqueue_dma source(%arg5 : memref<128x128xf32, #tpu.memory_space<vmem>>) target(%dma_start3A_64 : memref<128x128xf32, #tpu.memory_space<hbm>>) target_semaphore(%run_scoped3A : memref<!tpu.dma_semaphore, #tpu.memory_space<semaphore_mem>>)
      %dma_wait3A = arith.constant 0 : i32
      %dma_wait3A_65 = tpu.memref_slice %arg3[%add3A_45, %dma_wait3A] : memref<20480x128xf32, #tpu.memory_space<hbm>> -> memref<128x128xf32, #tpu.memory_space<hbm>>
      %dma_wait3A_66 = arith.constant 0 : i32
      %dma_wait3A_67 = tpu.memref_slice %arg3[%add3A_45, %dma_wait3A_66] : memref<20480x128xf32, #tpu.memory_space<hbm>> -> memref<128x128xf32, #tpu.memory_space<hbm>>
      tpu.wait_dma2 semaphore(%run_scoped3A : memref<!tpu.dma_semaphore, #tpu.memory_space<semaphore_mem>>) src(%arg5 : memref<128x128xf32, #tpu.memory_space<vmem>>) dst(%dma_wait3A_67 : memref<128x128xf32, #tpu.memory_space<hbm>>)
      tpu.yield
    }) : () -> ()
    %add3A_46 = arith.constant 128 : i32
    %add3A_47 = arith.addi %mul3A_4, %add3A_46 : i32
    "tpu.region"() ({
      %run_scoped3A = tpu.sem_alloc : memref<!tpu.dma_semaphore, #tpu.memory_space<semaphore_mem>>
      %dma_start3A = arith.constant 0 : i32
      %dma_start3A_62 = tpu.memref_slice %arg6[%add3A_47, %dma_start3A] : memref<10240x128xf32, #tpu.memory_space<vmem_shared>> -> memref<128x128xf32, #tpu.memory_space<vmem_shared>>
      %dma_start3A_63 = arith.constant 0 : i32
      %dma_start3A_64 = tpu.memref_slice %arg6[%add3A_47, %dma_start3A_63] : memref<10240x128xf32, #tpu.memory_space<vmem_shared>> -> memref<128x128xf32, #tpu.memory_space<vmem_shared>>
      tpu.enqueue_dma source(%dma_start3A_64 : memref<128x128xf32, #tpu.memory_space<vmem_shared>>) target(%arg5 : memref<128x128xf32, #tpu.memory_space<vmem>>) target_semaphore(%run_scoped3A : memref<!tpu.dma_semaphore, #tpu.memory_space<semaphore_mem>>)
      %dma_wait3A = arith.constant 0 : i32
      %dma_wait3A_65 = tpu.memref_slice %arg6[%add3A_47, %dma_wait3A] : memref<10240x128xf32, #tpu.memory_space<vmem_shared>> -> memref<128x128xf32, #tpu.memory_space<vmem_shared>>
      %dma_wait3A_66 = arith.constant 0 : i32
      %dma_wait3A_67 = tpu.memref_slice %arg6[%add3A_47, %dma_wait3A_66] : memref<10240x128xf32, #tpu.memory_space<vmem_shared>> -> memref<128x128xf32, #tpu.memory_space<vmem_shared>>
      tpu.wait_dma2 semaphore(%run_scoped3A : memref<!tpu.dma_semaphore, #tpu.memory_space<semaphore_mem>>) src(%dma_wait3A_67 : memref<128x128xf32, #tpu.memory_space<vmem_shared>>) dst(%arg5 : memref<128x128xf32, #tpu.memory_space<vmem>>)
      tpu.yield
    }) : () -> ()
    %add3A_48 = arith.constant 128 : i32
    %add3A_49 = arith.addi %add3A_41, %add3A_48 : i32
    "tpu.region"() ({
      %run_scoped3A = tpu.sem_alloc : memref<!tpu.dma_semaphore, #tpu.memory_space<semaphore_mem>>
      %dma_start3A = arith.constant 0 : i32
      %dma_start3A_62 = tpu.memref_slice %arg3[%add3A_49, %dma_start3A] : memref<20480x128xf32, #tpu.memory_space<hbm>> -> memref<128x128xf32, #tpu.memory_space<hbm>>
      %dma_start3A_63 = arith.constant 0 : i32
      %dma_start3A_64 = tpu.memref_slice %arg3[%add3A_49, %dma_start3A_63] : memref<20480x128xf32, #tpu.memory_space<hbm>> -> memref<128x128xf32, #tpu.memory_space<hbm>>
      tpu.enqueue_dma source(%arg5 : memref<128x128xf32, #tpu.memory_space<vmem>>) target(%dma_start3A_64 : memref<128x128xf32, #tpu.memory_space<hbm>>) target_semaphore(%run_scoped3A : memref<!tpu.dma_semaphore, #tpu.memory_space<semaphore_mem>>)
      %dma_wait3A = arith.constant 0 : i32
      %dma_wait3A_65 = tpu.memref_slice %arg3[%add3A_49, %dma_wait3A] : memref<20480x128xf32, #tpu.memory_space<hbm>> -> memref<128x128xf32, #tpu.memory_space<hbm>>
      %dma_wait3A_66 = arith.constant 0 : i32
      %dma_wait3A_67 = tpu.memref_slice %arg3[%add3A_49, %dma_wait3A_66] : memref<20480x128xf32, #tpu.memory_space<hbm>> -> memref<128x128xf32, #tpu.memory_space<hbm>>
      tpu.wait_dma2 semaphore(%run_scoped3A : memref<!tpu.dma_semaphore, #tpu.memory_space<semaphore_mem>>) src(%arg5 : memref<128x128xf32, #tpu.memory_space<vmem>>) dst(%dma_wait3A_67 : memref<128x128xf32, #tpu.memory_space<hbm>>)
      tpu.yield
    }) : () -> ()
    %add3A_50 = arith.constant 256 : i32
    %add3A_51 = arith.addi %mul3A_4, %add3A_50 : i32
    "tpu.region"() ({
      %run_scoped3A = tpu.sem_alloc : memref<!tpu.dma_semaphore, #tpu.memory_space<semaphore_mem>>
      %dma_start3A = arith.constant 0 : i32
      %dma_start3A_62 = tpu.memref_slice %arg6[%add3A_51, %dma_start3A] : memref<10240x128xf32, #tpu.memory_space<vmem_shared>> -> memref<128x128xf32, #tpu.memory_space<vmem_shared>>
      %dma_start3A_63 = arith.constant 0 : i32
      %dma_start3A_64 = tpu.memref_slice %arg6[%add3A_51, %dma_start3A_63] : memref<10240x128xf32, #tpu.memory_space<vmem_shared>> -> memref<128x128xf32, #tpu.memory_space<vmem_shared>>
      tpu.enqueue_dma source(%dma_start3A_64 : memref<128x128xf32, #tpu.memory_space<vmem_shared>>) target(%arg5 : memref<128x128xf32, #tpu.memory_space<vmem>>) target_semaphore(%run_scoped3A : memref<!tpu.dma_semaphore, #tpu.memory_space<semaphore_mem>>)
      %dma_wait3A = arith.constant 0 : i32
      %dma_wait3A_65 = tpu.memref_slice %arg6[%add3A_51, %dma_wait3A] : memref<10240x128xf32, #tpu.memory_space<vmem_shared>> -> memref<128x128xf32, #tpu.memory_space<vmem_shared>>
      %dma_wait3A_66 = arith.constant 0 : i32
      %dma_wait3A_67 = tpu.memref_slice %arg6[%add3A_51, %dma_wait3A_66] : memref<10240x128xf32, #tpu.memory_space<vmem_shared>> -> memref<128x128xf32, #tpu.memory_space<vmem_shared>>
      tpu.wait_dma2 semaphore(%run_scoped3A : memref<!tpu.dma_semaphore, #tpu.memory_space<semaphore_mem>>) src(%dma_wait3A_67 : memref<128x128xf32, #tpu.memory_space<vmem_shared>>) dst(%arg5 : memref<128x128xf32, #tpu.memory_space<vmem>>)
      tpu.yield
    }) : () -> ()
    %add3A_52 = arith.constant 256 : i32
    %add3A_53 = arith.addi %add3A_41, %add3A_52 : i32
    "tpu.region"() ({
      %run_scoped3A = tpu.sem_alloc : memref<!tpu.dma_semaphore, #tpu.memory_space<semaphore_mem>>
      %dma_start3A = arith.constant 0 : i32
      %dma_start3A_62 = tpu.memref_slice %arg3[%add3A_53, %dma_start3A] : memref<20480x128xf32, #tpu.memory_space<hbm>> -> memref<128x128xf32, #tpu.memory_space<hbm>>
      %dma_start3A_63 = arith.constant 0 : i32
      %dma_start3A_64 = tpu.memref_slice %arg3[%add3A_53, %dma_start3A_63] : memref<20480x128xf32, #tpu.memory_space<hbm>> -> memref<128x128xf32, #tpu.memory_space<hbm>>
      tpu.enqueue_dma source(%arg5 : memref<128x128xf32, #tpu.memory_space<vmem>>) target(%dma_start3A_64 : memref<128x128xf32, #tpu.memory_space<hbm>>) target_semaphore(%run_scoped3A : memref<!tpu.dma_semaphore, #tpu.memory_space<semaphore_mem>>)
      %dma_wait3A = arith.constant 0 : i32
      %dma_wait3A_65 = tpu.memref_slice %arg3[%add3A_53, %dma_wait3A] : memref<20480x128xf32, #tpu.memory_space<hbm>> -> memref<128x128xf32, #tpu.memory_space<hbm>>
      %dma_wait3A_66 = arith.constant 0 : i32
      %dma_wait3A_67 = tpu.memref_slice %arg3[%add3A_53, %dma_wait3A_66] : memref<20480x128xf32, #tpu.memory_space<hbm>> -> memref<128x128xf32, #tpu.memory_space<hbm>>
      tpu.wait_dma2 semaphore(%run_scoped3A : memref<!tpu.dma_semaphore, #tpu.memory_space<semaphore_mem>>) src(%arg5 : memref<128x128xf32, #tpu.memory_space<vmem>>) dst(%dma_wait3A_67 : memref<128x128xf32, #tpu.memory_space<hbm>>)
      tpu.yield
    }) : () -> ()
    %add3A_54 = arith.constant 384 : i32
    %add3A_55 = arith.addi %mul3A_4, %add3A_54 : i32
    "tpu.region"() ({
      %run_scoped3A = tpu.sem_alloc : memref<!tpu.dma_semaphore, #tpu.memory_space<semaphore_mem>>
      %dma_start3A = arith.constant 0 : i32
      %dma_start3A_62 = tpu.memref_slice %arg6[%add3A_55, %dma_start3A] : memref<10240x128xf32, #tpu.memory_space<vmem_shared>> -> memref<128x128xf32, #tpu.memory_space<vmem_shared>>
      %dma_start3A_63 = arith.constant 0 : i32
      %dma_start3A_64 = tpu.memref_slice %arg6[%add3A_55, %dma_start3A_63] : memref<10240x128xf32, #tpu.memory_space<vmem_shared>> -> memref<128x128xf32, #tpu.memory_space<vmem_shared>>
      tpu.enqueue_dma source(%dma_start3A_64 : memref<128x128xf32, #tpu.memory_space<vmem_shared>>) target(%arg5 : memref<128x128xf32, #tpu.memory_space<vmem>>) target_semaphore(%run_scoped3A : memref<!tpu.dma_semaphore, #tpu.memory_space<semaphore_mem>>)
      %dma_wait3A = arith.constant 0 : i32
      %dma_wait3A_65 = tpu.memref_slice %arg6[%add3A_55, %dma_wait3A] : memref<10240x128xf32, #tpu.memory_space<vmem_shared>> -> memref<128x128xf32, #tpu.memory_space<vmem_shared>>
      %dma_wait3A_66 = arith.constant 0 : i32
      %dma_wait3A_67 = tpu.memref_slice %arg6[%add3A_55, %dma_wait3A_66] : memref<10240x128xf32, #tpu.memory_space<vmem_shared>> -> memref<128x128xf32, #tpu.memory_space<vmem_shared>>
      tpu.wait_dma2 semaphore(%run_scoped3A : memref<!tpu.dma_semaphore, #tpu.memory_space<semaphore_mem>>) src(%dma_wait3A_67 : memref<128x128xf32, #tpu.memory_space<vmem_shared>>) dst(%arg5 : memref<128x128xf32, #tpu.memory_space<vmem>>)
      tpu.yield
    }) : () -> ()
    %add3A_56 = arith.constant 384 : i32
    %add3A_57 = arith.addi %add3A_41, %add3A_56 : i32
    "tpu.region"() ({
      %run_scoped3A = tpu.sem_alloc : memref<!tpu.dma_semaphore, #tpu.memory_space<semaphore_mem>>
      %dma_start3A = arith.constant 0 : i32
      %dma_start3A_62 = tpu.memref_slice %arg3[%add3A_57, %dma_start3A] : memref<20480x128xf32, #tpu.memory_space<hbm>> -> memref<128x128xf32, #tpu.memory_space<hbm>>
      %dma_start3A_63 = arith.constant 0 : i32
      %dma_start3A_64 = tpu.memref_slice %arg3[%add3A_57, %dma_start3A_63] : memref<20480x128xf32, #tpu.memory_space<hbm>> -> memref<128x128xf32, #tpu.memory_space<hbm>>
      tpu.enqueue_dma source(%arg5 : memref<128x128xf32, #tpu.memory_space<vmem>>) target(%dma_start3A_64 : memref<128x128xf32, #tpu.memory_space<hbm>>) target_semaphore(%run_scoped3A : memref<!tpu.dma_semaphore, #tpu.memory_space<semaphore_mem>>)
      %dma_wait3A = arith.constant 0 : i32
      %dma_wait3A_65 = tpu.memref_slice %arg3[%add3A_57, %dma_wait3A] : memref<20480x128xf32, #tpu.memory_space<hbm>> -> memref<128x128xf32, #tpu.memory_space<hbm>>
      %dma_wait3A_66 = arith.constant 0 : i32
      %dma_wait3A_67 = tpu.memref_slice %arg3[%add3A_57, %dma_wait3A_66] : memref<20480x128xf32, #tpu.memory_space<hbm>> -> memref<128x128xf32, #tpu.memory_space<hbm>>
      tpu.wait_dma2 semaphore(%run_scoped3A : memref<!tpu.dma_semaphore, #tpu.memory_space<semaphore_mem>>) src(%arg5 : memref<128x128xf32, #tpu.memory_space<vmem>>) dst(%dma_wait3A_67 : memref<128x128xf32, #tpu.memory_space<hbm>>)
      tpu.yield
    }) : () -> ()
    %add3A_58 = arith.constant 512 : i32
    %add3A_59 = arith.addi %mul3A_4, %add3A_58 : i32
    "tpu.region"() ({
      %run_scoped3A = tpu.sem_alloc : memref<!tpu.dma_semaphore, #tpu.memory_space<semaphore_mem>>
      %dma_start3A = arith.constant 0 : i32
      %dma_start3A_62 = tpu.memref_slice %arg6[%add3A_59, %dma_start3A] : memref<10240x128xf32, #tpu.memory_space<vmem_shared>> -> memref<128x128xf32, #tpu.memory_space<vmem_shared>>
      %dma_start3A_63 = arith.constant 0 : i32
      %dma_start3A_64 = tpu.memref_slice %arg6[%add3A_59, %dma_start3A_63] : memref<10240x128xf32, #tpu.memory_space<vmem_shared>> -> memref<128x128xf32, #tpu.memory_space<vmem_shared>>
      tpu.enqueue_dma source(%dma_start3A_64 : memref<128x128xf32, #tpu.memory_space<vmem_shared>>) target(%arg5 : memref<128x128xf32, #tpu.memory_space<vmem>>) target_semaphore(%run_scoped3A : memref<!tpu.dma_semaphore, #tpu.memory_space<semaphore_mem>>)
      %dma_wait3A = arith.constant 0 : i32
      %dma_wait3A_65 = tpu.memref_slice %arg6[%add3A_59, %dma_wait3A] : memref<10240x128xf32, #tpu.memory_space<vmem_shared>> -> memref<128x128xf32, #tpu.memory_space<vmem_shared>>
      %dma_wait3A_66 = arith.constant 0 : i32
      %dma_wait3A_67 = tpu.memref_slice %arg6[%add3A_59, %dma_wait3A_66] : memref<10240x128xf32, #tpu.memory_space<vmem_shared>> -> memref<128x128xf32, #tpu.memory_space<vmem_shared>>
      tpu.wait_dma2 semaphore(%run_scoped3A : memref<!tpu.dma_semaphore, #tpu.memory_space<semaphore_mem>>) src(%dma_wait3A_67 : memref<128x128xf32, #tpu.memory_space<vmem_shared>>) dst(%arg5 : memref<128x128xf32, #tpu.memory_space<vmem>>)
      tpu.yield
    }) : () -> ()
    %add3A_60 = arith.constant 512 : i32
    %add3A_61 = arith.addi %add3A_41, %add3A_60 : i32
    "tpu.region"() ({
      %run_scoped3A = tpu.sem_alloc : memref<!tpu.dma_semaphore, #tpu.memory_space<semaphore_mem>>
      %dma_start3A = arith.constant 0 : i32
      %dma_start3A_62 = tpu.memref_slice %arg3[%add3A_61, %dma_start3A] : memref<20480x128xf32, #tpu.memory_space<hbm>> -> memref<128x128xf32, #tpu.memory_space<hbm>>
      %dma_start3A_63 = arith.constant 0 : i32
      %dma_start3A_64 = tpu.memref_slice %arg3[%add3A_61, %dma_start3A_63] : memref<20480x128xf32, #tpu.memory_space<hbm>> -> memref<128x128xf32, #tpu.memory_space<hbm>>
      tpu.enqueue_dma source(%arg5 : memref<128x128xf32, #tpu.memory_space<vmem>>) target(%dma_start3A_64 : memref<128x128xf32, #tpu.memory_space<hbm>>) target_semaphore(%run_scoped3A : memref<!tpu.dma_semaphore, #tpu.memory_space<semaphore_mem>>)
      %dma_wait3A = arith.constant 0 : i32
      %dma_wait3A_65 = tpu.memref_slice %arg3[%add3A_61, %dma_wait3A] : memref<20480x128xf32, #tpu.memory_space<hbm>> -> memref<128x128xf32, #tpu.memory_space<hbm>>
      %dma_wait3A_66 = arith.constant 0 : i32
      %dma_wait3A_67 = tpu.memref_slice %arg3[%add3A_61, %dma_wait3A_66] : memref<20480x128xf32, #tpu.memory_space<hbm>> -> memref<128x128xf32, #tpu.memory_space<hbm>>
      tpu.wait_dma2 semaphore(%run_scoped3A : memref<!tpu.dma_semaphore, #tpu.memory_space<semaphore_mem>>) src(%arg5 : memref<128x128xf32, #tpu.memory_space<vmem>>) dst(%dma_wait3A_67 : memref<128x128xf32, #tpu.memory_space<hbm>>)
      tpu.yield
    }) : () -> ()
    return
  }
}

#map = affine_map<(d0, d1) -> (0, 0)>
#map1 = affine_map<(d0, d1) -> (0)>
module attributes {stable_mosaic.version = 14 : i64} {
  func.func @_agg_body(%arg0: i32, %arg1: i32, %arg2: memref<10000x128xf32, #tpu.memory_space<hbm>>, %arg3: memref<327680xi32, #tpu.memory_space<hbm>>, %arg4: memref<327680xi32, #tpu.memory_space<hbm>>, %arg5: memref<20480x128xf32, #tpu.memory_space<hbm>>, %arg6: memref<10496xi32, #tpu.memory_space<vmem>>, %arg7: memref<128xi32, #tpu.memory_space<vmem>>, %arg8: memref<128xi32, #tpu.memory_space<vmem>>, %arg9: memref<128x128xf32, #tpu.memory_space<vmem>>, %arg10: memref<128x128xf32, #tpu.memory_space<vmem>>, %arg11: memref<10240x128xf32, #tpu.memory_space<vmem_shared>>, %arg12: memref<!tpu.dma_semaphore, #tpu.memory_space<semaphore_mem>>, %arg13: memref<!tpu.dma_semaphore, #tpu.memory_space<semaphore_mem>>) attributes {dimension_semantics = [#tpu.dimension_semantics<core_parallel>, #tpu.dimension_semantics<subcore_parallel>], iteration_bounds = array<i64: 2, 16>, scalar_prefetch = 0 : i64, scratch_operands = 8 : i64, tpu.core_type = #tpu.core_type<sc_vector_subcore>, window_params = [{transform_indices = #map}, {transform_indices = #map1}, {transform_indices = #map1}, {transform_indices = #map}]} {
    %mul3A = arith.constant 16 : i32
    %mul3A_0 = arith.muli %arg0, %mul3A : i32
    %add3A = arith.addi %mul3A_0, %arg1 : i32
    %mul3A_1 = arith.constant 10240 : i32
    %mul3A_2 = arith.muli %add3A, %mul3A_1 : i32
    %mul3A_3 = arith.constant 640 : i32
    %mul3A_4 = arith.muli %arg1, %mul3A_3 : i32
    "tpu.region"() ({
      %run_scoped3A = tpu.sem_alloc : memref<!tpu.dma_semaphore, #tpu.memory_space<semaphore_mem>>
      %dma_start3A_80 = arith.constant 0 : i32
      %dma_start3A_81 = tpu.memref_slice %arg6[%dma_start3A_80] : memref<10496xi32, #tpu.memory_space<vmem>> -> memref<10240xi32, #tpu.memory_space<vmem>>
      %dma_start3A_82 = tpu.memref_slice %arg3[%mul3A_2] : memref<327680xi32, #tpu.memory_space<hbm>> -> memref<10240xi32, #tpu.memory_space<hbm>>
      %dma_start3A_83 = arith.constant 0 : i32
      %dma_start3A_84 = tpu.memref_slice %arg6[%dma_start3A_83] : memref<10496xi32, #tpu.memory_space<vmem>> -> memref<10240xi32, #tpu.memory_space<vmem>>
      %dma_start3A_85 = tpu.memref_slice %arg3[%mul3A_2] : memref<327680xi32, #tpu.memory_space<hbm>> -> memref<10240xi32, #tpu.memory_space<hbm>>
      tpu.enqueue_dma source(%dma_start3A_85 : memref<10240xi32, #tpu.memory_space<hbm>>) target(%dma_start3A_84 : memref<10240xi32, #tpu.memory_space<vmem>>) target_semaphore(%run_scoped3A : memref<!tpu.dma_semaphore, #tpu.memory_space<semaphore_mem>>)
      %dma_wait3A_86 = arith.constant 0 : i32
      %dma_wait3A_87 = tpu.memref_slice %arg6[%dma_wait3A_86] : memref<10496xi32, #tpu.memory_space<vmem>> -> memref<10240xi32, #tpu.memory_space<vmem>>
      %dma_wait3A_88 = tpu.memref_slice %arg3[%mul3A_2] : memref<327680xi32, #tpu.memory_space<hbm>> -> memref<10240xi32, #tpu.memory_space<hbm>>
      %dma_wait3A_89 = arith.constant 0 : i32
      %dma_wait3A_90 = tpu.memref_slice %arg6[%dma_wait3A_89] : memref<10496xi32, #tpu.memory_space<vmem>> -> memref<10240xi32, #tpu.memory_space<vmem>>
      %dma_wait3A_91 = tpu.memref_slice %arg3[%mul3A_2] : memref<327680xi32, #tpu.memory_space<hbm>> -> memref<10240xi32, #tpu.memory_space<hbm>>
      tpu.wait_dma2 semaphore(%run_scoped3A : memref<!tpu.dma_semaphore, #tpu.memory_space<semaphore_mem>>) src(%dma_wait3A_91 : memref<10240xi32, #tpu.memory_space<hbm>>) dst(%dma_wait3A_90 : memref<10240xi32, #tpu.memory_space<vmem>>)
      tpu.yield
    }) : () -> ()
    %broadcast_in_dim3A = arith.constant 0.000000e+00 : f32
    %broadcast_in_dim3A_5 = vector.broadcast %broadcast_in_dim3A : f32 to vector<16xf32>
    %scan3A = arith.constant 0 : i32
    %scan3A_6 = arith.constant 0 : i32
    %scan3A_7 = arith.constant 128 : i32
    %scan3A_8 = arith.addi %scan3A_6, %scan3A_7 : i32
    %scan3A_9 = arith.constant 1 : i32
    %scan3A_10 = scf.for %scan3A_80 = %scan3A_6 to %scan3A_8 step %scan3A_9 iter_args(%scan3A_81 = %scan3A) -> (i32)  : i32 {
      %swap3A = arith.index_cast %scan3A_80 : i32 to index
      %swap3A_82 = arith.constant 0 : index
      %swap3A_83 = tpu.vector_load %arg9[%swap3A, %swap3A_82] {strides = array<i32>} : memref<128x128xf32, #tpu.memory_space<vmem>>, vector<1x16xf32>,
      %swap3A_84 = vector.shape_cast %swap3A_83 : vector<1x16xf32> to vector<16xf32>
      %swap3A_85 = vector.shape_cast %broadcast_in_dim3A_5 : vector<16xf32> to vector<1x16xf32>
      tpu.vector_store %arg9[%swap3A, %swap3A_82], %swap3A_85 {strides = array<i32>} : memref<128x128xf32, #tpu.memory_space<vmem>>, vector<1x16xf32>,
      %swap3A_86 = arith.index_cast %scan3A_80 : i32 to index
      %swap3A_87 = arith.constant 16 : index
      %swap3A_88 = tpu.vector_load %arg9[%swap3A_86, %swap3A_87] {strides = array<i32>} : memref<128x128xf32, #tpu.memory_space<vmem>>, vector<1x16xf32>,
      %swap3A_89 = vector.shape_cast %swap3A_88 : vector<1x16xf32> to vector<16xf32>
      %swap3A_90 = vector.shape_cast %broadcast_in_dim3A_5 : vector<16xf32> to vector<1x16xf32>
      tpu.vector_store %arg9[%swap3A_86, %swap3A_87], %swap3A_90 {strides = array<i32>} : memref<128x128xf32, #tpu.memory_space<vmem>>, vector<1x16xf32>,
      %swap3A_91 = arith.index_cast %scan3A_80 : i32 to index
      %swap3A_92 = arith.constant 32 : index
      %swap3A_93 = tpu.vector_load %arg9[%swap3A_91, %swap3A_92] {strides = array<i32>} : memref<128x128xf32, #tpu.memory_space<vmem>>, vector<1x16xf32>,
      %swap3A_94 = vector.shape_cast %swap3A_93 : vector<1x16xf32> to vector<16xf32>
      %swap3A_95 = vector.shape_cast %broadcast_in_dim3A_5 : vector<16xf32> to vector<1x16xf32>
      tpu.vector_store %arg9[%swap3A_91, %swap3A_92], %swap3A_95 {strides = array<i32>} : memref<128x128xf32, #tpu.memory_space<vmem>>, vector<1x16xf32>,
      %swap3A_96 = arith.index_cast %scan3A_80 : i32 to index
      %swap3A_97 = arith.constant 48 : index
      %swap3A_98 = tpu.vector_load %arg9[%swap3A_96, %swap3A_97] {strides = array<i32>} : memref<128x128xf32, #tpu.memory_space<vmem>>, vector<1x16xf32>,
      %swap3A_99 = vector.shape_cast %swap3A_98 : vector<1x16xf32> to vector<16xf32>
      %swap3A_100 = vector.shape_cast %broadcast_in_dim3A_5 : vector<16xf32> to vector<1x16xf32>
      tpu.vector_store %arg9[%swap3A_96, %swap3A_97], %swap3A_100 {strides = array<i32>} : memref<128x128xf32, #tpu.memory_space<vmem>>, vector<1x16xf32>,
      %swap3A_101 = arith.index_cast %scan3A_80 : i32 to index
      %swap3A_102 = arith.constant 64 : index
      %swap3A_103 = tpu.vector_load %arg9[%swap3A_101, %swap3A_102] {strides = array<i32>} : memref<128x128xf32, #tpu.memory_space<vmem>>, vector<1x16xf32>,
      %swap3A_104 = vector.shape_cast %swap3A_103 : vector<1x16xf32> to vector<16xf32>
      %swap3A_105 = vector.shape_cast %broadcast_in_dim3A_5 : vector<16xf32> to vector<1x16xf32>
      tpu.vector_store %arg9[%swap3A_101, %swap3A_102], %swap3A_105 {strides = array<i32>} : memref<128x128xf32, #tpu.memory_space<vmem>>, vector<1x16xf32>,
      %swap3A_106 = arith.index_cast %scan3A_80 : i32 to index
      %swap3A_107 = arith.constant 80 : index
      %swap3A_108 = tpu.vector_load %arg9[%swap3A_106, %swap3A_107] {strides = array<i32>} : memref<128x128xf32, #tpu.memory_space<vmem>>, vector<1x16xf32>,
      %swap3A_109 = vector.shape_cast %swap3A_108 : vector<1x16xf32> to vector<16xf32>
      %swap3A_110 = vector.shape_cast %broadcast_in_dim3A_5 : vector<16xf32> to vector<1x16xf32>
      tpu.vector_store %arg9[%swap3A_106, %swap3A_107], %swap3A_110 {strides = array<i32>} : memref<128x128xf32, #tpu.memory_space<vmem>>, vector<1x16xf32>,
      %swap3A_111 = arith.index_cast %scan3A_80 : i32 to index
      %swap3A_112 = arith.constant 96 : index
      %swap3A_113 = tpu.vector_load %arg9[%swap3A_111, %swap3A_112] {strides = array<i32>} : memref<128x128xf32, #tpu.memory_space<vmem>>, vector<1x16xf32>,
      %swap3A_114 = vector.shape_cast %swap3A_113 : vector<1x16xf32> to vector<16xf32>
      %swap3A_115 = vector.shape_cast %broadcast_in_dim3A_5 : vector<16xf32> to vector<1x16xf32>
      tpu.vector_store %arg9[%swap3A_111, %swap3A_112], %swap3A_115 {strides = array<i32>} : memref<128x128xf32, #tpu.memory_space<vmem>>, vector<1x16xf32>,
      %swap3A_116 = arith.index_cast %scan3A_80 : i32 to index
      %swap3A_117 = arith.constant 112 : index
      %swap3A_118 = tpu.vector_load %arg9[%swap3A_116, %swap3A_117] {strides = array<i32>} : memref<128x128xf32, #tpu.memory_space<vmem>>, vector<1x16xf32>,
      %swap3A_119 = vector.shape_cast %swap3A_118 : vector<1x16xf32> to vector<16xf32>
      %swap3A_120 = vector.shape_cast %broadcast_in_dim3A_5 : vector<16xf32> to vector<1x16xf32>
      tpu.vector_store %arg9[%swap3A_116, %swap3A_117], %swap3A_120 {strides = array<i32>} : memref<128x128xf32, #tpu.memory_space<vmem>>, vector<1x16xf32>,
      %scan3A_121 = arith.constant 0 : i32
      scf.yield %scan3A_121 : i32
    }
    %scan3A_11 = arith.constant 128 : i32
    %add3A_12 = arith.constant 0 : i32
    %add3A_13 = arith.addi %mul3A_4, %add3A_12 : i32
    "tpu.region"() ({
      %run_scoped3A = tpu.sem_alloc : memref<!tpu.dma_semaphore, #tpu.memory_space<semaphore_mem>>
      %dma_start3A_80 = arith.constant 0 : i32
      %dma_start3A_81 = tpu.memref_slice %arg11[%add3A_13, %dma_start3A_80] : memref<10240x128xf32, #tpu.memory_space<vmem_shared>> -> memref<128x128xf32, #tpu.memory_space<vmem_shared>>
      %dma_start3A_82 = arith.constant 0 : i32
      %dma_start3A_83 = tpu.memref_slice %arg11[%add3A_13, %dma_start3A_82] : memref<10240x128xf32, #tpu.memory_space<vmem_shared>> -> memref<128x128xf32, #tpu.memory_space<vmem_shared>>
      tpu.enqueue_dma source(%arg9 : memref<128x128xf32, #tpu.memory_space<vmem>>) target(%dma_start3A_83 : memref<128x128xf32, #tpu.memory_space<vmem_shared>>) target_semaphore(%run_scoped3A : memref<!tpu.dma_semaphore, #tpu.memory_space<semaphore_mem>>)
      %dma_wait3A_84 = arith.constant 0 : i32
      %dma_wait3A_85 = tpu.memref_slice %arg11[%add3A_13, %dma_wait3A_84] : memref<10240x128xf32, #tpu.memory_space<vmem_shared>> -> memref<128x128xf32, #tpu.memory_space<vmem_shared>>
      %dma_wait3A_86 = arith.constant 0 : i32
      %dma_wait3A_87 = tpu.memref_slice %arg11[%add3A_13, %dma_wait3A_86] : memref<10240x128xf32, #tpu.memory_space<vmem_shared>> -> memref<128x128xf32, #tpu.memory_space<vmem_shared>>
      tpu.wait_dma2 semaphore(%run_scoped3A : memref<!tpu.dma_semaphore, #tpu.memory_space<semaphore_mem>>) src(%arg9 : memref<128x128xf32, #tpu.memory_space<vmem>>) dst(%dma_wait3A_87 : memref<128x128xf32, #tpu.memory_space<vmem_shared>>)
      tpu.yield
    }) : () -> ()
    %add3A_14 = arith.constant 128 : i32
    %add3A_15 = arith.addi %mul3A_4, %add3A_14 : i32
    "tpu.region"() ({
      %run_scoped3A = tpu.sem_alloc : memref<!tpu.dma_semaphore, #tpu.memory_space<semaphore_mem>>
      %dma_start3A_80 = arith.constant 0 : i32
      %dma_start3A_81 = tpu.memref_slice %arg11[%add3A_15, %dma_start3A_80] : memref<10240x128xf32, #tpu.memory_space<vmem_shared>> -> memref<128x128xf32, #tpu.memory_space<vmem_shared>>
      %dma_start3A_82 = arith.constant 0 : i32
      %dma_start3A_83 = tpu.memref_slice %arg11[%add3A_15, %dma_start3A_82] : memref<10240x128xf32, #tpu.memory_space<vmem_shared>> -> memref<128x128xf32, #tpu.memory_space<vmem_shared>>
      tpu.enqueue_dma source(%arg9 : memref<128x128xf32, #tpu.memory_space<vmem>>) target(%dma_start3A_83 : memref<128x128xf32, #tpu.memory_space<vmem_shared>>) target_semaphore(%run_scoped3A : memref<!tpu.dma_semaphore, #tpu.memory_space<semaphore_mem>>)
      %dma_wait3A_84 = arith.constant 0 : i32
      %dma_wait3A_85 = tpu.memref_slice %arg11[%add3A_15, %dma_wait3A_84] : memref<10240x128xf32, #tpu.memory_space<vmem_shared>> -> memref<128x128xf32, #tpu.memory_space<vmem_shared>>
      %dma_wait3A_86 = arith.constant 0 : i32
      %dma_wait3A_87 = tpu.memref_slice %arg11[%add3A_15, %dma_wait3A_86] : memref<10240x128xf32, #tpu.memory_space<vmem_shared>> -> memref<128x128xf32, #tpu.memory_space<vmem_shared>>
      tpu.wait_dma2 semaphore(%run_scoped3A : memref<!tpu.dma_semaphore, #tpu.memory_space<semaphore_mem>>) src(%arg9 : memref<128x128xf32, #tpu.memory_space<vmem>>) dst(%dma_wait3A_87 : memref<128x128xf32, #tpu.memory_space<vmem_shared>>)
      tpu.yield
    }) : () -> ()
    %add3A_16 = arith.constant 256 : i32
    %add3A_17 = arith.addi %mul3A_4, %add3A_16 : i32
    "tpu.region"() ({
      %run_scoped3A = tpu.sem_alloc : memref<!tpu.dma_semaphore, #tpu.memory_space<semaphore_mem>>
      %dma_start3A_80 = arith.constant 0 : i32
      %dma_start3A_81 = tpu.memref_slice %arg11[%add3A_17, %dma_start3A_80] : memref<10240x128xf32, #tpu.memory_space<vmem_shared>> -> memref<128x128xf32, #tpu.memory_space<vmem_shared>>
      %dma_start3A_82 = arith.constant 0 : i32
      %dma_start3A_83 = tpu.memref_slice %arg11[%add3A_17, %dma_start3A_82] : memref<10240x128xf32, #tpu.memory_space<vmem_shared>> -> memref<128x128xf32, #tpu.memory_space<vmem_shared>>
      tpu.enqueue_dma source(%arg9 : memref<128x128xf32, #tpu.memory_space<vmem>>) target(%dma_start3A_83 : memref<128x128xf32, #tpu.memory_space<vmem_shared>>) target_semaphore(%run_scoped3A : memref<!tpu.dma_semaphore, #tpu.memory_space<semaphore_mem>>)
      %dma_wait3A_84 = arith.constant 0 : i32
      %dma_wait3A_85 = tpu.memref_slice %arg11[%add3A_17, %dma_wait3A_84] : memref<10240x128xf32, #tpu.memory_space<vmem_shared>> -> memref<128x128xf32, #tpu.memory_space<vmem_shared>>
      %dma_wait3A_86 = arith.constant 0 : i32
      %dma_wait3A_87 = tpu.memref_slice %arg11[%add3A_17, %dma_wait3A_86] : memref<10240x128xf32, #tpu.memory_space<vmem_shared>> -> memref<128x128xf32, #tpu.memory_space<vmem_shared>>
      tpu.wait_dma2 semaphore(%run_scoped3A : memref<!tpu.dma_semaphore, #tpu.memory_space<semaphore_mem>>) src(%arg9 : memref<128x128xf32, #tpu.memory_space<vmem>>) dst(%dma_wait3A_87 : memref<128x128xf32, #tpu.memory_space<vmem_shared>>)
      tpu.yield
    }) : () -> ()
    %add3A_18 = arith.constant 384 : i32
    %add3A_19 = arith.addi %mul3A_4, %add3A_18 : i32
    "tpu.region"() ({
      %run_scoped3A = tpu.sem_alloc : memref<!tpu.dma_semaphore, #tpu.memory_space<semaphore_mem>>
      %dma_start3A_80 = arith.constant 0 : i32
      %dma_start3A_81 = tpu.memref_slice %arg11[%add3A_19, %dma_start3A_80] : memref<10240x128xf32, #tpu.memory_space<vmem_shared>> -> memref<128x128xf32, #tpu.memory_space<vmem_shared>>
      %dma_start3A_82 = arith.constant 0 : i32
      %dma_start3A_83 = tpu.memref_slice %arg11[%add3A_19, %dma_start3A_82] : memref<10240x128xf32, #tpu.memory_space<vmem_shared>> -> memref<128x128xf32, #tpu.memory_space<vmem_shared>>
      tpu.enqueue_dma source(%arg9 : memref<128x128xf32, #tpu.memory_space<vmem>>) target(%dma_start3A_83 : memref<128x128xf32, #tpu.memory_space<vmem_shared>>) target_semaphore(%run_scoped3A : memref<!tpu.dma_semaphore, #tpu.memory_space<semaphore_mem>>)
      %dma_wait3A_84 = arith.constant 0 : i32
      %dma_wait3A_85 = tpu.memref_slice %arg11[%add3A_19, %dma_wait3A_84] : memref<10240x128xf32, #tpu.memory_space<vmem_shared>> -> memref<128x128xf32, #tpu.memory_space<vmem_shared>>
      %dma_wait3A_86 = arith.constant 0 : i32
      %dma_wait3A_87 = tpu.memref_slice %arg11[%add3A_19, %dma_wait3A_86] : memref<10240x128xf32, #tpu.memory_space<vmem_shared>> -> memref<128x128xf32, #tpu.memory_space<vmem_shared>>
      tpu.wait_dma2 semaphore(%run_scoped3A : memref<!tpu.dma_semaphore, #tpu.memory_space<semaphore_mem>>) src(%arg9 : memref<128x128xf32, #tpu.memory_space<vmem>>) dst(%dma_wait3A_87 : memref<128x128xf32, #tpu.memory_space<vmem_shared>>)
      tpu.yield
    }) : () -> ()
    %add3A_20 = arith.constant 512 : i32
    %add3A_21 = arith.addi %mul3A_4, %add3A_20 : i32
    "tpu.region"() ({
      %run_scoped3A = tpu.sem_alloc : memref<!tpu.dma_semaphore, #tpu.memory_space<semaphore_mem>>
      %dma_start3A_80 = arith.constant 0 : i32
      %dma_start3A_81 = tpu.memref_slice %arg11[%add3A_21, %dma_start3A_80] : memref<10240x128xf32, #tpu.memory_space<vmem_shared>> -> memref<128x128xf32, #tpu.memory_space<vmem_shared>>
      %dma_start3A_82 = arith.constant 0 : i32
      %dma_start3A_83 = tpu.memref_slice %arg11[%add3A_21, %dma_start3A_82] : memref<10240x128xf32, #tpu.memory_space<vmem_shared>> -> memref<128x128xf32, #tpu.memory_space<vmem_shared>>
      tpu.enqueue_dma source(%arg9 : memref<128x128xf32, #tpu.memory_space<vmem>>) target(%dma_start3A_83 : memref<128x128xf32, #tpu.memory_space<vmem_shared>>) target_semaphore(%run_scoped3A : memref<!tpu.dma_semaphore, #tpu.memory_space<semaphore_mem>>)
      %dma_wait3A_84 = arith.constant 0 : i32
      %dma_wait3A_85 = tpu.memref_slice %arg11[%add3A_21, %dma_wait3A_84] : memref<10240x128xf32, #tpu.memory_space<vmem_shared>> -> memref<128x128xf32, #tpu.memory_space<vmem_shared>>
      %dma_wait3A_86 = arith.constant 0 : i32
      %dma_wait3A_87 = tpu.memref_slice %arg11[%add3A_21, %dma_wait3A_86] : memref<10240x128xf32, #tpu.memory_space<vmem_shared>> -> memref<128x128xf32, #tpu.memory_space<vmem_shared>>
      tpu.wait_dma2 semaphore(%run_scoped3A : memref<!tpu.dma_semaphore, #tpu.memory_space<semaphore_mem>>) src(%arg9 : memref<128x128xf32, #tpu.memory_space<vmem>>) dst(%dma_wait3A_87 : memref<128x128xf32, #tpu.memory_space<vmem_shared>>)
      tpu.yield
    }) : () -> ()
    %broadcast_in_dim3A_22 = arith.constant 0 : i32
    %broadcast_in_dim3A_23 = vector.broadcast %broadcast_in_dim3A_22 : i32 to vector<16xi32>
    %scan3A_24 = arith.constant 0 : i32
    %scan3A_25 = arith.constant 0 : i32
    %scan3A_26 = arith.constant 16 : i32
    %scan3A_27 = arith.addi %scan3A_25, %scan3A_26 : i32
    %scan3A_28 = arith.constant 1 : i32
    %scan3A_29 = scf.for %scan3A_80 = %scan3A_25 to %scan3A_27 step %scan3A_28 iter_args(%scan3A_81 = %scan3A_24) -> (i32)  : i32 {
      %mul3A_82 = arith.constant 16 : i32
      %mul3A_83 = arith.muli %mul3A_82, %scan3A_80 : i32
      %add3A_84 = arith.constant 10240 : i32
      %add3A_85 = arith.addi %add3A_84, %mul3A_83 : i32
      %swap3A = arith.index_cast %add3A_85 : i32 to index
      %swap3A_86 = tpu.vector_load %arg6[%swap3A] {strides = array<i32>} : memref<10496xi32, #tpu.memory_space<vmem>>, vector<16xi32>,
      %swap3A_87 = vector.shape_cast %swap3A_86 : vector<16xi32> to vector<16xi32>
      %swap3A_88 = vector.shape_cast %broadcast_in_dim3A_23 : vector<16xi32> to vector<16xi32>
      tpu.vector_store %arg6[%swap3A], %swap3A_88 {strides = array<i32>} : memref<10496xi32, #tpu.memory_space<vmem>>, vector<16xi32>,
      %scan3A_89 = arith.constant 0 : i32
      scf.yield %scan3A_89 : i32
    }
    %scan3A_30 = arith.constant 16 : i32
    %barrier3A = arith.constant 0 : index
    tpu.barrier barrier_id(%barrier3A)
    %dma_start3A = arith.constant 0 : i32
    %dma_start3A_31 = tpu.memref_slice %arg6[%dma_start3A] : memref<10496xi32, #tpu.memory_space<vmem>> -> memref<128xi32, #tpu.memory_space<vmem>>
    %dma_start3A_32 = arith.constant 0 : i32
    %dma_start3A_33 = arith.constant 0 : i32
    %dma_start3A_34 = tpu.memref_slice %arg2[%dma_start3A_32, %dma_start3A_33] : memref<10000x128xf32, #tpu.memory_space<hbm>> -> memref<10000x128xf32, #tpu.memory_space<hbm>>
    tpu.enqueue_indirect_dma source(%dma_start3A_34 : memref<10000x128xf32, #tpu.memory_space<hbm>>) target(%arg9 : memref<128x128xf32, #tpu.memory_space<vmem>>) offsets(%dma_start3A_31 : memref<128xi32, #tpu.memory_space<vmem>>) semaphore(%arg12 : memref<!tpu.dma_semaphore, #tpu.memory_space<semaphore_mem>>)
    %dma_start3A_35 = arith.constant 128 : i32
    %dma_start3A_36 = tpu.memref_slice %arg6[%dma_start3A_35] : memref<10496xi32, #tpu.memory_space<vmem>> -> memref<128xi32, #tpu.memory_space<vmem>>
    %dma_start3A_37 = arith.constant 0 : i32
    %dma_start3A_38 = arith.constant 0 : i32
    %dma_start3A_39 = tpu.memref_slice %arg2[%dma_start3A_37, %dma_start3A_38] : memref<10000x128xf32, #tpu.memory_space<hbm>> -> memref<10000x128xf32, #tpu.memory_space<hbm>>
    tpu.enqueue_indirect_dma source(%dma_start3A_39 : memref<10000x128xf32, #tpu.memory_space<hbm>>) target(%arg10 : memref<128x128xf32, #tpu.memory_space<vmem>>) offsets(%dma_start3A_36 : memref<128xi32, #tpu.memory_space<vmem>>) semaphore(%arg13 : memref<!tpu.dma_semaphore, #tpu.memory_space<semaphore_mem>>)
    %scan3A_40 = arith.constant 0 : i32
    %scan3A_41 = arith.constant 0 : i32
    %scan3A_42 = arith.constant 40 : i32
    %scan3A_43 = arith.addi %scan3A_41, %scan3A_42 : i32
    %scan3A_44 = arith.constant 1 : i32
    %scan3A_45 = scf.for %scan3A_80 = %scan3A_41 to %scan3A_43 step %scan3A_44 iter_args(%scan3A_81 = %scan3A_40) -> (i32)  : i32 {
      %mul3A_82 = arith.constant 2 : i32
      %mul3A_83 = arith.muli %mul3A_82, %scan3A_80 : i32
      %mul3A_84 = arith.constant 2 : i32
      %mul3A_85 = arith.muli %mul3A_84, %scan3A_80 : i32
      %add3A_86 = arith.constant 1 : i32
      %add3A_87 = arith.addi %mul3A_85, %add3A_86 : i32
      %mul3A_88 = arith.constant 128 : i32
      %mul3A_89 = arith.muli %mul3A_83, %mul3A_88 : i32
      %add3A_90 = arith.addi %mul3A_2, %mul3A_89 : i32
      "tpu.region"() ({
        %run_scoped3A = tpu.sem_alloc : memref<!tpu.dma_semaphore, #tpu.memory_space<semaphore_mem>>
        %dma_start3A_121 = tpu.memref_slice %arg4[%add3A_90] : memref<327680xi32, #tpu.memory_space<hbm>> -> memref<128xi32, #tpu.memory_space<hbm>>
        %dma_start3A_122 = tpu.memref_slice %arg4[%add3A_90] : memref<327680xi32, #tpu.memory_space<hbm>> -> memref<128xi32, #tpu.memory_space<hbm>>
        tpu.enqueue_dma source(%dma_start3A_122 : memref<128xi32, #tpu.memory_space<hbm>>) target(%arg7 : memref<128xi32, #tpu.memory_space<vmem>>) target_semaphore(%run_scoped3A : memref<!tpu.dma_semaphore, #tpu.memory_space<semaphore_mem>>)
        %dma_wait3A_123 = tpu.memref_slice %arg4[%add3A_90] : memref<327680xi32, #tpu.memory_space<hbm>> -> memref<128xi32, #tpu.memory_space<hbm>>
        %dma_wait3A_124 = tpu.memref_slice %arg4[%add3A_90] : memref<327680xi32, #tpu.memory_space<hbm>> -> memref<128xi32, #tpu.memory_space<hbm>>
        tpu.wait_dma2 semaphore(%run_scoped3A : memref<!tpu.dma_semaphore, #tpu.memory_space<semaphore_mem>>) src(%dma_wait3A_124 : memref<128xi32, #tpu.memory_space<hbm>>) dst(%arg7 : memref<128xi32, #tpu.memory_space<vmem>>)
        tpu.yield
      }) : () -> ()
      %dma_wait3A_91 = arith.constant 0 : i32
      %dma_wait3A_92 = tpu.memref_slice %arg6[%dma_wait3A_91] : memref<10496xi32, #tpu.memory_space<vmem>> -> memref<128xi32, #tpu.memory_space<vmem>>
      %dma_wait3A_93 = arith.constant 0 : i32
      %dma_wait3A_94 = arith.constant 0 : i32
      %dma_wait3A_95 = tpu.memref_slice %arg2[%dma_wait3A_93, %dma_wait3A_94] : memref<10000x128xf32, #tpu.memory_space<hbm>> -> memref<10000x128xf32, #tpu.memory_space<hbm>>
      tpu.wait_indirect_dma semaphore(%arg12 : memref<!tpu.dma_semaphore, #tpu.memory_space<semaphore_mem>>) src(%dma_wait3A_95 : memref<10000x128xf32, #tpu.memory_space<hbm>>) dst(%arg9 : memref<128x128xf32, #tpu.memory_space<vmem>>)
      "tpu.region"() ({
        %run_scoped3A = tpu.sem_alloc : memref<!tpu.dma_semaphore, #tpu.memory_space<semaphore_mem>>
        %dma_start3A_121 = arith.constant 0 : i32
        %dma_start3A_122 = arith.constant 0 : i32
        %dma_start3A_123 = tpu.memref_slice %arg11[%dma_start3A_121, %dma_start3A_122] : memref<10240x128xf32, #tpu.memory_space<vmem_shared>> -> memref<10240x128xf32, #tpu.memory_space<vmem_shared>>
        tpu.enqueue_indirect_dma source(%arg9 : memref<128x128xf32, #tpu.memory_space<vmem>>) target(%dma_start3A_123 : memref<10240x128xf32, #tpu.memory_space<vmem_shared>>) offsets(%arg7 : memref<128xi32, #tpu.memory_space<vmem>>) semaphore(%run_scoped3A : memref<!tpu.dma_semaphore, #tpu.memory_space<semaphore_mem>>) {add = true}
        %dma_wait3A_124 = arith.constant 0 : i32
        %dma_wait3A_125 = arith.constant 0 : i32
        %dma_wait3A_126 = tpu.memref_slice %arg11[%dma_wait3A_124, %dma_wait3A_125] : memref<10240x128xf32, #tpu.memory_space<vmem_shared>> -> memref<10240x128xf32, #tpu.memory_space<vmem_shared>>
        tpu.wait_indirect_dma semaphore(%run_scoped3A : memref<!tpu.dma_semaphore, #tpu.memory_space<semaphore_mem>>) src(%arg9 : memref<128x128xf32, #tpu.memory_space<vmem>>) dst(%dma_wait3A_126 : memref<10240x128xf32, #tpu.memory_space<vmem_shared>>)
        tpu.yield
      }) : () -> ()
      %add3A_96 = arith.constant 2 : i32
      %add3A_97 = arith.addi %mul3A_83, %add3A_96 : i32
      %mul3A_98 = arith.constant 128 : i32
      %mul3A_99 = arith.muli %add3A_97, %mul3A_98 : i32
      %dma_start3A_100 = tpu.memref_slice %arg6[%mul3A_99] : memref<10496xi32, #tpu.memory_space<vmem>> -> memref<128xi32, #tpu.memory_space<vmem>>
      %dma_start3A_101 = arith.constant 0 : i32
      %dma_start3A_102 = arith.constant 0 : i32
      %dma_start3A_103 = tpu.memref_slice %arg2[%dma_start3A_101, %dma_start3A_102] : memref<10000x128xf32, #tpu.memory_space<hbm>> -> memref<10000x128xf32, #tpu.memory_space<hbm>>
      tpu.enqueue_indirect_dma source(%dma_start3A_103 : memref<10000x128xf32, #tpu.memory_space<hbm>>) target(%arg9 : memref<128x128xf32, #tpu.memory_space<vmem>>) offsets(%dma_start3A_100 : memref<128xi32, #tpu.memory_space<vmem>>) semaphore(%arg12 : memref<!tpu.dma_semaphore, #tpu.memory_space<semaphore_mem>>)
      %mul3A_104 = arith.constant 128 : i32
      %mul3A_105 = arith.muli %add3A_87, %mul3A_104 : i32
      %add3A_106 = arith.addi %mul3A_2, %mul3A_105 : i32
      "tpu.region"() ({
        %run_scoped3A = tpu.sem_alloc : memref<!tpu.dma_semaphore, #tpu.memory_space<semaphore_mem>>
        %dma_start3A_121 = tpu.memref_slice %arg4[%add3A_106] : memref<327680xi32, #tpu.memory_space<hbm>> -> memref<128xi32, #tpu.memory_space<hbm>>
        %dma_start3A_122 = tpu.memref_slice %arg4[%add3A_106] : memref<327680xi32, #tpu.memory_space<hbm>> -> memref<128xi32, #tpu.memory_space<hbm>>
        tpu.enqueue_dma source(%dma_start3A_122 : memref<128xi32, #tpu.memory_space<hbm>>) target(%arg8 : memref<128xi32, #tpu.memory_space<vmem>>) target_semaphore(%run_scoped3A : memref<!tpu.dma_semaphore, #tpu.memory_space<semaphore_mem>>)
        %dma_wait3A_123 = tpu.memref_slice %arg4[%add3A_106] : memref<327680xi32, #tpu.memory_space<hbm>> -> memref<128xi32, #tpu.memory_space<hbm>>
        %dma_wait3A_124 = tpu.memref_slice %arg4[%add3A_106] : memref<327680xi32, #tpu.memory_space<hbm>> -> memref<128xi32, #tpu.memory_space<hbm>>
        tpu.wait_dma2 semaphore(%run_scoped3A : memref<!tpu.dma_semaphore, #tpu.memory_space<semaphore_mem>>) src(%dma_wait3A_124 : memref<128xi32, #tpu.memory_space<hbm>>) dst(%arg8 : memref<128xi32, #tpu.memory_space<vmem>>)
        tpu.yield
      }) : () -> ()
      %dma_wait3A_107 = arith.constant 0 : i32
      %dma_wait3A_108 = tpu.memref_slice %arg6[%dma_wait3A_107] : memref<10496xi32, #tpu.memory_space<vmem>> -> memref<128xi32, #tpu.memory_space<vmem>>
      %dma_wait3A_109 = arith.constant 0 : i32
      %dma_wait3A_110 = arith.constant 0 : i32
      %dma_wait3A_111 = tpu.memref_slice %arg2[%dma_wait3A_109, %dma_wait3A_110] : memref<10000x128xf32, #tpu.memory_space<hbm>> -> memref<10000x128xf32, #tpu.memory_space<hbm>>
      tpu.wait_indirect_dma semaphore(%arg13 : memref<!tpu.dma_semaphore, #tpu.memory_space<semaphore_mem>>) src(%dma_wait3A_111 : memref<10000x128xf32, #tpu.memory_space<hbm>>) dst(%arg10 : memref<128x128xf32, #tpu.memory_space<vmem>>)
      "tpu.region"() ({
        %run_scoped3A = tpu.sem_alloc : memref<!tpu.dma_semaphore, #tpu.memory_space<semaphore_mem>>
        %dma_start3A_121 = arith.constant 0 : i32
        %dma_start3A_122 = arith.constant 0 : i32
        %dma_start3A_123 = tpu.memref_slice %arg11[%dma_start3A_121, %dma_start3A_122] : memref<10240x128xf32, #tpu.memory_space<vmem_shared>> -> memref<10240x128xf32, #tpu.memory_space<vmem_shared>>
        tpu.enqueue_indirect_dma source(%arg10 : memref<128x128xf32, #tpu.memory_space<vmem>>) target(%dma_start3A_123 : memref<10240x128xf32, #tpu.memory_space<vmem_shared>>) offsets(%arg8 : memref<128xi32, #tpu.memory_space<vmem>>) semaphore(%run_scoped3A : memref<!tpu.dma_semaphore, #tpu.memory_space<semaphore_mem>>) {add = true}
        %dma_wait3A_124 = arith.constant 0 : i32
        %dma_wait3A_125 = arith.constant 0 : i32
        %dma_wait3A_126 = tpu.memref_slice %arg11[%dma_wait3A_124, %dma_wait3A_125] : memref<10240x128xf32, #tpu.memory_space<vmem_shared>> -> memref<10240x128xf32, #tpu.memory_space<vmem_shared>>
        tpu.wait_indirect_dma semaphore(%run_scoped3A : memref<!tpu.dma_semaphore, #tpu.memory_space<semaphore_mem>>) src(%arg10 : memref<128x128xf32, #tpu.memory_space<vmem>>) dst(%dma_wait3A_126 : memref<10240x128xf32, #tpu.memory_space<vmem_shared>>)
        tpu.yield
      }) : () -> ()
      %add3A_112 = arith.constant 2 : i32
      %add3A_113 = arith.addi %add3A_87, %add3A_112 : i32
      %mul3A_114 = arith.constant 128 : i32
      %mul3A_115 = arith.muli %add3A_113, %mul3A_114 : i32
      %dma_start3A_116 = tpu.memref_slice %arg6[%mul3A_115] : memref<10496xi32, #tpu.memory_space<vmem>> -> memref<128xi32, #tpu.memory_space<vmem>>
      %dma_start3A_117 = arith.constant 0 : i32
      %dma_start3A_118 = arith.constant 0 : i32
      %dma_start3A_119 = tpu.memref_slice %arg2[%dma_start3A_117, %dma_start3A_118] : memref<10000x128xf32, #tpu.memory_space<hbm>> -> memref<10000x128xf32, #tpu.memory_space<hbm>>
      tpu.enqueue_indirect_dma source(%dma_start3A_119 : memref<10000x128xf32, #tpu.memory_space<hbm>>) target(%arg10 : memref<128x128xf32, #tpu.memory_space<vmem>>) offsets(%dma_start3A_116 : memref<128xi32, #tpu.memory_space<vmem>>) semaphore(%arg13 : memref<!tpu.dma_semaphore, #tpu.memory_space<semaphore_mem>>)
      %scan3A_120 = arith.constant 0 : i32
      scf.yield %scan3A_120 : i32
    }
    %scan3A_46 = arith.constant 40 : i32
    %dma_wait3A = arith.constant 0 : i32
    %dma_wait3A_47 = tpu.memref_slice %arg6[%dma_wait3A] : memref<10496xi32, #tpu.memory_space<vmem>> -> memref<128xi32, #tpu.memory_space<vmem>>
    %dma_wait3A_48 = arith.constant 0 : i32
    %dma_wait3A_49 = arith.constant 0 : i32
    %dma_wait3A_50 = tpu.memref_slice %arg2[%dma_wait3A_48, %dma_wait3A_49] : memref<10000x128xf32, #tpu.memory_space<hbm>> -> memref<10000x128xf32, #tpu.memory_space<hbm>>
    tpu.wait_indirect_dma semaphore(%arg12 : memref<!tpu.dma_semaphore, #tpu.memory_space<semaphore_mem>>) src(%dma_wait3A_50 : memref<10000x128xf32, #tpu.memory_space<hbm>>) dst(%arg9 : memref<128x128xf32, #tpu.memory_space<vmem>>)
    %dma_wait3A_51 = arith.constant 0 : i32
    %dma_wait3A_52 = tpu.memref_slice %arg6[%dma_wait3A_51] : memref<10496xi32, #tpu.memory_space<vmem>> -> memref<128xi32, #tpu.memory_space<vmem>>
    %dma_wait3A_53 = arith.constant 0 : i32
    %dma_wait3A_54 = arith.constant 0 : i32
    %dma_wait3A_55 = tpu.memref_slice %arg2[%dma_wait3A_53, %dma_wait3A_54] : memref<10000x128xf32, #tpu.memory_space<hbm>> -> memref<10000x128xf32, #tpu.memory_space<hbm>>
    tpu.wait_indirect_dma semaphore(%arg13 : memref<!tpu.dma_semaphore, #tpu.memory_space<semaphore_mem>>) src(%dma_wait3A_55 : memref<10000x128xf32, #tpu.memory_space<hbm>>) dst(%arg10 : memref<128x128xf32, #tpu.memory_space<vmem>>)
    %barrier3A_56 = arith.constant 0 : index
    tpu.barrier barrier_id(%barrier3A_56)
    %mul3A_57 = arith.constant 10240 : i32
    %mul3A_58 = arith.muli %arg0, %mul3A_57 : i32
    %add3A_59 = arith.addi %mul3A_58, %mul3A_4 : i32
    %add3A_60 = arith.constant 0 : i32
    %add3A_61 = arith.addi %mul3A_4, %add3A_60 : i32
    "tpu.region"() ({
      %run_scoped3A = tpu.sem_alloc : memref<!tpu.dma_semaphore, #tpu.memory_space<semaphore_mem>>
      %dma_start3A_80 = arith.constant 0 : i32
      %dma_start3A_81 = tpu.memref_slice %arg11[%add3A_61, %dma_start3A_80] : memref<10240x128xf32, #tpu.memory_space<vmem_shared>> -> memref<128x128xf32, #tpu.memory_space<vmem_shared>>
      %dma_start3A_82 = arith.constant 0 : i32
      %dma_start3A_83 = tpu.memref_slice %arg11[%add3A_61, %dma_start3A_82] : memref<10240x128xf32, #tpu.memory_space<vmem_shared>> -> memref<128x128xf32, #tpu.memory_space<vmem_shared>>
      tpu.enqueue_dma source(%dma_start3A_83 : memref<128x128xf32, #tpu.memory_space<vmem_shared>>) target(%arg9 : memref<128x128xf32, #tpu.memory_space<vmem>>) target_semaphore(%run_scoped3A : memref<!tpu.dma_semaphore, #tpu.memory_space<semaphore_mem>>)
      %dma_wait3A_84 = arith.constant 0 : i32
      %dma_wait3A_85 = tpu.memref_slice %arg11[%add3A_61, %dma_wait3A_84] : memref<10240x128xf32, #tpu.memory_space<vmem_shared>> -> memref<128x128xf32, #tpu.memory_space<vmem_shared>>
      %dma_wait3A_86 = arith.constant 0 : i32
      %dma_wait3A_87 = tpu.memref_slice %arg11[%add3A_61, %dma_wait3A_86] : memref<10240x128xf32, #tpu.memory_space<vmem_shared>> -> memref<128x128xf32, #tpu.memory_space<vmem_shared>>
      tpu.wait_dma2 semaphore(%run_scoped3A : memref<!tpu.dma_semaphore, #tpu.memory_space<semaphore_mem>>) src(%dma_wait3A_87 : memref<128x128xf32, #tpu.memory_space<vmem_shared>>) dst(%arg9 : memref<128x128xf32, #tpu.memory_space<vmem>>)
      tpu.yield
    }) : () -> ()
    %add3A_62 = arith.constant 0 : i32
    %add3A_63 = arith.addi %add3A_59, %add3A_62 : i32
    "tpu.region"() ({
      %run_scoped3A = tpu.sem_alloc : memref<!tpu.dma_semaphore, #tpu.memory_space<semaphore_mem>>
      %dma_start3A_80 = arith.constant 0 : i32
      %dma_start3A_81 = tpu.memref_slice %arg5[%add3A_63, %dma_start3A_80] : memref<20480x128xf32, #tpu.memory_space<hbm>> -> memref<128x128xf32, #tpu.memory_space<hbm>>
      %dma_start3A_82 = arith.constant 0 : i32
      %dma_start3A_83 = tpu.memref_slice %arg5[%add3A_63, %dma_start3A_82] : memref<20480x128xf32, #tpu.memory_space<hbm>> -> memref<128x128xf32, #tpu.memory_space<hbm>>
      tpu.enqueue_dma source(%arg9 : memref<128x128xf32, #tpu.memory_space<vmem>>) target(%dma_start3A_83 : memref<128x128xf32, #tpu.memory_space<hbm>>) target_semaphore(%run_scoped3A : memref<!tpu.dma_semaphore, #tpu.memory_space<semaphore_mem>>)
      %dma_wait3A_84 = arith.constant 0 : i32
      %dma_wait3A_85 = tpu.memref_slice %arg5[%add3A_63, %dma_wait3A_84] : memref<20480x128xf32, #tpu.memory_space<hbm>> -> memref<128x128xf32, #tpu.memory_space<hbm>>
      %dma_wait3A_86 = arith.constant 0 : i32
      %dma_wait3A_87 = tpu.memref_slice %arg5[%add3A_63, %dma_wait3A_86] : memref<20480x128xf32, #tpu.memory_space<hbm>> -> memref<128x128xf32, #tpu.memory_space<hbm>>
      tpu.wait_dma2 semaphore(%run_scoped3A : memref<!tpu.dma_semaphore, #tpu.memory_space<semaphore_mem>>) src(%arg9 : memref<128x128xf32, #tpu.memory_space<vmem>>) dst(%dma_wait3A_87 : memref<128x128xf32, #tpu.memory_space<hbm>>)
      tpu.yield
    }) : () -> ()
    %add3A_64 = arith.constant 128 : i32
    %add3A_65 = arith.addi %mul3A_4, %add3A_64 : i32
    "tpu.region"() ({
      %run_scoped3A = tpu.sem_alloc : memref<!tpu.dma_semaphore, #tpu.memory_space<semaphore_mem>>
      %dma_start3A_80 = arith.constant 0 : i32
      %dma_start3A_81 = tpu.memref_slice %arg11[%add3A_65, %dma_start3A_80] : memref<10240x128xf32, #tpu.memory_space<vmem_shared>> -> memref<128x128xf32, #tpu.memory_space<vmem_shared>>
      %dma_start3A_82 = arith.constant 0 : i32
      %dma_start3A_83 = tpu.memref_slice %arg11[%add3A_65, %dma_start3A_82] : memref<10240x128xf32, #tpu.memory_space<vmem_shared>> -> memref<128x128xf32, #tpu.memory_space<vmem_shared>>
      tpu.enqueue_dma source(%dma_start3A_83 : memref<128x128xf32, #tpu.memory_space<vmem_shared>>) target(%arg10 : memref<128x128xf32, #tpu.memory_space<vmem>>) target_semaphore(%run_scoped3A : memref<!tpu.dma_semaphore, #tpu.memory_space<semaphore_mem>>)
      %dma_wait3A_84 = arith.constant 0 : i32
      %dma_wait3A_85 = tpu.memref_slice %arg11[%add3A_65, %dma_wait3A_84] : memref<10240x128xf32, #tpu.memory_space<vmem_shared>> -> memref<128x128xf32, #tpu.memory_space<vmem_shared>>
      %dma_wait3A_86 = arith.constant 0 : i32
      %dma_wait3A_87 = tpu.memref_slice %arg11[%add3A_65, %dma_wait3A_86] : memref<10240x128xf32, #tpu.memory_space<vmem_shared>> -> memref<128x128xf32, #tpu.memory_space<vmem_shared>>
      tpu.wait_dma2 semaphore(%run_scoped3A : memref<!tpu.dma_semaphore, #tpu.memory_space<semaphore_mem>>) src(%dma_wait3A_87 : memref<128x128xf32, #tpu.memory_space<vmem_shared>>) dst(%arg10 : memref<128x128xf32, #tpu.memory_space<vmem>>)
      tpu.yield
    }) : () -> ()
    %add3A_66 = arith.constant 128 : i32
    %add3A_67 = arith.addi %add3A_59, %add3A_66 : i32
    "tpu.region"() ({
      %run_scoped3A = tpu.sem_alloc : memref<!tpu.dma_semaphore, #tpu.memory_space<semaphore_mem>>
      %dma_start3A_80 = arith.constant 0 : i32
      %dma_start3A_81 = tpu.memref_slice %arg5[%add3A_67, %dma_start3A_80] : memref<20480x128xf32, #tpu.memory_space<hbm>> -> memref<128x128xf32, #tpu.memory_space<hbm>>
      %dma_start3A_82 = arith.constant 0 : i32
      %dma_start3A_83 = tpu.memref_slice %arg5[%add3A_67, %dma_start3A_82] : memref<20480x128xf32, #tpu.memory_space<hbm>> -> memref<128x128xf32, #tpu.memory_space<hbm>>
      tpu.enqueue_dma source(%arg10 : memref<128x128xf32, #tpu.memory_space<vmem>>) target(%dma_start3A_83 : memref<128x128xf32, #tpu.memory_space<hbm>>) target_semaphore(%run_scoped3A : memref<!tpu.dma_semaphore, #tpu.memory_space<semaphore_mem>>)
      %dma_wait3A_84 = arith.constant 0 : i32
      %dma_wait3A_85 = tpu.memref_slice %arg5[%add3A_67, %dma_wait3A_84] : memref<20480x128xf32, #tpu.memory_space<hbm>> -> memref<128x128xf32, #tpu.memory_space<hbm>>
      %dma_wait3A_86 = arith.constant 0 : i32
      %dma_wait3A_87 = tpu.memref_slice %arg5[%add3A_67, %dma_wait3A_86] : memref<20480x128xf32, #tpu.memory_space<hbm>> -> memref<128x128xf32, #tpu.memory_space<hbm>>
      tpu.wait_dma2 semaphore(%run_scoped3A : memref<!tpu.dma_semaphore, #tpu.memory_space<semaphore_mem>>) src(%arg10 : memref<128x128xf32, #tpu.memory_space<vmem>>) dst(%dma_wait3A_87 : memref<128x128xf32, #tpu.memory_space<hbm>>)
      tpu.yield
    }) : () -> ()
    %add3A_68 = arith.constant 256 : i32
    %add3A_69 = arith.addi %mul3A_4, %add3A_68 : i32
    "tpu.region"() ({
      %run_scoped3A = tpu.sem_alloc : memref<!tpu.dma_semaphore, #tpu.memory_space<semaphore_mem>>
      %dma_start3A_80 = arith.constant 0 : i32
      %dma_start3A_81 = tpu.memref_slice %arg11[%add3A_69, %dma_start3A_80] : memref<10240x128xf32, #tpu.memory_space<vmem_shared>> -> memref<128x128xf32, #tpu.memory_space<vmem_shared>>
      %dma_start3A_82 = arith.constant 0 : i32
      %dma_start3A_83 = tpu.memref_slice %arg11[%add3A_69, %dma_start3A_82] : memref<10240x128xf32, #tpu.memory_space<vmem_shared>> -> memref<128x128xf32, #tpu.memory_space<vmem_shared>>
      tpu.enqueue_dma source(%dma_start3A_83 : memref<128x128xf32, #tpu.memory_space<vmem_shared>>) target(%arg9 : memref<128x128xf32, #tpu.memory_space<vmem>>) target_semaphore(%run_scoped3A : memref<!tpu.dma_semaphore, #tpu.memory_space<semaphore_mem>>)
      %dma_wait3A_84 = arith.constant 0 : i32
      %dma_wait3A_85 = tpu.memref_slice %arg11[%add3A_69, %dma_wait3A_84] : memref<10240x128xf32, #tpu.memory_space<vmem_shared>> -> memref<128x128xf32, #tpu.memory_space<vmem_shared>>
      %dma_wait3A_86 = arith.constant 0 : i32
      %dma_wait3A_87 = tpu.memref_slice %arg11[%add3A_69, %dma_wait3A_86] : memref<10240x128xf32, #tpu.memory_space<vmem_shared>> -> memref<128x128xf32, #tpu.memory_space<vmem_shared>>
      tpu.wait_dma2 semaphore(%run_scoped3A : memref<!tpu.dma_semaphore, #tpu.memory_space<semaphore_mem>>) src(%dma_wait3A_87 : memref<128x128xf32, #tpu.memory_space<vmem_shared>>) dst(%arg9 : memref<128x128xf32, #tpu.memory_space<vmem>>)
      tpu.yield
    }) : () -> ()
    %add3A_70 = arith.constant 256 : i32
    %add3A_71 = arith.addi %add3A_59, %add3A_70 : i32
    "tpu.region"() ({
      %run_scoped3A = tpu.sem_alloc : memref<!tpu.dma_semaphore, #tpu.memory_space<semaphore_mem>>
      %dma_start3A_80 = arith.constant 0 : i32
      %dma_start3A_81 = tpu.memref_slice %arg5[%add3A_71, %dma_start3A_80] : memref<20480x128xf32, #tpu.memory_space<hbm>> -> memref<128x128xf32, #tpu.memory_space<hbm>>
      %dma_start3A_82 = arith.constant 0 : i32
      %dma_start3A_83 = tpu.memref_slice %arg5[%add3A_71, %dma_start3A_82] : memref<20480x128xf32, #tpu.memory_space<hbm>> -> memref<128x128xf32, #tpu.memory_space<hbm>>
      tpu.enqueue_dma source(%arg9 : memref<128x128xf32, #tpu.memory_space<vmem>>) target(%dma_start3A_83 : memref<128x128xf32, #tpu.memory_space<hbm>>) target_semaphore(%run_scoped3A : memref<!tpu.dma_semaphore, #tpu.memory_space<semaphore_mem>>)
      %dma_wait3A_84 = arith.constant 0 : i32
      %dma_wait3A_85 = tpu.memref_slice %arg5[%add3A_71, %dma_wait3A_84] : memref<20480x128xf32, #tpu.memory_space<hbm>> -> memref<128x128xf32, #tpu.memory_space<hbm>>
      %dma_wait3A_86 = arith.constant 0 : i32
      %dma_wait3A_87 = tpu.memref_slice %arg5[%add3A_71, %dma_wait3A_86] : memref<20480x128xf32, #tpu.memory_space<hbm>> -> memref<128x128xf32, #tpu.memory_space<hbm>>
      tpu.wait_dma2 semaphore(%run_scoped3A : memref<!tpu.dma_semaphore, #tpu.memory_space<semaphore_mem>>) src(%arg9 : memref<128x128xf32, #tpu.memory_space<vmem>>) dst(%dma_wait3A_87 : memref<128x128xf32, #tpu.memory_space<hbm>>)
      tpu.yield
    }) : () -> ()
    %add3A_72 = arith.constant 384 : i32
    %add3A_73 = arith.addi %mul3A_4, %add3A_72 : i32
    "tpu.region"() ({
      %run_scoped3A = tpu.sem_alloc : memref<!tpu.dma_semaphore, #tpu.memory_space<semaphore_mem>>
      %dma_start3A_80 = arith.constant 0 : i32
      %dma_start3A_81 = tpu.memref_slice %arg11[%add3A_73, %dma_start3A_80] : memref<10240x128xf32, #tpu.memory_space<vmem_shared>> -> memref<128x128xf32, #tpu.memory_space<vmem_shared>>
      %dma_start3A_82 = arith.constant 0 : i32
      %dma_start3A_83 = tpu.memref_slice %arg11[%add3A_73, %dma_start3A_82] : memref<10240x128xf32, #tpu.memory_space<vmem_shared>> -> memref<128x128xf32, #tpu.memory_space<vmem_shared>>
      tpu.enqueue_dma source(%dma_start3A_83 : memref<128x128xf32, #tpu.memory_space<vmem_shared>>) target(%arg10 : memref<128x128xf32, #tpu.memory_space<vmem>>) target_semaphore(%run_scoped3A : memref<!tpu.dma_semaphore, #tpu.memory_space<semaphore_mem>>)
      %dma_wait3A_84 = arith.constant 0 : i32
      %dma_wait3A_85 = tpu.memref_slice %arg11[%add3A_73, %dma_wait3A_84] : memref<10240x128xf32, #tpu.memory_space<vmem_shared>> -> memref<128x128xf32, #tpu.memory_space<vmem_shared>>
      %dma_wait3A_86 = arith.constant 0 : i32
      %dma_wait3A_87 = tpu.memref_slice %arg11[%add3A_73, %dma_wait3A_86] : memref<10240x128xf32, #tpu.memory_space<vmem_shared>> -> memref<128x128xf32, #tpu.memory_space<vmem_shared>>
      tpu.wait_dma2 semaphore(%run_scoped3A : memref<!tpu.dma_semaphore, #tpu.memory_space<semaphore_mem>>) src(%dma_wait3A_87 : memref<128x128xf32, #tpu.memory_space<vmem_shared>>) dst(%arg10 : memref<128x128xf32, #tpu.memory_space<vmem>>)
      tpu.yield
    }) : () -> ()
    %add3A_74 = arith.constant 384 : i32
    %add3A_75 = arith.addi %add3A_59, %add3A_74 : i32
    "tpu.region"() ({
      %run_scoped3A = tpu.sem_alloc : memref<!tpu.dma_semaphore, #tpu.memory_space<semaphore_mem>>
      %dma_start3A_80 = arith.constant 0 : i32
      %dma_start3A_81 = tpu.memref_slice %arg5[%add3A_75, %dma_start3A_80] : memref<20480x128xf32, #tpu.memory_space<hbm>> -> memref<128x128xf32, #tpu.memory_space<hbm>>
      %dma_start3A_82 = arith.constant 0 : i32
      %dma_start3A_83 = tpu.memref_slice %arg5[%add3A_75, %dma_start3A_82] : memref<20480x128xf32, #tpu.memory_space<hbm>> -> memref<128x128xf32, #tpu.memory_space<hbm>>
      tpu.enqueue_dma source(%arg10 : memref<128x128xf32, #tpu.memory_space<vmem>>) target(%dma_start3A_83 : memref<128x128xf32, #tpu.memory_space<hbm>>) target_semaphore(%run_scoped3A : memref<!tpu.dma_semaphore, #tpu.memory_space<semaphore_mem>>)
      %dma_wait3A_84 = arith.constant 0 : i32
      %dma_wait3A_85 = tpu.memref_slice %arg5[%add3A_75, %dma_wait3A_84] : memref<20480x128xf32, #tpu.memory_space<hbm>> -> memref<128x128xf32, #tpu.memory_space<hbm>>
      %dma_wait3A_86 = arith.constant 0 : i32
      %dma_wait3A_87 = tpu.memref_slice %arg5[%add3A_75, %dma_wait3A_86] : memref<20480x128xf32, #tpu.memory_space<hbm>> -> memref<128x128xf32, #tpu.memory_space<hbm>>
      tpu.wait_dma2 semaphore(%run_scoped3A : memref<!tpu.dma_semaphore, #tpu.memory_space<semaphore_mem>>) src(%arg10 : memref<128x128xf32, #tpu.memory_space<vmem>>) dst(%dma_wait3A_87 : memref<128x128xf32, #tpu.memory_space<hbm>>)
      tpu.yield
    }) : () -> ()
    %add3A_76 = arith.constant 512 : i32
    %add3A_77 = arith.addi %mul3A_4, %add3A_76 : i32
    "tpu.region"() ({
      %run_scoped3A = tpu.sem_alloc : memref<!tpu.dma_semaphore, #tpu.memory_space<semaphore_mem>>
      %dma_start3A_80 = arith.constant 0 : i32
      %dma_start3A_81 = tpu.memref_slice %arg11[%add3A_77, %dma_start3A_80] : memref<10240x128xf32, #tpu.memory_space<vmem_shared>> -> memref<128x128xf32, #tpu.memory_space<vmem_shared>>
      %dma_start3A_82 = arith.constant 0 : i32
      %dma_start3A_83 = tpu.memref_slice %arg11[%add3A_77, %dma_start3A_82] : memref<10240x128xf32, #tpu.memory_space<vmem_shared>> -> memref<128x128xf32, #tpu.memory_space<vmem_shared>>
      tpu.enqueue_dma source(%dma_start3A_83 : memref<128x128xf32, #tpu.memory_space<vmem_shared>>) target(%arg9 : memref<128x128xf32, #tpu.memory_space<vmem>>) target_semaphore(%run_scoped3A : memref<!tpu.dma_semaphore, #tpu.memory_space<semaphore_mem>>)
      %dma_wait3A_84 = arith.constant 0 : i32
      %dma_wait3A_85 = tpu.memref_slice %arg11[%add3A_77, %dma_wait3A_84] : memref<10240x128xf32, #tpu.memory_space<vmem_shared>> -> memref<128x128xf32, #tpu.memory_space<vmem_shared>>
      %dma_wait3A_86 = arith.constant 0 : i32
      %dma_wait3A_87 = tpu.memref_slice %arg11[%add3A_77, %dma_wait3A_86] : memref<10240x128xf32, #tpu.memory_space<vmem_shared>> -> memref<128x128xf32, #tpu.memory_space<vmem_shared>>
      tpu.wait_dma2 semaphore(%run_scoped3A : memref<!tpu.dma_semaphore, #tpu.memory_space<semaphore_mem>>) src(%dma_wait3A_87 : memref<128x128xf32, #tpu.memory_space<vmem_shared>>) dst(%arg9 : memref<128x128xf32, #tpu.memory_space<vmem>>)
      tpu.yield
    }) : () -> ()
    %add3A_78 = arith.constant 512 : i32
    %add3A_79 = arith.addi %add3A_59, %add3A_78 : i32
    "tpu.region"() ({
      %run_scoped3A = tpu.sem_alloc : memref<!tpu.dma_semaphore, #tpu.memory_space<semaphore_mem>>
      %dma_start3A_80 = arith.constant 0 : i32
      %dma_start3A_81 = tpu.memref_slice %arg5[%add3A_79, %dma_start3A_80] : memref<20480x128xf32, #tpu.memory_space<hbm>> -> memref<128x128xf32, #tpu.memory_space<hbm>>
      %dma_start3A_82 = arith.constant 0 : i32
      %dma_start3A_83 = tpu.memref_slice %arg5[%add3A_79, %dma_start3A_82] : memref<20480x128xf32, #tpu.memory_space<hbm>> -> memref<128x128xf32, #tpu.memory_space<hbm>>
      tpu.enqueue_dma source(%arg9 : memref<128x128xf32, #tpu.memory_space<vmem>>) target(%dma_start3A_83 : memref<128x128xf32, #tpu.memory_space<hbm>>) target_semaphore(%run_scoped3A : memref<!tpu.dma_semaphore, #tpu.memory_space<semaphore_mem>>)
      %dma_wait3A_84 = arith.constant 0 : i32
      %dma_wait3A_85 = tpu.memref_slice %arg5[%add3A_79, %dma_wait3A_84] : memref<20480x128xf32, #tpu.memory_space<hbm>> -> memref<128x128xf32, #tpu.memory_space<hbm>>
      %dma_wait3A_86 = arith.constant 0 : i32
      %dma_wait3A_87 = tpu.memref_slice %arg5[%add3A_79, %dma_wait3A_86] : memref<20480x128xf32, #tpu.memory_space<hbm>> -> memref<128x128xf32, #tpu.memory_space<hbm>>
      tpu.wait_dma2 semaphore(%run_scoped3A : memref<!tpu.dma_semaphore, #tpu.memory_space<semaphore_mem>>) src(%arg9 : memref<128x128xf32, #tpu.memory_space<vmem>>) dst(%dma_wait3A_87 : memref<128x128xf32, #tpu.memory_space<hbm>>)
      tpu.yield
    }) : () -> ()
    return
  }
}

module attributes {stable_mosaic.version = 14 : i64} {
  func.func @_dense_body(%arg0: i32, %arg1: memref<2x1024x128xf32, #tpu.memory_space<vmem>>, %arg2: memref<2x1024xf32, #tpu.memory_space<vmem>>, %arg3: memref<1024x128xf32, #tpu.memory_space<vmem>>, %arg4: memref<128x128xf32, #tpu.memory_space<vmem>>, %arg5: memref<128x128xf32, #tpu.memory_space<vmem>>, %arg6: memref<1x128xf32, #tpu.memory_space<vmem>>, %arg7: memref<1024x128xf32, #tpu.memory_space<vmem>>) attributes {dimension_semantics = [#tpu.dimension_semantics<arbitrary>], iteration_bounds = array<i64: 10>, scalar_prefetch = 0 : i64, scratch_operands = 0 : i64, tpu.core_type = #tpu.core_type<tc>, window_params = [{transform_indices = @transform_0, window_bounds = array<i64: 2, 1024, 128>}, {transform_indices = @transform_1, window_bounds = array<i64: 2, 1024>}, {transform_indices = @transform_2, window_bounds = array<i64: 1024, 128>}, {pipeline_mode = #tpu.pipeline_mode<synchronous>, transform_indices = @transform_3, window_bounds = array<i64: 128, 128>}, {pipeline_mode = #tpu.pipeline_mode<synchronous>, transform_indices = @transform_4, window_bounds = array<i64: 128, 128>}, {pipeline_mode = #tpu.pipeline_mode<synchronous>, transform_indices = @transform_5, window_bounds = array<i64: 1, 128>}, {transform_indices = @transform_6, window_bounds = array<i64: 1024, 128>}]} {
    %get3A = arith.constant 0 : index
    %get3A_0 = arith.constant 0 : index
    %get3A_1 = vector.load %arg2[%get3A, %get3A_0] : memref<2x1024xf32, #tpu.memory_space<vmem>>, vector<2x1024xf32>
    %reduce_sum3A = arith.constant dense<0.000000e+00> : vector<1024xf32>
    %reduce_sum3A_2 = vector.multi_reduction <add>, %get3A_1, %reduce_sum3A [0] : vector<2x1024xf32> to vector<1024xf32>
    %broadcast_in_dim3A = vector.shape_cast %reduce_sum3A_2 : vector<1024xf32> to vector<1024x1xf32>
    %max3A = arith.constant 1.000000e+00 : f32
    %max3A_3 = vector.broadcast %max3A : f32 to vector<1024x1xf32>
    %max3A_4 = arith.maximumf %broadcast_in_dim3A, %max3A_3 : vector<1024x1xf32>
    %div3A = arith.constant 1.000000e+00 : f32
    %div3A_5 = vector.broadcast %div3A : f32 to vector<1024x1xf32>
    %div3A_6 = arith.divf %div3A_5, %max3A_4 : vector<1024x1xf32>
    %get3A_7 = arith.constant 0 : index
    %get3A_8 = arith.constant 0 : index
    %get3A_9 = arith.constant 0 : index
    %get3A_10 = vector.load %arg1[%get3A_7, %get3A_8, %get3A_9] : memref<2x1024x128xf32, #tpu.memory_space<vmem>>, vector<1x1024x128xf32>
    %get3A_11 = vector.shape_cast %get3A_10 : vector<1x1024x128xf32> to vector<1024x128xf32>
    %get3A_12 = arith.constant 1 : index
    %get3A_13 = arith.constant 0 : index
    %get3A_14 = arith.constant 0 : index
    %get3A_15 = vector.load %arg1[%get3A_12, %get3A_13, %get3A_14] : memref<2x1024x128xf32, #tpu.memory_space<vmem>>, vector<1x1024x128xf32>
    %get3A_16 = vector.shape_cast %get3A_15 : vector<1x1024x128xf32> to vector<1024x128xf32>
    %add3A = arith.addf %get3A_11, %get3A_16 : vector<1024x128xf32>
    %mul3A = vector.broadcast %div3A_6 : vector<1024x1xf32> to vector<1024x128xf32>
    %mul3A_17 = arith.mulf %add3A, %mul3A : vector<1024x128xf32>
    %get3A_18 = arith.constant 0 : index
    %get3A_19 = arith.constant 0 : index
    %get3A_20 = vector.load %arg4[%get3A_18, %get3A_19] : memref<128x128xf32, #tpu.memory_space<vmem>>, vector<128x128xf32>
    %dot_general3A = arith.constant dense<0.000000e+00> : vector<1024x128xf32>
    %dot_general3A_21 = tpu.matmul %mul3A_17, %get3A_20, %dot_general3A {dimension_numbers = #tpu.dot_dimension_numbers<[1], [0], [0], [1], [0, 0, 1, 1], [], []>, transpose_lhs_hint = false} : vector<1024x128xf32>, vector<128x128xf32>, vector<1024x128xf32> -> vector<1024x128xf32>
    %get3A_22 = arith.constant 0 : index
    %get3A_23 = arith.constant 0 : index
    %get3A_24 = vector.load %arg3[%get3A_22, %get3A_23] : memref<1024x128xf32, #tpu.memory_space<vmem>>, vector<1024x128xf32>
    %get3A_25 = arith.constant 0 : index
    %get3A_26 = arith.constant 0 : index
    %get3A_27 = vector.load %arg5[%get3A_25, %get3A_26] : memref<128x128xf32, #tpu.memory_space<vmem>>, vector<128x128xf32>
    %dot_general3A_28 = arith.constant dense<0.000000e+00> : vector<1024x128xf32>
    %dot_general3A_29 = tpu.matmul %get3A_24, %get3A_27, %dot_general3A_28 {dimension_numbers = #tpu.dot_dimension_numbers<[1], [0], [0], [1], [0, 0, 1, 1], [], []>, transpose_lhs_hint = false} : vector<1024x128xf32>, vector<128x128xf32>, vector<1024x128xf32> -> vector<1024x128xf32>
    %add3A_30 = arith.addf %dot_general3A_21, %dot_general3A_29 : vector<1024x128xf32>
    %get3A_31 = arith.constant 0 : index
    %get3A_32 = arith.constant 0 : index
    %get3A_33 = vector.load %arg6[%get3A_31, %get3A_32] : memref<1x128xf32, #tpu.memory_space<vmem>>, vector<1x128xf32>
    %add3A_34 = vector.broadcast %get3A_33 : vector<1x128xf32> to vector<1024x128xf32>
    %add3A_35 = arith.addf %add3A_30, %add3A_34 : vector<1024x128xf32>
    %max3A_36 = arith.constant 0.000000e+00 : f32
    %max3A_37 = vector.broadcast %max3A_36 : f32 to vector<1024x128xf32>
    %max3A_38 = arith.maximumf %add3A_35, %max3A_37 : vector<1024x128xf32>
    %swap3A = arith.constant 0 : index
    %swap3A_39 = arith.constant 0 : index
    %swap3A_40 = vector.load %arg7[%swap3A, %swap3A_39] : memref<1024x128xf32, #tpu.memory_space<vmem>>, vector<1024x128xf32>
    tpu.vector_store %arg7[%swap3A, %swap3A_39], %max3A_38 {strides = array<i32>} : memref<1024x128xf32, #tpu.memory_space<vmem>>, vector<1024x128xf32>,
    return
  }
  func.func @transform_0(%arg0: i32) -> (i32, i32, i32) {
    %c0_i32 = arith.constant 0 : i32
    %c0_i32_0 = arith.constant 0 : i32
    %c0_i32_1 = arith.constant 0 : i32
    return %c0_i32, %arg0, %c0_i32_0 : i32, i32, i32
  }
  func.func @transform_1(%arg0: i32) -> (i32, i32) {
    %c0_i32 = arith.constant 0 : i32
    %c0_i32_0 = arith.constant 0 : i32
    return %c0_i32, %arg0 : i32, i32
  }
  func.func @transform_2(%arg0: i32) -> (i32, i32) {
    %c0_i32 = arith.constant 0 : i32
    %c0_i32_0 = arith.constant 0 : i32
    return %arg0, %c0_i32 : i32, i32
  }
  func.func @transform_3(%arg0: i32) -> (i32, i32) {
    %c0_i32 = arith.constant 0 : i32
    %c0_i32_0 = arith.constant 0 : i32
    %c0_i32_1 = arith.constant 0 : i32
    return %c0_i32, %c0_i32_0 : i32, i32
  }
  func.func @transform_4(%arg0: i32) -> (i32, i32) {
    %c0_i32 = arith.constant 0 : i32
    %c0_i32_0 = arith.constant 0 : i32
    %c0_i32_1 = arith.constant 0 : i32
    return %c0_i32, %c0_i32_0 : i32, i32
  }
  func.func @transform_5(%arg0: i32) -> (i32, i32) {
    %c0_i32 = arith.constant 0 : i32
    %c0_i32_0 = arith.constant 0 : i32
    %c0_i32_1 = arith.constant 0 : i32
    return %c0_i32, %c0_i32_0 : i32, i32
  }
  func.func @transform_6(%arg0: i32) -> (i32, i32) {
    %c0_i32 = arith.constant 0 : i32
    %c0_i32_0 = arith.constant 0 : i32
    return %arg0, %c0_i32 : i32, i32
  }
}

module attributes {stable_mosaic.version = 14 : i64} {
  func.func @_dense_body(%arg0: i32, %arg1: memref<2x1024x128xf32, #tpu.memory_space<vmem>>, %arg2: memref<2x1024xf32, #tpu.memory_space<vmem>>, %arg3: memref<1024x128xf32, #tpu.memory_space<vmem>>, %arg4: memref<128x64xf32, #tpu.memory_space<vmem>>, %arg5: memref<128x64xf32, #tpu.memory_space<vmem>>, %arg6: memref<1x64xf32, #tpu.memory_space<vmem>>, %arg7: memref<1024x64xf32, #tpu.memory_space<vmem>>) attributes {dimension_semantics = [#tpu.dimension_semantics<arbitrary>], iteration_bounds = array<i64: 10>, scalar_prefetch = 0 : i64, scratch_operands = 0 : i64, tpu.core_type = #tpu.core_type<tc>, window_params = [{transform_indices = @transform_0, window_bounds = array<i64: 2, 1024, 128>}, {transform_indices = @transform_1, window_bounds = array<i64: 2, 1024>}, {transform_indices = @transform_2, window_bounds = array<i64: 1024, 128>}, {pipeline_mode = #tpu.pipeline_mode<synchronous>, transform_indices = @transform_3, window_bounds = array<i64: 128, 64>}, {pipeline_mode = #tpu.pipeline_mode<synchronous>, transform_indices = @transform_4, window_bounds = array<i64: 128, 64>}, {pipeline_mode = #tpu.pipeline_mode<synchronous>, transform_indices = @transform_5, window_bounds = array<i64: 1, 64>}, {transform_indices = @transform_6, window_bounds = array<i64: 1024, 64>}]} {
    %get3A = arith.constant 0 : index
    %get3A_0 = arith.constant 0 : index
    %get3A_1 = vector.load %arg2[%get3A, %get3A_0] : memref<2x1024xf32, #tpu.memory_space<vmem>>, vector<2x1024xf32>
    %reduce_sum3A = arith.constant dense<0.000000e+00> : vector<1024xf32>
    %reduce_sum3A_2 = vector.multi_reduction <add>, %get3A_1, %reduce_sum3A [0] : vector<2x1024xf32> to vector<1024xf32>
    %broadcast_in_dim3A = vector.shape_cast %reduce_sum3A_2 : vector<1024xf32> to vector<1024x1xf32>
    %max3A = arith.constant 1.000000e+00 : f32
    %max3A_3 = vector.broadcast %max3A : f32 to vector<1024x1xf32>
    %max3A_4 = arith.maximumf %broadcast_in_dim3A, %max3A_3 : vector<1024x1xf32>
    %div3A = arith.constant 1.000000e+00 : f32
    %div3A_5 = vector.broadcast %div3A : f32 to vector<1024x1xf32>
    %div3A_6 = arith.divf %div3A_5, %max3A_4 : vector<1024x1xf32>
    %get3A_7 = arith.constant 0 : index
    %get3A_8 = arith.constant 0 : index
    %get3A_9 = arith.constant 0 : index
    %get3A_10 = vector.load %arg1[%get3A_7, %get3A_8, %get3A_9] : memref<2x1024x128xf32, #tpu.memory_space<vmem>>, vector<1x1024x128xf32>
    %get3A_11 = vector.shape_cast %get3A_10 : vector<1x1024x128xf32> to vector<1024x128xf32>
    %get3A_12 = arith.constant 1 : index
    %get3A_13 = arith.constant 0 : index
    %get3A_14 = arith.constant 0 : index
    %get3A_15 = vector.load %arg1[%get3A_12, %get3A_13, %get3A_14] : memref<2x1024x128xf32, #tpu.memory_space<vmem>>, vector<1x1024x128xf32>
    %get3A_16 = vector.shape_cast %get3A_15 : vector<1x1024x128xf32> to vector<1024x128xf32>
    %add3A = arith.addf %get3A_11, %get3A_16 : vector<1024x128xf32>
    %mul3A = vector.broadcast %div3A_6 : vector<1024x1xf32> to vector<1024x128xf32>
    %mul3A_17 = arith.mulf %add3A, %mul3A : vector<1024x128xf32>
    %get3A_18 = arith.constant 0 : index
    %get3A_19 = arith.constant 0 : index
    %get3A_20 = vector.load %arg4[%get3A_18, %get3A_19] : memref<128x64xf32, #tpu.memory_space<vmem>>, vector<128x64xf32>
    %dot_general3A = arith.constant dense<0.000000e+00> : vector<1024x64xf32>
    %dot_general3A_21 = tpu.matmul %mul3A_17, %get3A_20, %dot_general3A {dimension_numbers = #tpu.dot_dimension_numbers<[1], [0], [0], [1], [0, 0, 1, 1], [], []>, transpose_lhs_hint = false} : vector<1024x128xf32>, vector<128x64xf32>, vector<1024x64xf32> -> vector<1024x64xf32>
    %get3A_22 = arith.constant 0 : index
    %get3A_23 = arith.constant 0 : index
    %get3A_24 = vector.load %arg3[%get3A_22, %get3A_23] : memref<1024x128xf32, #tpu.memory_space<vmem>>, vector<1024x128xf32>
    %get3A_25 = arith.constant 0 : index
    %get3A_26 = arith.constant 0 : index
    %get3A_27 = vector.load %arg5[%get3A_25, %get3A_26] : memref<128x64xf32, #tpu.memory_space<vmem>>, vector<128x64xf32>
    %dot_general3A_28 = arith.constant dense<0.000000e+00> : vector<1024x64xf32>
    %dot_general3A_29 = tpu.matmul %get3A_24, %get3A_27, %dot_general3A_28 {dimension_numbers = #tpu.dot_dimension_numbers<[1], [0], [0], [1], [0, 0, 1, 1], [], []>, transpose_lhs_hint = false} : vector<1024x128xf32>, vector<128x64xf32>, vector<1024x64xf32> -> vector<1024x64xf32>
    %add3A_30 = arith.addf %dot_general3A_21, %dot_general3A_29 : vector<1024x64xf32>
    %get3A_31 = arith.constant 0 : index
    %get3A_32 = arith.constant 0 : index
    %get3A_33 = vector.load %arg6[%get3A_31, %get3A_32] : memref<1x64xf32, #tpu.memory_space<vmem>>, vector<1x64xf32>
    %add3A_34 = vector.broadcast %get3A_33 : vector<1x64xf32> to vector<1024x64xf32>
    %add3A_35 = arith.addf %add3A_30, %add3A_34 : vector<1024x64xf32>
    %swap3A = arith.constant 0 : index
    %swap3A_36 = arith.constant 0 : index
    %swap3A_37 = vector.load %arg7[%swap3A, %swap3A_36] : memref<1024x64xf32, #tpu.memory_space<vmem>>, vector<1024x64xf32>
    tpu.vector_store %arg7[%swap3A, %swap3A_36], %add3A_35 {strides = array<i32>} : memref<1024x64xf32, #tpu.memory_space<vmem>>, vector<1024x64xf32>,
    return
  }
  func.func @transform_0(%arg0: i32) -> (i32, i32, i32) {
    %c0_i32 = arith.constant 0 : i32
    %c0_i32_0 = arith.constant 0 : i32
    %c0_i32_1 = arith.constant 0 : i32
    return %c0_i32, %arg0, %c0_i32_0 : i32, i32, i32
  }
  func.func @transform_1(%arg0: i32) -> (i32, i32) {
    %c0_i32 = arith.constant 0 : i32
    %c0_i32_0 = arith.constant 0 : i32
    return %c0_i32, %arg0 : i32, i32
  }
  func.func @transform_2(%arg0: i32) -> (i32, i32) {
    %c0_i32 = arith.constant 0 : i32
    %c0_i32_0 = arith.constant 0 : i32
    return %arg0, %c0_i32 : i32, i32
  }
  func.func @transform_3(%arg0: i32) -> (i32, i32) {
    %c0_i32 = arith.constant 0 : i32
    %c0_i32_0 = arith.constant 0 : i32
    %c0_i32_1 = arith.constant 0 : i32
    return %c0_i32, %c0_i32_0 : i32, i32
  }
  func.func @transform_4(%arg0: i32) -> (i32, i32) {
    %c0_i32 = arith.constant 0 : i32
    %c0_i32_0 = arith.constant 0 : i32
    %c0_i32_1 = arith.constant 0 : i32
    return %c0_i32, %c0_i32_0 : i32, i32
  }
  func.func @transform_5(%arg0: i32) -> (i32, i32) {
    %c0_i32 = arith.constant 0 : i32
    %c0_i32_0 = arith.constant 0 : i32
    %c0_i32_1 = arith.constant 0 : i32
    return %c0_i32, %c0_i32_0 : i32, i32
  }
  func.func @transform_6(%arg0: i32) -> (i32, i32) {
    %c0_i32 = arith.constant 0 : i32
    %c0_i32_0 = arith.constant 0 : i32
    return %arg0, %c0_i32 : i32, i32
  }
}

</mosaic_0001>

<sc_bundles>
// kernel: kernel.12.cloned.1.call-start
scs
__scs_entry_jumppad:
0x0: {  	(pc) =	sbr.rel $0x88, $3  }
0x1: {  	(tag) =	ssettag $0x0;
	lr =	simm.s32 $0x1  }
0x2: {  	[smem:$0x3F92] =	sst lr;
	_ =	strace $0xD0000000  }
0x3: {  	_ = 	snop  }
0x4: {  	_ = 	snop  }
0x5: {  	_ = 	snop  }
0x6: {  	_ = 	snop  }
0x7: {  	_ = 	snop  }
__scs_overlays_trampoline_lowered:
0x8: {  	[smem:$0x3FA1] =	sst s0  }
0x9: {  	[smem:$0x3FA2] =	sst s1  }
0xa: {  	[smem:$0x3FA3] =	sst s2  }
0xb: {  	[smem:$0x3FA4] =	sst s3  }
0xc: {  	[smem:$0x3FA5] =	sst s4  }
0xd: {  	[smem:$0x3FA6] =	sst s5  }
0xe: {  	[smem:$0x3FA7] =	sst s6  }
0xf: {  	[smem:$0x3FA8] =	sst s7  }
0x10: {  	[smem:$0x3FA9] =	sst s8  }
0x11: {  	[smem:$0x3FAA] =	sst s9;
	s0 =	simm.s32 @!p0 $0x0  }
0x12: {  	s1 =	sld [smem:$0x3F90];
	s0 =	simm.s32 @p0 $0x1  }
0x13: {  	[smem:$0x3FAB] =	sst s0;
	s0 =	simm.s32 @!p1 $0x0  }
0x14: {  	s2 =	sld [smem:$0x3F8F];
	s0 =	simm.s32 @p1 $0x1  }
0x15: {  	[smem:$0x3FAC] =	sst s0;
	s0 =	simm.s32 @!p2 $0x0  }
0x16: {  	s3 =	sld [smem:$0x3FDB];
	s0 =	simm.s32 @p2 $0x1  }
0x17: {  	s4 =	simm.s32 $0x1BF5;
	[smem:$0x3FAE] =	sst s0  }
0x18: {  	s0 =	sld [smem:$0x3F91];
	_ =	swait.ge [sflag:s4], $0x0  }
0x19: {  	s7 =	sld [smem:$0x3F92]  }
0x1a: {  	s8 =	sadd.s32 $0xFFFFE003, lr  }
0x1b: {  	s9 =	sadd.s32 $0xFFFFFEF7, lr;
	s5 =	simm.s32 $0xFFFFFFFF;
	p2 =	slt.u32 s8, $0xFFFFF086  }
0x1c: {  	p1 =	slt.u32 s9, $0xF7A;
	s5 =	simm.s32 @!p2 $0x0  }
0x1d: {  	s5 =	simm.s32 @p1 $0x1;
	p0 =	seq.s32 s7, s2  }
0x1e: {  	s7 =	smul.u32 @!p0 $0xF7A, s2;
	p2 =	seq.s32 @!p0 s5, $0x0  }
0x1f: {  	s9 =	smul.u32 $0xF7A, s1;
	s8 =	simm.s32 @!p0 $0x1BF5;
	p2 =	por !p2, p0  }
0x20: {  	[sflag:s8] =	ssyncset.s32 @!p0 $0xFFFFF086;
	s6 =	sadd.s32 @!p0 s3, s7;
	s7 =	simm.s32 @!p0 $0x108  }
0x21: {  	s3 =	sadd.s32 s3, s9;
	s6 =	sadd.s32 @!p0 $0x88, s6;
	s7 =	simm.s32 @p2 $0x1082  }
0x22: {  	[simem:s7], [sflag:s8] =	dma.local @!p0 [hbm:s6], $0xF7A  }
0x23: {  	s9 =	sor.u32 $0xD0000000, s2;
	s6 =	simm.s32 $0x108;
	_ =	swait.ge @!p0 [sflag:s8], $0x0  }
0x24: {  	s3 =	sadd.s32 $0x88, s3;
	s6 =	simm.s32 @!p1 $0x1082;
	[sflag:s4] =	ssyncset.s32 $0xFFFFF086  }
0x25: {  	[simem:s6], [sflag:s4] =	dma.local [hbm:s3], $0xF7A  }
0x26: {  	[smem:$0x3F92] =	sst s1;
	(tag) =	ssettag s2;
	_ =	strace s9  }
0x27: {  	s1 =	sld [smem:$0x3FA2]  }
0x28: {  	s2 =	sld [smem:$0x3FA3]  }
0x29: {  	s4 =	sld [smem:$0x3FA5]  }
0x2a: {  	p0 =	seq.s32 s5, $0x0;
	s5 =	sld [smem:$0x3FA6]  }
0x2b: {  	s6 =	sld [smem:$0x3FA7]  }
0x2c: {  	s7 =	sld [smem:$0x3FA8]  }
0x2d: {  	s3 =	simm.s32 $0x108;
	s8 =	sld [smem:$0x3FA9]  }
0x2e: {  	s3 =	simm.s32 @!p0 $0x1082;
	s9 =	sld [smem:$0x3FAA]  }
0x2f: {  	lr =	sadd.s32 s0, s3;
	s0 =	sld [smem:$0x3FA1]  }
0x30: {  	s3 =	sld [smem:$0x3FA4]  }
0x31: {  	[smem:$0x3FAD] =	sst s10  }
0x32: {  	s10 =	sld [smem:$0x3FAB];
	_ =	sdelay $0x3  }
0x33: {  	p0 =	seq.s32 s10, $0x1;
	s10 =	sld [smem:$0x3FAD];
	_ =	sdelay $0x3  }
0x34: {  	[smem:$0x3FAD] =	sst s10  }
0x35: {  	s10 =	sld [smem:$0x3FAC];
	_ =	sdelay $0x3  }
0x36: {  	p1 =	seq.s32 s10, $0x1;
	s10 =	sld [smem:$0x3FAD];
	_ =	sdelay $0x3  }
0x37: {  	[smem:$0x3FAD] =	sst s10  }
0x38: {  	s10 =	sld [smem:$0x3FAE]  }
0x39: {  	_ = 	snop;
	(pc) =	sbr.ind lr, $3  }
0x3a: {  	_ = 	snop  }
0x3b: {  	_ = 	snop  }
0x3c: {  	p2 =	seq.s32 s10, $0x1;
	s10 =	sld [smem:$0x3FAD]  }
0x3d: {  	_ =	shalt  }
0x3e: {  	_ =	shalt  }
0x3f: {  	_ =	shalt  }
0x40: {  	_ =	shalt  }
0x41: {  	_ =	shalt  }
0x42: {  	_ =	shalt  }
0x43: {  	_ =	shalt  }
0x44: {  	_ =	shalt  }
0x45: {  	_ =	shalt  }
0x46: {  	_ =	shalt  }
0x47: {  	_ =	shalt  }
0x48: {  	_ =	shalt  }
0x49: {  	_ =	shalt  }
0x4a: {  	_ =	shalt  }
0x4b: {  	_ =	shalt  }
0x4c: {  	_ =	shalt  }
0x4d: {  	_ =	shalt  }
0x4e: {  	_ =	shalt  }
0x4f: {  	_ =	shalt  }
0x50: {  	_ =	shalt  }
0x51: {  	_ =	shalt  }
0x52: {  	_ =	shalt  }
0x53: {  	_ =	shalt  }
0x54: {  	_ =	shalt  }
0x55: {  	_ =	shalt  }
0x56: {  	_ =	shalt  }
0x57: {  	_ =	shalt  }
0x58: {  	_ =	shalt  }
0x59: {  	_ =	shalt  }
0x5a: {  	_ =	shalt  }
0x5b: {  	_ =	shalt  }
0x5c: {  	_ =	shalt  }
0x5d: {  	_ =	shalt  }
0x5e: {  	_ =	shalt  }
0x5f: {  	_ =	shalt  }
0x60: {  	_ =	shalt  }
0x61: {  	_ =	shalt  }
0x62: {  	_ =	shalt  }
0x63: {  	_ =	shalt  }
0x64: {  	_ =	shalt  }
0x65: {  	_ =	shalt  }
0x66: {  	_ =	shalt  }
0x67: {  	_ =	shalt  }
0x68: {  	_ =	shalt  }
0x69: {  	_ =	shalt  }
0x6a: {  	_ =	shalt  }
0x6b: {  	_ =	shalt  }
0x6c: {  	_ =	shalt  }
0x6d: {  	_ =	shalt  }
0x6e: {  	_ =	shalt  }
0x6f: {  	_ =	shalt  }
0x70: {  	_ =	shalt  }
0x71: {  	_ =	shalt  }
0x72: {  	_ =	shalt  }
0x73: {  	_ =	shalt  }
0x74: {  	_ =	shalt  }
0x75: {  	_ =	shalt  }
0x76: {  	_ =	shalt  }
0x77: {  	_ =	shalt  }
0x78: {  	_ =	shalt  }
0x79: {  	_ =	shalt  }
0x7a: {  	_ =	shalt  }
0x7b: {  	_ =	shalt  }
0x7c: {  	_ =	shalt  }
0x7d: {  	_ =	shalt  }
0x7e: {  	_ =	shalt  }
0x7f: {  	_ =	shalt  }
0x80: {  	_ =	shalt  }
0x81: {  	_ =	shalt  }
0x82: {  	_ =	shalt  }
0x83: {  	_ =	shalt  }
0x84: {  	_ =	shalt  }
0x85: {  	_ =	shalt  }
0x86: {  	_ =	shalt  }
0x87: {  	_ =	shalt  }
.Lfunc_end0:
.L_simem_size_0:
called_computation.1_lowered:
.L_overlay_start_0:
0x88: {  	s2 =	sld [smem:$0x3FD9]  }
0x89: {  	s3 =	sld [smem:$0x3FFE];
	_ =	sdelay $0x1  }
0x8a: {  	s1 =	srdreg.scid  }
0x8b: {  	s0 =	sand.u32 $0x1, s1  }
0x8c: {  	s17 =	sshll.u32 s0, $0xA;
	s2 =	sadd.s32 s3, s2  }
0x8d: {  	s2 =	sadd.s32 s2, s17  }
0x8e: {  	[smem:$0x3FB9] =	sst s2  }
0x8f: {  	_ = 	snop  }
0x90: {  	s18 =	sld [smem:$0x3FC9]  }
0x91: {  	s4 =	sld [smem:$0x3FD0];
	(tm) =	ssettm $0x1  }
0x92: {  	s19 =	sld [smem:$0x3FFB];
	_ =	sdelay $0x3  }
0x93: {  	_ =	strace s19  }
0x94: {  	s2 =	sld [smem:$0x3FFC];
	_ =	sdelay $0x3  }
0x95: {  	_ =	strace s2  }
0x96: {  	s2 =	sld [smem:$0x3FFD];
	_ =	sdelay $0x3  }
0x97: {  	_ =	strace s2  }
0x98: {  	_ =	strace $0x8FFFFFFF  }
0x99: {  	s20 =	sld [smem:$0x3FDB];
	_ =	sdelay $0x1  }
0x9a: {  	s5 =	simm.s32 $_scs_section_size  }
0x9b: {  	s6 =	simm.s32 $_size__tile_overlayer_lowered;
	s7 =	simm.s32 $_tile_overlayer_lowered  }
0x9c: {  	s8 =	simm.s32 $0x1BFF;
	s21 =	sshll.u32 s7, $0x1;
	s5 =	sadd.s32 s5, s20  }
0x9d: {  	s22 =	simm.s32 $0x0;
	s6 =	sshll.u32 s6, $0x1;
	s7 =	sadd.s32 s21, s5  }
0x9e: {  	[timem:s22], [sflag:s8] =	dma.local [hbm:s7], s6  }
0x9f: {  	_ =	swait.ge [sflag:s8], s6  }
0xa0: {  	s6 =	ssub.s32 $0x0, s6;
	[sflag:s8] =	ssyncset.done $0x0  }
0xa1: {  	[sflag:s8] =	ssyncadd.s32 s6;
	_ =	sdelay $0x1  }
0xa2: {  	s23 =	simm.s32 $0x1B8B  }
0xa3: {  	_ =	swait.ge [sflag:s23], $0x1  }
0xa4: {  	[sflag:s23] =	ssyncset.done $0x0  }
0xa5: {  	[sflag:s23] =	ssyncadd.s32 $0xFFFFFFFF  }
0xa6: {  	s6 =	sld [smem:$0x0]  }
0xa7: {  	s7 =	sand.u32 $0xFFFFFFFE, s1  }
0xa8: {  	p0 =	sne.s32 s1, s7  }
0xa9: {  	s7 =	sshll.u32 @p0 s7, $0xE  }
0xaa: {  	s7 =	sadd.s32 @p0 $0x11B8D, s7;
	s8 =	sshll.u32 @p0 s6, $0x11  }
0xab: {  	s7 =	sor.u32 @p0 s8, s7  }
0xac: {  	[sflag:s7] =	ssyncadd.remote.s32 @p0 $0x1;
	_ =	sdelay $0x1  }
0xad: {  	s7 =	simm.s32 @p0 $0x1B8D  }
0xae: {  	_ =	swait.eq @p0 [sflag:s7], $0x1  }
0xaf: {  	[sflag:s7] =	ssyncadd.s32 @p0 $0xFFFFFFFF  }
0xb0: {  	s8 =	sshll.u32 @!p0 s1, $0xE  }
0xb1: {  	s8 =	sor.u32 @!p0 $0x4000, s8;
	s7 =	simm.s32 @!p0 $0x1B8D  }
0xb2: {  	s6 =	sshll.u32 @!p0 s6, $0x11;
	s8 =	sadd.s32 @!p0 $0x11B8D, s8;
	_ =	swait.eq @!p0 [sflag:s7], $0x1  }
0xb3: {  	s6 =	sor.u32 @!p0 s6, s8;
	[sflag:s7] =	ssyncadd.s32 @!p0 $0xFFFFFFFF  }
0xb4: {  	s25 =	simm.s32 $0x1B8E;
	s24 =	sld [smem:$0x3FFE];
	[sflag:s6] =	ssyncadd.remote.s32 @!p0 $0x1  }
0xb5: {  	s26 =	simm.s32 $execute0_lowered;
	[smem:$0x3FD2] =	sst s25  }
0xb6: {  	s7 =	sshll.u32 s26, $0x1;
	_ =	strace $0x80000049;
	[dreg:$0x1] =	wrdreg $0xFFFFFFFF  }
0xb7: {  	s28 =	simm.s32 $_size_execute0_lowered;
	s5 =	sadd.s32 s5, s7;
	[dreg:$0x0] =	wrdreg $0x0  }
0xb8: {  	s7 =	sshll.u32 s28, $0x1;
	[dreg:$0x2] =	wrdreg s5  }
0xb9: {  	[dreg:$0x3] =	wrdreg s7  }
0xba: {  	[dreg:$0x4] =	wrdreg $0xC0  }
0xbb: {  	_ =	task [dreg:s22], $0x5FFFF  }
0xbc: {  	[dreg:$0x1] =	wrdreg $0xFFFFFFFF  }
0xbd: {  	[dreg:$0x0] =	wrdreg $0x60  }
0xbe: {  	[dreg:$0x2] =	wrdreg s18  }
0xbf: {  	[dreg:$0x3] =	wrdreg s4  }
0xc0: {  	[dreg:$0x4] =	wrdreg s24  }
0xc1: {  	[dreg:$0x5] =	wrdreg $0xAA000  }
0xc2: {  	[dreg:$0x6] =	wrdreg $0xA  }
0xc3: {  	_ =	task.clear_ibuf [dreg:s22], $0x7FFFF;
	_ =	strace $0x90000049  }
0xc4: {  	s29 =	simm.s32 $0xA;
	_ =	strace $0x8000004B  }
0xc5: {  	_ =	swait.ge [sflag:s29], $0x1  }
0xc6: {  	[sflag:s29] =	ssyncadd.s32 $0xFFFFFFFF  }
0xc7: {  	_ =	strace $0x9000004B  }
0xc8: {  	_ =	sfence  }
0xc9: {  	s30 =	sld [smem:$0x0];
	_ =	sdelay $0x2  }
0xca: {  	s31 =	sshll.u32 s1, $0xD;
	s1 =	sshrl.u32 s1, $0x2  }
0xcb: {  	s4 =	sand.u32 $0x4000, s31;
	s1 =	sadd.s32 s1, s30  }
0xcc: {  	s0 =	sor.u32 s4, s0;
	s1 =	sshll.u32 s1, $0x11  }
0xcd: {  	s0 =	sor.u32 s1, s0  }
0xce: {  	s0 =	sadd.s32 $0x8F2B, s0  }
0xcf: {  	[sflag:s0] =	ssyncadd.remote.s32 $0x1  }
0xd0: {  	_ =	sfence.sel $0xFFFF  }
0xd1: {  	[dreg:$0x0] =	wrdreg $0xFFFFFFFF;
	(pc) =	sbr.abs _section_cstart, $3  }
0xd2: {  	[dreg:$0x1] =	wrdreg $0xFFFFFFFF  }
0xd3: {  	_ =	task.clear_ibuf [dreg:s22], $0x2FFFF;
	_ =	strace $0x9FFFFFFF  }
0xd4: {  	(tm) =	ssettm $0x7FFFFFFF  }
0xd5: {  	_ =	shalt  }
tec
execute0_lowered:
.L_overlay_start_1:
0x0: {  	(tag) =	ssettag $0x1  }
0x1: {  	s1 =	rddreg [dreg:$0x0]  }
0x2: {  	s6 =	rddreg [dreg:$0x1]  }
0x3: {  	s5 =	rddreg [dreg:$0x2]  }
0x4: {  	s3 =	rddreg [dreg:$0x3]  }
0x5: {  	s7 =	srdreg.scid;
	s0 =	stileid.u32  }
0x6: {  	s4 =	simm.s32 $0x0;
	s21 =	simm.s32 $0x80;
	s22 =	simm.s32 $0x6A00  }
0x7: {  	s23 =	simm.s32 $0x2900;
	s24 =	simm.s32 $0x1;
	s8 =	smul.u32 $0x280, s0  }
0x8: {  	s25 =	simm.s32 $0x2980;
	s26 =	simm.s32 $0x2;
	s11 =	smul.u32 $0x50000, s0  }
0x9: {  	s28 =	simm.s32 $0x0;
	s7 =	sand.u32 $0x1, s7;
	s14 =	smul.u32 $0x2800, s0  }
0xa: {  	[smem:$0x7FF] =	sst s4;
	s18 =	sadd.s32 $0x4000, s5;
	s9 =	smul.u32 $0x2800, s7  }
0xb: {  	_ =	strace $0x8000004A;
	s29 =	sshll.u32 s7, $0x4;
	s10 =	ssub.s32 $0x2, s7  }
0xc: {  	s13 =	smul.u32 $0x28000, s7;
	s12 =	sshrl.u32 s10, $0x1;
	s30 =	sshrl.u32 s11, $0x2  }
0xd: {  	s8 =	sadd.s32 s8, s9;
	s9 =	sor.u32 s0, s29;
	s16 =	ssub.s32 s10, s12  }
0xe: {  	s17 =	sadd.s32 s14, s13;
	s8 =	sshll.u32 s8, $0x4;
	s9 =	smul.u32 $0x2800, s9  }
0xf: {  	s19 =	sor.u32 $0x80, s17;
	s20 =	sshrl.u32 s17, $0x3;
	s16 =	smax.u32 s16, $0x1  }
0x10: {  	s15 =	sadd.s32 s8, s5;
	s5 =	sadd.s32 s30, s3;
	s19 =	sshrl.u32 s19, $0x3  }
0x11: {  	s31 =	sshrl.u32 s9, $0x3;
	s7 =	sadd.s32 $0x4000, s5;
	s8 =	sadd.s32 $0x8000, s5  }
0x12: {  	s9 =	sadd.s32 $0xC000, s5;
	s10 =	sadd.s32 $0x10000, s5;
	s11 =	sadd.s32 $0x5E000, s15  }
0x13: {  	s12 =	sadd.s32 $0x5E800, s15;
	s13 =	sadd.s32 $0x5F000, s15;
	s14 =	sadd.s32 $0x5F800, s15  }
0x14: {  	s15 =	sadd.s32 $0x60000, s15;
	s17 =	sadd.s32 s19, s18;
	s18 =	sadd.s32 s20, s18  }
0x15: {  	v0 =	vimm.f32 $0.0e+00;
	v1 =	vimm.s32 $0x0;
	s19 =	simm.s32 $0x3;
	s20 =	simm.s32 $0x2A00;
	s6 =	sadd.s32 s6, s31  }
.LBB2_1:
0x16: {  	[tilespmem:s4], [sflag:$0x3] =	stream.linear.gather [hbm4b:s6+s4], $0x2800, $0x38;
	[tilespmem:$0x1EA00] =	vst v63  }
0x17: {  	_ =	swait.ge [sflag:s19], $0x2800  }
0x18: {  	[sflag:s19] =	ssyncset.done $0x0  }
0x19: {  	s29 =	simm.s32 $0x0;
	s30 =	simm.s32 $0x200;
	[sflag:s19] =	ssyncadd.s32 $0xFFFFD800  }
.LBB2_2:
0x1a: {  	p0 =	sne.s32 s30, $0xFE00;
	[tilespmem:s29+$0x2A70] =	vst v0  }
0x1b: {  	[tilespmem:s29+$0x2A00] =	vst v0  }
0x1c: {  	[tilespmem:s29+$0x2A10] =	vst v0  }
.Ltmp0:
0x1d: {  	[tilespmem:s29+$0x2A20] =	vst v0;
	(pc) =	sbr.rel @p0 .LBB2_2-.Ltmp0, $4  }
0x1e: {  	[tilespmem:s29+$0x2A30] =	vst v0  }
0x1f: {  	[tilespmem:s29+$0x2A40] =	vst v0  }
0x20: {  	[tilespmem:s29+$0x2A50] =	vst v0  }
0x21: {  	[tilespmem:s29+$0x2A60] =	vst v0;
	s29 =	sshra.s32 s30, $0x2;
	s30 =	sadd.s32 $0x200, s30  }
0x22: {  	[tilespmem:s29+$0x2A70] =	vst v0  }
0x23: {  	[tilespmem:s29+$0x2A00] =	vst v0  }
0x24: {  	[tilespmem:s29+$0x2A10] =	vst v0  }
0x25: {  	[tilespmem:s29+$0x2A20] =	vst v0  }
0x26: {  	[tilespmem:s29+$0x2A30] =	vst v0  }
0x27: {  	[tilespmem:s29+$0x2A40] =	vst v0  }
0x28: {  	[tilespmem:s29+$0x2A50] =	vst v0  }
0x29: {  	[tilespmem:s29+$0x2A60] =	vst v0  }
0x2a: {  	[spmem:s5] =	stream.linear.scatter [tilespmem:s20], [sflag:$0x3], $0x4000, $0x38;
	[tilespmem:$0x1EA00] =	vst v63  }
0x2b: {  	_ =	swait.ge [sflag:s19], $0x4000  }
0x2c: {  	[sflag:s19] =	ssyncset.done $0x0  }
0x2d: {  	[sflag:s19] =	ssyncadd.s32 $0xFFFFC000  }
0x2e: {  	[spmem:s7] =	stream.linear.scatter [tilespmem:s20], [sflag:$0x3], $0x4000, $0x38;
	[tilespmem:$0x1EA00] =	vst v63  }
0x2f: {  	_ =	swait.ge [sflag:s19], $0x4000  }
0x30: {  	[sflag:s19] =	ssyncset.done $0x0  }
0x31: {  	[sflag:s19] =	ssyncadd.s32 $0xFFFFC000  }
0x32: {  	[spmem:s8] =	stream.linear.scatter [tilespmem:s20], [sflag:$0x3], $0x4000, $0x38;
	[tilespmem:$0x1EA00] =	vst v63  }
0x33: {  	_ =	swait.ge [sflag:s19], $0x4000  }
0x34: {  	[sflag:s19] =	ssyncset.done $0x0  }
0x35: {  	[sflag:s19] =	ssyncadd.s32 $0xFFFFC000  }
0x36: {  	[spmem:s9] =	stream.linear.scatter [tilespmem:s20], [sflag:$0x3], $0x4000, $0x38;
	[tilespmem:$0x1EA00] =	vst v63  }
0x37: {  	_ =	swait.ge [sflag:s19], $0x4000  }
0x38: {  	[sflag:s19] =	ssyncset.done $0x0  }
0x39: {  	[sflag:s19] =	ssyncadd.s32 $0xFFFFC000  }
0x3a: {  	[spmem:s10] =	stream.linear.scatter [tilespmem:s20], [sflag:$0x3], $0x4000, $0x38;
	[tilespmem:$0x1EA00] =	vst v63  }
0x3b: {  	_ =	swait.ge [sflag:s19], $0x4000  }
0x3c: {  	[sflag:s19] =	ssyncset.done $0x0  }
0x3d: {  	[sflag:s19] =	ssyncadd.s32 $0xFFFFC000  }
0x3e: {  	[tilespmem:$0x2800] =	vst v1  }
0x3f: {  	[tilespmem:$0x2810] =	vst v1  }
0x40: {  	[tilespmem:$0x2820] =	vst v1  }
0x41: {  	[tilespmem:$0x2830] =	vst v1  }
0x42: {  	[tilespmem:$0x2840] =	vst v1  }
0x43: {  	[tilespmem:$0x2850] =	vst v1  }
0x44: {  	[tilespmem:$0x2860] =	vst v1  }
0x45: {  	[tilespmem:$0x2870] =	vst v1  }
0x46: {  	[tilespmem:$0x2880] =	vst v1  }
0x47: {  	[tilespmem:$0x2890] =	vst v1  }
0x48: {  	[tilespmem:$0x28A0] =	vst v1  }
0x49: {  	[tilespmem:$0x28B0] =	vst v1  }
0x4a: {  	[tilespmem:$0x28C0] =	vst v1  }
0x4b: {  	[tilespmem:$0x28D0] =	vst v1  }
0x4c: {  	[tilespmem:$0x28E0] =	vst v1  }
0x4d: {  	[tilespmem:$0x28F0] =	vst v1  }
0x4e: {  	s29 =	simm.s32 $0x0;
	[bflag:$0x0] =	sbarrier.arrive $0xFFFF  }
0x4f: {  	[tilespmem:s20], [sflag:$0x1] =	stream.indirect.gather [hbm4b:s1+s21], $0x80, s29, s21, $0xb8;
	[tilespmem:$0x1EA00] =	vst v63  }
0x50: {  	_ = 	snop  }
0x51: {  	[tilespmem:s22], [sflag:$0x2] =	stream.indirect.gather [hbm4b:s1+s21], $0x80, s21, s21, $0xb8;
	[tilespmem:$0x1EA00] =	vst v63  }
0x52: {  	s29 =	sadd.s32 $0x0, s18  }
0x53: {  	[tilespmem:s23], [sflag:$0x3] =	stream.linear.gather [hbm4b:s29+s4], $0x80, $0x38;
	[tilespmem:$0x1EA00] =	vst v63  }
0x54: {  	_ =	swait.ge [sflag:s19], $0x80  }
0x55: {  	[sflag:s19] =	ssyncset.done $0x0  }
0x56: {  	[sflag:s19] =	ssyncadd.s32 $0xFFFFFF80  }
0x57: {  	_ =	swait.ge [sflag:s24], $0x4000  }
0x58: {  	[sflag:s24] =	ssyncset.done $0x0  }
0x59: {  	[sflag:s24] =	ssyncadd.s32 $0xFFFFC000  }
0x5a: {  	[spmem:s3] =	stream.indirect.scatter.add.f32 [tilespmem:s20], [sflag:$0x3], $0x80, s23, s21, $0xb8;
	[tilespmem:$0x1EA00] =	vst v63  }
0x5b: {  	_ =	swait.ge [sflag:s19], $0x4000  }
0x5c: {  	[sflag:s19] =	ssyncset.done $0x0  }
0x5d: {  	s29 =	simm.s32 $0x100;
	[sflag:s19] =	ssyncadd.s32 $0xFFFFC000  }
0x5e: {  	[tilespmem:s20], [sflag:$0x1] =	stream.indirect.gather [hbm4b:s1+s21], $0x80, s29, s21, $0xb8;
	[tilespmem:$0x1EA00] =	vst v63  }
0x5f: {  	s29 =	sadd.s32 $0x0, s17  }
0x60: {  	[tilespmem:s25], [sflag:$0x3] =	stream.linear.gather [hbm4b:s29+s4], $0x80, $0x38;
	[tilespmem:$0x1EA00] =	vst v63  }
0x61: {  	_ =	swait.ge [sflag:s19], $0x80  }
0x62: {  	[sflag:s19] =	ssyncset.done $0x0  }
0x63: {  	[sflag:s19] =	ssyncadd.s32 $0xFFFFFF80  }
0x64: {  	_ =	swait.ge [sflag:s26], $0x4000  }
0x65: {  	[sflag:s26] =	ssyncset.done $0x0  }
0x66: {  	[sflag:s26] =	ssyncadd.s32 $0xFFFFC000  }
0x67: {  	[spmem:s3] =	stream.indirect.scatter.add.f32 [tilespmem:s22], [sflag:$0x3], $0x80, s25, s21, $0xb8;
	[tilespmem:$0x1EA00] =	vst v63  }
0x68: {  	_ =	swait.ge [sflag:s19], $0x4000  }
0x69: {  	s30 =	simm.s32 $0x20;
	[sflag:s19] =	ssyncset.done $0x0  }
0x6a: {  	s31 =	simm.s32 $0x280;
	s29 =	simm.s32 $0x180;
	[sflag:s19] =	ssyncadd.s32 $0xFFFFC000  }
.LBB2_4:
0x6b: {  	[tilespmem:s22], [sflag:$0x2] =	stream.indirect.gather [hbm4b:s1+s21], $0x80, s29, s21, $0xb8;
	[tilespmem:$0x1EA00] =	vst v63  }
0x6c: {  	s0 =	smov.u32 s30;
	s29 =	smov.u32 s31  }
0x6d: {  	p0 =	sne.s32 s30, $0x4E0;
	s30 =	sadd.s32 $0x20, s30;
	s2 =	sadd.s32 s0, s18  }
0x6e: {  	[tilespmem:s23], [sflag:$0x3] =	stream.linear.gather [hbm4b:s2+s4], $0x80, $0x38;
	[tilespmem:$0x1EA00] =	vst v63  }
0x6f: {  	_ =	swait.ge [sflag:s19], $0x80  }
0x70: {  	[sflag:s19] =	ssyncset.done $0x0  }
0x71: {  	[sflag:s19] =	ssyncadd.s32 $0xFFFFFF80  }
0x72: {  	_ =	swait.ge [sflag:s24], $0x4000  }
0x73: {  	[sflag:s24] =	ssyncset.done $0x0  }
0x74: {  	[sflag:s24] =	ssyncadd.s32 $0xFFFFC000  }
0x75: {  	[spmem:s3] =	stream.indirect.scatter.add.f32 [tilespmem:s20], [sflag:$0x3], $0x80, s23, s21, $0xb8;
	[tilespmem:$0x1EA00] =	vst v63  }
0x76: {  	_ =	swait.ge [sflag:s19], $0x4000  }
0x77: {  	[sflag:s19] =	ssyncset.done $0x0  }
0x78: {  	s2 =	sadd.s32 $0xFFFFFF80, s31;
	[sflag:s19] =	ssyncadd.s32 $0xFFFFC000  }
0x79: {  	[tilespmem:s20], [sflag:$0x1] =	stream.indirect.gather [hbm4b:s1+s21], $0x80, s2, s21, $0xb8;
	[tilespmem:$0x1EA00] =	vst v63  }
0x7a: {  	s0 =	sadd.s32 s0, s17  }
0x7b: {  	[tilespmem:s25], [sflag:$0x3] =	stream.linear.gather [hbm4b:s0+s4], $0x80, $0x38;
	[tilespmem:$0x1EA00] =	vst v63  }
0x7c: {  	_ =	swait.ge [sflag:s19], $0x80  }
0x7d: {  	[sflag:s19] =	ssyncset.done $0x0  }
0x7e: {  	[sflag:s19] =	ssyncadd.s32 $0xFFFFFF80  }
0x7f: {  	_ =	swait.ge [sflag:s26], $0x4000  }
0x80: {  	[sflag:s26] =	ssyncset.done $0x0  }
.Ltmp1:
0x81: {  	[sflag:s26] =	ssyncadd.s32 $0xFFFFC000;
	(pc) =	sbr.rel @p0 .LBB2_4-.Ltmp1, $4  }
0x82: {  	[spmem:s3] =	stream.indirect.scatter.add.f32 [tilespmem:s22], [sflag:$0x3], $0x80, s25, s21, $0xb8;
	[tilespmem:$0x1EA00] =	vst v63  }
0x83: {  	_ =	swait.ge [sflag:s19], $0x4000  }
0x84: {  	[sflag:s19] =	ssyncset.done $0x0  }
0x85: {  	s31 =	sadd.s32 $0x100, s31;
	[sflag:s19] =	ssyncadd.s32 $0xFFFFC000  }
0x86: {  	[tilespmem:s22], [sflag:$0x2] =	stream.indirect.gather [hbm4b:s1+s21], $0x80, s29, s21, $0xb8;
	[tilespmem:$0x1EA00] =	vst v63  }
0x87: {  	_ =	swait.ge [sflag:s24], $0x4000  }
0x88: {  	[sflag:s24] =	ssyncset.done $0x0  }
0x89: {  	[sflag:s24] =	ssyncadd.s32 $0xFFFFC000  }
0x8a: {  	_ =	swait.ge [sflag:s26], $0x4000  }
0x8b: {  	[sflag:s26] =	ssyncset.done $0x0  }
0x8c: {  	[sflag:s26] =	ssyncadd.s32 $0xFFFFC000  }
0x8d: {  	[bflag:$0x0] =	sbarrier.arrive $0xFFFF  }
0x8e: {  	[tilespmem:s20], [sflag:$0x3] =	stream.linear.gather [spmem:s5], $0x4000, $0x38;
	[tilespmem:$0x1EA00] =	vst v63  }
0x8f: {  	_ =	swait.ge [sflag:s19], $0x4000  }
0x90: {  	[sflag:s19] =	ssyncset.done $0x0  }
0x91: {  	[sflag:s19] =	ssyncadd.s32 $0xFFFFC000  }
0x92: {  	[hbm4b:s11+s4] =	stream.linear.scatter [tilespmem:s20], [sflag:$0x3], $0x4000, $0x38;
	[tilespmem:$0x1EA00] =	vst v63  }
0x93: {  	_ =	swait.ge [sflag:s19], $0x4000  }
0x94: {  	[sflag:s19] =	ssyncset.done $0x0  }
0x95: {  	[sflag:s19] =	ssyncadd.s32 $0xFFFFC000  }
0x96: {  	[tilespmem:s22], [sflag:$0x3] =	stream.linear.gather [spmem:s7], $0x4000, $0x38;
	[tilespmem:$0x1EA00] =	vst v63  }
0x97: {  	_ =	swait.ge [sflag:s19], $0x4000  }
0x98: {  	[sflag:s19] =	ssyncset.done $0x0  }
0x99: {  	[sflag:s19] =	ssyncadd.s32 $0xFFFFC000  }
0x9a: {  	[hbm4b:s12+s4] =	stream.linear.scatter [tilespmem:s22], [sflag:$0x3], $0x4000, $0x38;
	[tilespmem:$0x1EA00] =	vst v63  }
0x9b: {  	_ =	swait.ge [sflag:s19], $0x4000  }
0x9c: {  	[sflag:s19] =	ssyncset.done $0x0  }
0x9d: {  	[sflag:s19] =	ssyncadd.s32 $0xFFFFC000  }
0x9e: {  	[tilespmem:s20], [sflag:$0x3] =	stream.linear.gather [spmem:s8], $0x4000, $0x38;
	[tilespmem:$0x1EA00] =	vst v63  }
0x9f: {  	_ =	swait.ge [sflag:s19], $0x4000  }
0xa0: {  	[sflag:s19] =	ssyncset.done $0x0  }
0xa1: {  	[sflag:s19] =	ssyncadd.s32 $0xFFFFC000  }
0xa2: {  	[hbm4b:s13+s4] =	stream.linear.scatter [tilespmem:s20], [sflag:$0x3], $0x4000, $0x38;
	[tilespmem:$0x1EA00] =	vst v63  }
0xa3: {  	_ =	swait.ge [sflag:s19], $0x4000  }
0xa4: {  	[sflag:s19] =	ssyncset.done $0x0  }
0xa5: {  	[sflag:s19] =	ssyncadd.s32 $0xFFFFC000  }
0xa6: {  	[tilespmem:s22], [sflag:$0x3] =	stream.linear.gather [spmem:s9], $0x4000, $0x38;
	[tilespmem:$0x1EA00] =	vst v63  }
0xa7: {  	_ =	swait.ge [sflag:s19], $0x4000  }
0xa8: {  	[sflag:s19] =	ssyncset.done $0x0  }
0xa9: {  	[sflag:s19] =	ssyncadd.s32 $0xFFFFC000  }
0xaa: {  	[hbm4b:s14+s4] =	stream.linear.scatter [tilespmem:s22], [sflag:$0x3], $0x4000, $0x38;
	[tilespmem:$0x1EA00] =	vst v63  }
0xab: {  	_ =	swait.ge [sflag:s19], $0x4000  }
0xac: {  	[sflag:s19] =	ssyncset.done $0x0  }
0xad: {  	[sflag:s19] =	ssyncadd.s32 $0xFFFFC000  }
0xae: {  	[tilespmem:s20], [sflag:$0x3] =	stream.linear.gather [spmem:s10], $0x4000, $0x38;
	[tilespmem:$0x1EA00] =	vst v63  }
0xaf: {  	s28 =	sadd.s32 $0x1, s28;
	_ =	swait.ge [sflag:s19], $0x4000  }
0xb0: {  	p0 =	sne.s32 s28, s16;
	[sflag:s19] =	ssyncset.done $0x0  }
.Ltmp2:
0xb1: {  	[sflag:s19] =	ssyncadd.s32 $0xFFFFC000;
	(pc) =	sbr.rel @p0 .LBB2_1-.Ltmp2, $4  }
0xb2: {  	[hbm4b:s15+s4] =	stream.linear.scatter [tilespmem:s20], [sflag:$0x3], $0x4000, $0x38;
	[tilespmem:$0x1EA00] =	vst v63  }
0xb3: {  	_ =	swait.ge [sflag:s19], $0x4000  }
0xb4: {  	[sflag:s19] =	ssyncset.done $0x0  }
0xb5: {  	[sflag:s19] =	ssyncadd.s32 $0xFFFFC000  }
0xb6: {  	_ =	sfence.sel $0x180000  }
0xb7: {  	[bflag:$0x0] =	sbarrier.arrive $0xFFFF  }
0xb8: {  	_ =	strace $0x9000004A  }
0xb9: {  	s0 =	stileid.u32;
	[bflag:$0x2] =	sbarrier.arrive $0xFFFF  }
0xba: {  	p0 =	sne.s32 s0, $0x0;
	s0 =	rddreg [dreg:$0x4]  }
0xbb: {  	s0 =	sadd.s32 @!p0 $0x100000, s0  }
0xbc: {  	[sflag:s0] =	ssyncadd.tile.s32 @!p0 $0x1;
	_ =	shalt  }
.Lfunc_end2:
_tile_overlayer_lowered:
.L_overlay_start_2:
0xbd: {  	(tag) =	ssettag $0x2  }
0xbe: {  	s0 =	rddreg [dreg:$0x0];
	s2 =	stileid.u32  }
0xbf: {  	s1 =	rddreg [dreg:$0x1];
	p0 =	sne.s32 s2, $0x0  }
0xc0: {  	s3 =	rddreg [dreg:$0x2];
	[bflag:$0x3] =	sbarrier.arrive $0xFFFF;
	s2 =	simm.s32 @!p0 $0x1C03  }
0xc1: {  	[timem:s3], [sflag:s2] =	dma.local @!p0 [hbm:s0], s1  }
0xc2: {  	s0 =	simm.s32 @!p0 $0x3  }
0xc3: {  	_ =	swait.ge @!p0 [sflag:s0], s1  }
0xc4: {  	s1 =	ssub.s32 @!p0 $0x0, s1;
	[sflag:s0] =	ssyncset.done @!p0 $0x0  }
0xc5: {  	[sflag:s0] =	ssyncadd.s32 @!p0 s1  }
0xc6: {  	[bflag:$0x3] =	sbarrier.arrive $0xFFFF  }
0xc7: {  	_ =	shalt  }

// kernel: kernel.15.cloned.1.call-start
scs
__scs_entry_jumppad:
0x0: {  	(pc) =	sbr.rel $0x88, $3  }
0x1: {  	(tag) =	ssettag $0x0;
	lr =	simm.s32 $0x1  }
0x2: {  	[smem:$0x3F92] =	sst lr;
	_ =	strace $0xD0000000  }
0x3: {  	_ = 	snop  }
0x4: {  	_ = 	snop  }
0x5: {  	_ = 	snop  }
0x6: {  	_ = 	snop  }
0x7: {  	_ = 	snop  }
__scs_overlays_trampoline_lowered:
0x8: {  	[smem:$0x3FA1] =	sst s0  }
0x9: {  	[smem:$0x3FA2] =	sst s1  }
0xa: {  	[smem:$0x3FA3] =	sst s2  }
0xb: {  	[smem:$0x3FA4] =	sst s3  }
0xc: {  	[smem:$0x3FA5] =	sst s4  }
0xd: {  	[smem:$0x3FA6] =	sst s5  }
0xe: {  	[smem:$0x3FA7] =	sst s6  }
0xf: {  	[smem:$0x3FA8] =	sst s7  }
0x10: {  	[smem:$0x3FA9] =	sst s8  }
0x11: {  	[smem:$0x3FAA] =	sst s9;
	s0 =	simm.s32 @!p0 $0x0  }
0x12: {  	s1 =	sld [smem:$0x3F90];
	s0 =	simm.s32 @p0 $0x1  }
0x13: {  	[smem:$0x3FAB] =	sst s0;
	s0 =	simm.s32 @!p1 $0x0  }
0x14: {  	s2 =	sld [smem:$0x3F8F];
	s0 =	simm.s32 @p1 $0x1  }
0x15: {  	[smem:$0x3FAC] =	sst s0;
	s0 =	simm.s32 @!p2 $0x0  }
0x16: {  	s3 =	sld [smem:$0x3FDB];
	s0 =	simm.s32 @p2 $0x1  }
0x17: {  	s4 =	simm.s32 $0x1BF5;
	[smem:$0x3FAE] =	sst s0  }
0x18: {  	s0 =	sld [smem:$0x3F91];
	_ =	swait.ge [sflag:s4], $0x0  }
0x19: {  	s7 =	sld [smem:$0x3F92]  }
0x1a: {  	s8 =	sadd.s32 $0xFFFFE003, lr  }
0x1b: {  	s9 =	sadd.s32 $0xFFFFFEF7, lr;
	s5 =	simm.s32 $0xFFFFFFFF;
	p2 =	slt.u32 s8, $0xFFFFF086  }
0x1c: {  	p1 =	slt.u32 s9, $0xF7A;
	s5 =	simm.s32 @!p2 $0x0  }
0x1d: {  	s5 =	simm.s32 @p1 $0x1;
	p0 =	seq.s32 s7, s2  }
0x1e: {  	s7 =	smul.u32 @!p0 $0xF7A, s2;
	p2 =	seq.s32 @!p0 s5, $0x0  }
0x1f: {  	s9 =	smul.u32 $0xF7A, s1;
	s8 =	simm.s32 @!p0 $0x1BF5;
	p2 =	por !p2, p0  }
0x20: {  	[sflag:s8] =	ssyncset.s32 @!p0 $0xFFFFF086;
	s6 =	sadd.s32 @!p0 s3, s7;
	s7 =	simm.s32 @!p0 $0x108  }
0x21: {  	s3 =	sadd.s32 s3, s9;
	s6 =	sadd.s32 @!p0 $0x88, s6;
	s7 =	simm.s32 @p2 $0x1082  }
0x22: {  	[simem:s7], [sflag:s8] =	dma.local @!p0 [hbm:s6], $0xF7A  }
0x23: {  	s9 =	sor.u32 $0xD0000000, s2;
	s6 =	simm.s32 $0x108;
	_ =	swait.ge @!p0 [sflag:s8], $0x0  }
0x24: {  	s3 =	sadd.s32 $0x88, s3;
	s6 =	simm.s32 @!p1 $0x1082;
	[sflag:s4] =	ssyncset.s32 $0xFFFFF086  }
0x25: {  	[simem:s6], [sflag:s4] =	dma.local [hbm:s3], $0xF7A  }
0x26: {  	[smem:$0x3F92] =	sst s1;
	(tag) =	ssettag s2;
	_ =	strace s9  }
0x27: {  	s1 =	sld [smem:$0x3FA2]  }
0x28: {  	s2 =	sld [smem:$0x3FA3]  }
0x29: {  	s4 =	sld [smem:$0x3FA5]  }
0x2a: {  	p0 =	seq.s32 s5, $0x0;
	s5 =	sld [smem:$0x3FA6]  }
0x2b: {  	s6 =	sld [smem:$0x3FA7]  }
0x2c: {  	s7 =	sld [smem:$0x3FA8]  }
0x2d: {  	s3 =	simm.s32 $0x108;
	s8 =	sld [smem:$0x3FA9]  }
0x2e: {  	s3 =	simm.s32 @!p0 $0x1082;
	s9 =	sld [smem:$0x3FAA]  }
0x2f: {  	lr =	sadd.s32 s0, s3;
	s0 =	sld [smem:$0x3FA1]  }
0x30: {  	s3 =	sld [smem:$0x3FA4]  }
0x31: {  	[smem:$0x3FAD] =	sst s10  }
0x32: {  	s10 =	sld [smem:$0x3FAB];
	_ =	sdelay $0x3  }
0x33: {  	p0 =	seq.s32 s10, $0x1;
	s10 =	sld [smem:$0x3FAD];
	_ =	sdelay $0x3  }
0x34: {  	[smem:$0x3FAD] =	sst s10  }
0x35: {  	s10 =	sld [smem:$0x3FAC];
	_ =	sdelay $0x3  }
0x36: {  	p1 =	seq.s32 s10, $0x1;
	s10 =	sld [smem:$0x3FAD];
	_ =	sdelay $0x3  }
0x37: {  	[smem:$0x3FAD] =	sst s10  }
0x38: {  	s10 =	sld [smem:$0x3FAE]  }
0x39: {  	_ = 	snop;
	(pc) =	sbr.ind lr, $3  }
0x3a: {  	_ = 	snop  }
0x3b: {  	_ = 	snop  }
0x3c: {  	p2 =	seq.s32 s10, $0x1;
	s10 =	sld [smem:$0x3FAD]  }
0x3d: {  	_ =	shalt  }
0x3e: {  	_ =	shalt  }
0x3f: {  	_ =	shalt  }
0x40: {  	_ =	shalt  }
0x41: {  	_ =	shalt  }
0x42: {  	_ =	shalt  }
0x43: {  	_ =	shalt  }
0x44: {  	_ =	shalt  }
0x45: {  	_ =	shalt  }
0x46: {  	_ =	shalt  }
0x47: {  	_ =	shalt  }
0x48: {  	_ =	shalt  }
0x49: {  	_ =	shalt  }
0x4a: {  	_ =	shalt  }
0x4b: {  	_ =	shalt  }
0x4c: {  	_ =	shalt  }
0x4d: {  	_ =	shalt  }
0x4e: {  	_ =	shalt  }
0x4f: {  	_ =	shalt  }
0x50: {  	_ =	shalt  }
0x51: {  	_ =	shalt  }
0x52: {  	_ =	shalt  }
0x53: {  	_ =	shalt  }
0x54: {  	_ =	shalt  }
0x55: {  	_ =	shalt  }
0x56: {  	_ =	shalt  }
0x57: {  	_ =	shalt  }
0x58: {  	_ =	shalt  }
0x59: {  	_ =	shalt  }
0x5a: {  	_ =	shalt  }
0x5b: {  	_ =	shalt  }
0x5c: {  	_ =	shalt  }
0x5d: {  	_ =	shalt  }
0x5e: {  	_ =	shalt  }
0x5f: {  	_ =	shalt  }
0x60: {  	_ =	shalt  }
0x61: {  	_ =	shalt  }
0x62: {  	_ =	shalt  }
0x63: {  	_ =	shalt  }
0x64: {  	_ =	shalt  }
0x65: {  	_ =	shalt  }
0x66: {  	_ =	shalt  }
0x67: {  	_ =	shalt  }
0x68: {  	_ =	shalt  }
0x69: {  	_ =	shalt  }
0x6a: {  	_ =	shalt  }
0x6b: {  	_ =	shalt  }
0x6c: {  	_ =	shalt  }
0x6d: {  	_ =	shalt  }
0x6e: {  	_ =	shalt  }
0x6f: {  	_ =	shalt  }
0x70: {  	_ =	shalt  }
0x71: {  	_ =	shalt  }
0x72: {  	_ =	shalt  }
0x73: {  	_ =	shalt  }
0x74: {  	_ =	shalt  }
0x75: {  	_ =	shalt  }
0x76: {  	_ =	shalt  }
0x77: {  	_ =	shalt  }
0x78: {  	_ =	shalt  }
0x79: {  	_ =	shalt  }
0x7a: {  	_ =	shalt  }
0x7b: {  	_ =	shalt  }
0x7c: {  	_ =	shalt  }
0x7d: {  	_ =	shalt  }
0x7e: {  	_ =	shalt  }
0x7f: {  	_ =	shalt  }
0x80: {  	_ =	shalt  }
0x81: {  	_ =	shalt  }
0x82: {  	_ =	shalt  }
0x83: {  	_ =	shalt  }
0x84: {  	_ =	shalt  }
0x85: {  	_ =	shalt  }
0x86: {  	_ =	shalt  }
0x87: {  	_ =	shalt  }
.Lfunc_end0:
.L_simem_size_0:
called_computation.2_lowered:
.L_overlay_start_0:
0x88: {  	s2 =	sld [smem:$0x3FD9]  }
0x89: {  	s3 =	sld [smem:$0x3FFE];
	_ =	sdelay $0x1  }
0x8a: {  	s1 =	srdreg.scid  }
0x8b: {  	s0 =	sand.u32 $0x1, s1  }
0x8c: {  	s17 =	sshll.u32 s0, $0xA;
	s2 =	sadd.s32 s3, s2  }
0x8d: {  	s2 =	sadd.s32 s2, s17  }
0x8e: {  	[smem:$0x3FB9] =	sst s2  }
0x8f: {  	_ = 	snop  }
0x90: {  	s2 =	sld [smem:$0x3FD0];
	(tm) =	ssettm $0x1  }
0x91: {  	s18 =	sld [smem:$0x3FFB];
	_ =	sdelay $0x3  }
0x92: {  	_ =	strace s18  }
0x93: {  	s3 =	sld [smem:$0x3FFC];
	_ =	sdelay $0x3  }
0x94: {  	_ =	strace s3  }
0x95: {  	s3 =	sld [smem:$0x3FFD];
	_ =	sdelay $0x3  }
0x96: {  	_ =	strace s3  }
0x97: {  	_ =	strace $0x8FFFFFFF  }
0x98: {  	s19 =	sld [smem:$0x3FDB];
	_ =	sdelay $0x1  }
0x99: {  	s4 =	simm.s32 $_scs_section_size  }
0x9a: {  	s5 =	simm.s32 $_size__tile_overlayer_lowered;
	s6 =	simm.s32 $_tile_overlayer_lowered  }
0x9b: {  	s22 =	simm.s32 $0x1BFF;
	s21 =	sshll.u32 s6, $0x1;
	s3 =	sadd.s32 s4, s19  }
0x9c: {  	s7 =	simm.s32 $0x0;
	s20 =	sshll.u32 s5, $0x1;
	s5 =	sadd.s32 s21, s3  }
0x9d: {  	[timem:s7], [sflag:s22] =	dma.local [hbm:s5], s20  }
0x9e: {  	_ =	swait.ge [sflag:s22], s20  }
0x9f: {  	s4 =	ssub.s32 $0x0, s20;
	[sflag:s22] =	ssyncset.done $0x0  }
0xa0: {  	[sflag:s22] =	ssyncadd.s32 s4;
	_ =	sdelay $0x1  }
0xa1: {  	s23 =	simm.s32 $0x1B8B  }
0xa2: {  	_ =	swait.ge [sflag:s23], $0x1  }
0xa3: {  	[sflag:s23] =	ssyncset.done $0x0  }
0xa4: {  	s25 =	simm.s32 $0x1B8E;
	s24 =	sld [smem:$0x3FFE];
	[sflag:s23] =	ssyncadd.s32 $0xFFFFFFFF  }
0xa5: {  	s26 =	simm.s32 $execute0_lowered;
	[smem:$0x3FD2] =	sst s25  }
0xa6: {  	s5 =	sshll.u32 s26, $0x1;
	_ =	strace $0x8000004C;
	[dreg:$0x1] =	wrdreg $0xFFFFFFFF  }
0xa7: {  	s28 =	simm.s32 $_size_execute0_lowered;
	s3 =	sadd.s32 s3, s5;
	[dreg:$0x0] =	wrdreg $0x0  }
0xa8: {  	s5 =	sshll.u32 s28, $0x1;
	[dreg:$0x2] =	wrdreg s3  }
0xa9: {  	[dreg:$0x3] =	wrdreg s5  }
0xaa: {  	[dreg:$0x4] =	wrdreg $0xC0  }
0xab: {  	_ =	task [dreg:s7], $0x5FFFF  }
0xac: {  	[dreg:$0x1] =	wrdreg $0xFFFFFFFF  }
0xad: {  	[dreg:$0x0] =	wrdreg $0x60  }
0xae: {  	[dreg:$0x2] =	wrdreg s24  }
0xaf: {  	[dreg:$0x3] =	wrdreg s2  }
0xb0: {  	[dreg:$0x4] =	wrdreg $0xAA000  }
0xb1: {  	[dreg:$0x5] =	wrdreg $0x9  }
0xb2: {  	_ =	task.clear_ibuf [dreg:s7], $0x6FFFF;
	_ =	strace $0x9000004C  }
0xb3: {  	s29 =	simm.s32 $0x9;
	_ =	strace $0x8000004E  }
0xb4: {  	_ =	swait.ge [sflag:s29], $0x1  }
0xb5: {  	[sflag:s29] =	ssyncadd.s32 $0xFFFFFFFF  }
0xb6: {  	_ =	strace $0x9000004E  }
0xb7: {  	_ =	sfence  }
0xb8: {  	s30 =	sld [smem:$0x0];
	_ =	sdelay $0x2  }
0xb9: {  	s31 =	sshll.u32 s1, $0xD;
	s1 =	sshrl.u32 s1, $0x2  }
0xba: {  	s3 =	sand.u32 $0x4000, s31;
	s1 =	sadd.s32 s1, s30  }
0xbb: {  	s0 =	sor.u32 s3, s0;
	s1 =	sshll.u32 s1, $0x11  }
0xbc: {  	s0 =	sor.u32 s1, s0  }
0xbd: {  	s0 =	sadd.s32 $0x8F2B, s0  }
0xbe: {  	[sflag:s0] =	ssyncadd.remote.s32 $0x1  }
0xbf: {  	_ =	sfence.sel $0xFFFF  }
0xc0: {  	[dreg:$0x0] =	wrdreg $0xFFFFFFFF;
	(pc) =	sbr.abs _section_cstart, $3  }
0xc1: {  	[dreg:$0x1] =	wrdreg $0xFFFFFFFF  }
0xc2: {  	_ =	task.clear_ibuf [dreg:s7], $0x2FFFF;
	_ =	strace $0x9FFFFFFF  }
0xc3: {  	(tm) =	ssettm $0x7FFFFFFF  }
tec
execute0_lowered:
.L_overlay_start_1:
0x0: {  	(tag) =	ssettag $0x1  }
0x1: {  	s5 =	rddreg [dreg:$0x0]  }
0x2: {  	s6 =	rddreg [dreg:$0x1]  }
0x3: {  	s2 =	rddreg [dreg:$0x2]  }
0x4: {  	s4 =	srdreg.scid;
	s0 =	stileid.u32;
	s3 =	simm.s32 $0x0  }
0x5: {  	s21 =	simm.s32 $0x80;
	s22 =	simm.s32 $0x6A00;
	s23 =	simm.s32 $0x2900  }
0x6: {  	s24 =	simm.s32 $0x1;
	s25 =	simm.s32 $0x2980;
	s8 =	smul.u32 $0x280, s0  }
0x7: {  	s26 =	simm.s32 $0x2;
	s28 =	simm.s32 $0x0;
	s11 =	smul.u32 $0x50000, s0  }
0x8: {  	s7 =	sand.u32 $0x1, s4;
	[smem:$0x7FF] =	sst s3;
	s14 =	smul.u32 $0x2800, s0  }
0x9: {  	s4 =	sadd.s32 $0xE000, s5;
	s18 =	sadd.s32 $0x4000, s5;
	s9 =	smul.u32 $0x2800, s7  }
0xa: {  	_ =	strace $0x8000004D;
	s29 =	sshll.u32 s7, $0x4;
	s10 =	ssub.s32 $0x2, s7  }
0xb: {  	s13 =	smul.u32 $0x28000, s7;
	s12 =	sshrl.u32 s10, $0x1;
	s30 =	sshrl.u32 s11, $0x2  }
0xc: {  	s8 =	sadd.s32 s8, s9;
	s9 =	sor.u32 s0, s29;
	s16 =	ssub.s32 s10, s12  }
0xd: {  	s17 =	sadd.s32 s14, s13;
	s8 =	sshll.u32 s8, $0x4;
	s9 =	smul.u32 $0x2800, s9  }
0xe: {  	s19 =	sor.u32 $0x80, s17;
	s20 =	sshrl.u32 s17, $0x3;
	s16 =	smax.u32 s16, $0x1  }
0xf: {  	s15 =	sadd.s32 s8, s5;
	s5 =	sadd.s32 s30, s2;
	s19 =	sshrl.u32 s19, $0x3  }
0x10: {  	s31 =	sshrl.u32 s9, $0x3;
	s7 =	sadd.s32 $0x4000, s5;
	s8 =	sadd.s32 $0x8000, s5  }
0x11: {  	s9 =	sadd.s32 $0xC000, s5;
	s10 =	sadd.s32 $0x10000, s5;
	s11 =	sadd.s32 $0x35200, s15  }
0x12: {  	s12 =	sadd.s32 $0x35A00, s15;
	s13 =	sadd.s32 $0x36200, s15;
	s14 =	sadd.s32 $0x36A00, s15  }
0x13: {  	s15 =	sadd.s32 $0x37200, s15;
	s17 =	sadd.s32 s19, s18;
	s18 =	sadd.s32 s20, s18  }
0x14: {  	v0 =	vimm.f32 $0.0e+00;
	v1 =	vimm.s32 $0x0;
	s19 =	simm.s32 $0x3;
	s20 =	simm.s32 $0x2A00;
	s6 =	sadd.s32 s6, s31  }
.LBB2_1:
0x15: {  	[tilespmem:s3], [sflag:$0x3] =	stream.linear.gather [hbm4b:s6+s3], $0x2800, $0x38;
	[tilespmem:$0x1EA00] =	vst v63  }
0x16: {  	_ =	swait.ge [sflag:s19], $0x2800  }
0x17: {  	[sflag:s19] =	ssyncset.done $0x0  }
0x18: {  	s29 =	simm.s32 $0x0;
	s30 =	simm.s32 $0x200;
	[sflag:s19] =	ssyncadd.s32 $0xFFFFD800  }
.LBB2_2:
0x19: {  	p0 =	sne.s32 s30, $0xFE00;
	[tilespmem:s29+$0x2A70] =	vst v0  }
0x1a: {  	[tilespmem:s29+$0x2A00] =	vst v0  }
0x1b: {  	[tilespmem:s29+$0x2A10] =	vst v0  }
.Ltmp0:
0x1c: {  	[tilespmem:s29+$0x2A20] =	vst v0;
	(pc) =	sbr.rel @p0 .LBB2_2-.Ltmp0, $4  }
0x1d: {  	[tilespmem:s29+$0x2A30] =	vst v0  }
0x1e: {  	[tilespmem:s29+$0x2A40] =	vst v0  }
0x1f: {  	[tilespmem:s29+$0x2A50] =	vst v0  }
0x20: {  	[tilespmem:s29+$0x2A60] =	vst v0;
	s29 =	sshra.s32 s30, $0x2;
	s30 =	sadd.s32 $0x200, s30  }
0x21: {  	[tilespmem:s29+$0x2A70] =	vst v0  }
0x22: {  	[tilespmem:s29+$0x2A00] =	vst v0  }
0x23: {  	[tilespmem:s29+$0x2A10] =	vst v0  }
0x24: {  	[tilespmem:s29+$0x2A20] =	vst v0  }
0x25: {  	[tilespmem:s29+$0x2A30] =	vst v0  }
0x26: {  	[tilespmem:s29+$0x2A40] =	vst v0  }
0x27: {  	[tilespmem:s29+$0x2A50] =	vst v0  }
0x28: {  	[tilespmem:s29+$0x2A60] =	vst v0  }
0x29: {  	[spmem:s5] =	stream.linear.scatter [tilespmem:s20], [sflag:$0x3], $0x4000, $0x38;
	[tilespmem:$0x1EA00] =	vst v63  }
0x2a: {  	_ =	swait.ge [sflag:s19], $0x4000  }
0x2b: {  	[sflag:s19] =	ssyncset.done $0x0  }
0x2c: {  	[sflag:s19] =	ssyncadd.s32 $0xFFFFC000  }
0x2d: {  	[spmem:s7] =	stream.linear.scatter [tilespmem:s20], [sflag:$0x3], $0x4000, $0x38;
	[tilespmem:$0x1EA00] =	vst v63  }
0x2e: {  	_ =	swait.ge [sflag:s19], $0x4000  }
0x2f: {  	[sflag:s19] =	ssyncset.done $0x0  }
0x30: {  	[sflag:s19] =	ssyncadd.s32 $0xFFFFC000  }
0x31: {  	[spmem:s8] =	stream.linear.scatter [tilespmem:s20], [sflag:$0x3], $0x4000, $0x38;
	[tilespmem:$0x1EA00] =	vst v63  }
0x32: {  	_ =	swait.ge [sflag:s19], $0x4000  }
0x33: {  	[sflag:s19] =	ssyncset.done $0x0  }
0x34: {  	[sflag:s19] =	ssyncadd.s32 $0xFFFFC000  }
0x35: {  	[spmem:s9] =	stream.linear.scatter [tilespmem:s20], [sflag:$0x3], $0x4000, $0x38;
	[tilespmem:$0x1EA00] =	vst v63  }
0x36: {  	_ =	swait.ge [sflag:s19], $0x4000  }
0x37: {  	[sflag:s19] =	ssyncset.done $0x0  }
0x38: {  	[sflag:s19] =	ssyncadd.s32 $0xFFFFC000  }
0x39: {  	[spmem:s10] =	stream.linear.scatter [tilespmem:s20], [sflag:$0x3], $0x4000, $0x38;
	[tilespmem:$0x1EA00] =	vst v63  }
0x3a: {  	_ =	swait.ge [sflag:s19], $0x4000  }
0x3b: {  	[sflag:s19] =	ssyncset.done $0x0  }
0x3c: {  	[sflag:s19] =	ssyncadd.s32 $0xFFFFC000  }
0x3d: {  	[tilespmem:$0x2800] =	vst v1  }
0x3e: {  	[tilespmem:$0x2810] =	vst v1  }
0x3f: {  	[tilespmem:$0x2820] =	vst v1  }
0x40: {  	[tilespmem:$0x2830] =	vst v1  }
0x41: {  	[tilespmem:$0x2840] =	vst v1  }
0x42: {  	[tilespmem:$0x2850] =	vst v1  }
0x43: {  	[tilespmem:$0x2860] =	vst v1  }
0x44: {  	[tilespmem:$0x2870] =	vst v1  }
0x45: {  	[tilespmem:$0x2880] =	vst v1  }
0x46: {  	[tilespmem:$0x2890] =	vst v1  }
0x47: {  	[tilespmem:$0x28A0] =	vst v1  }
0x48: {  	[tilespmem:$0x28B0] =	vst v1  }
0x49: {  	[tilespmem:$0x28C0] =	vst v1  }
0x4a: {  	[tilespmem:$0x28D0] =	vst v1  }
0x4b: {  	[tilespmem:$0x28E0] =	vst v1  }
0x4c: {  	[tilespmem:$0x28F0] =	vst v1  }
0x4d: {  	s29 =	simm.s32 $0x0;
	[bflag:$0x0] =	sbarrier.arrive $0xFFFF  }
0x4e: {  	[tilespmem:s20], [sflag:$0x1] =	stream.indirect.gather [hbm4b:s4+s21], $0x80, s29, s21, $0xb8;
	[tilespmem:$0x1EA00] =	vst v63  }
0x4f: {  	_ = 	snop  }
0x50: {  	[tilespmem:s22], [sflag:$0x2] =	stream.indirect.gather [hbm4b:s4+s21], $0x80, s21, s21, $0xb8;
	[tilespmem:$0x1EA00] =	vst v63  }
0x51: {  	s29 =	sadd.s32 $0x0, s18  }
0x52: {  	[tilespmem:s23], [sflag:$0x3] =	stream.linear.gather [hbm4b:s29+s3], $0x80, $0x38;
	[tilespmem:$0x1EA00] =	vst v63  }
0x53: {  	_ =	swait.ge [sflag:s19], $0x80  }
0x54: {  	[sflag:s19] =	ssyncset.done $0x0  }
0x55: {  	[sflag:s19] =	ssyncadd.s32 $0xFFFFFF80  }
0x56: {  	_ =	swait.ge [sflag:s24], $0x4000  }
0x57: {  	[sflag:s24] =	ssyncset.done $0x0  }
0x58: {  	[sflag:s24] =	ssyncadd.s32 $0xFFFFC000  }
0x59: {  	[spmem:s2] =	stream.indirect.scatter.add.f32 [tilespmem:s20], [sflag:$0x3], $0x80, s23, s21, $0xb8;
	[tilespmem:$0x1EA00] =	vst v63  }
0x5a: {  	_ =	swait.ge [sflag:s19], $0x4000  }
0x5b: {  	[sflag:s19] =	ssyncset.done $0x0  }
0x5c: {  	s29 =	simm.s32 $0x100;
	[sflag:s19] =	ssyncadd.s32 $0xFFFFC000  }
0x5d: {  	[tilespmem:s20], [sflag:$0x1] =	stream.indirect.gather [hbm4b:s4+s21], $0x80, s29, s21, $0xb8;
	[tilespmem:$0x1EA00] =	vst v63  }
0x5e: {  	s29 =	sadd.s32 $0x0, s17  }
0x5f: {  	[tilespmem:s25], [sflag:$0x3] =	stream.linear.gather [hbm4b:s29+s3], $0x80, $0x38;
	[tilespmem:$0x1EA00] =	vst v63  }
0x60: {  	_ =	swait.ge [sflag:s19], $0x80  }
0x61: {  	[sflag:s19] =	ssyncset.done $0x0  }
0x62: {  	[sflag:s19] =	ssyncadd.s32 $0xFFFFFF80  }
0x63: {  	_ =	swait.ge [sflag:s26], $0x4000  }
0x64: {  	[sflag:s26] =	ssyncset.done $0x0  }
0x65: {  	[sflag:s26] =	ssyncadd.s32 $0xFFFFC000  }
0x66: {  	[spmem:s2] =	stream.indirect.scatter.add.f32 [tilespmem:s22], [sflag:$0x3], $0x80, s25, s21, $0xb8;
	[tilespmem:$0x1EA00] =	vst v63  }
0x67: {  	_ =	swait.ge [sflag:s19], $0x4000  }
0x68: {  	s30 =	simm.s32 $0x20;
	[sflag:s19] =	ssyncset.done $0x0  }
0x69: {  	s31 =	simm.s32 $0x280;
	s29 =	simm.s32 $0x180;
	[sflag:s19] =	ssyncadd.s32 $0xFFFFC000  }
.LBB2_4:
0x6a: {  	[tilespmem:s22], [sflag:$0x2] =	stream.indirect.gather [hbm4b:s4+s21], $0x80, s29, s21, $0xb8;
	[tilespmem:$0x1EA00] =	vst v63  }
0x6b: {  	s0 =	smov.u32 s30;
	s29 =	smov.u32 s31  }
0x6c: {  	p0 =	sne.s32 s30, $0x4E0;
	s30 =	sadd.s32 $0x20, s30;
	s1 =	sadd.s32 s0, s18  }
0x6d: {  	[tilespmem:s23], [sflag:$0x3] =	stream.linear.gather [hbm4b:s1+s3], $0x80, $0x38;
	[tilespmem:$0x1EA00] =	vst v63  }
0x6e: {  	_ =	swait.ge [sflag:s19], $0x80  }
0x6f: {  	[sflag:s19] =	ssyncset.done $0x0  }
0x70: {  	[sflag:s19] =	ssyncadd.s32 $0xFFFFFF80  }
0x71: {  	_ =	swait.ge [sflag:s24], $0x4000  }
0x72: {  	[sflag:s24] =	ssyncset.done $0x0  }
0x73: {  	[sflag:s24] =	ssyncadd.s32 $0xFFFFC000  }
0x74: {  	[spmem:s2] =	stream.indirect.scatter.add.f32 [tilespmem:s20], [sflag:$0x3], $0x80, s23, s21, $0xb8;
	[tilespmem:$0x1EA00] =	vst v63  }
0x75: {  	_ =	swait.ge [sflag:s19], $0x4000  }
0x76: {  	[sflag:s19] =	ssyncset.done $0x0  }
0x77: {  	s1 =	sadd.s32 $0xFFFFFF80, s31;
	[sflag:s19] =	ssyncadd.s32 $0xFFFFC000  }
0x78: {  	[tilespmem:s20], [sflag:$0x1] =	stream.indirect.gather [hbm4b:s4+s21], $0x80, s1, s21, $0xb8;
	[tilespmem:$0x1EA00] =	vst v63  }
0x79: {  	s0 =	sadd.s32 s0, s17  }
0x7a: {  	[tilespmem:s25], [sflag:$0x3] =	stream.linear.gather [hbm4b:s0+s3], $0x80, $0x38;
	[tilespmem:$0x1EA00] =	vst v63  }
0x7b: {  	_ =	swait.ge [sflag:s19], $0x80  }
0x7c: {  	[sflag:s19] =	ssyncset.done $0x0  }
0x7d: {  	[sflag:s19] =	ssyncadd.s32 $0xFFFFFF80  }
0x7e: {  	_ =	swait.ge [sflag:s26], $0x4000  }
0x7f: {  	[sflag:s26] =	ssyncset.done $0x0  }
.Ltmp1:
0x80: {  	[sflag:s26] =	ssyncadd.s32 $0xFFFFC000;
	(pc) =	sbr.rel @p0 .LBB2_4-.Ltmp1, $4  }
0x81: {  	[spmem:s2] =	stream.indirect.scatter.add.f32 [tilespmem:s22], [sflag:$0x3], $0x80, s25, s21, $0xb8;
	[tilespmem:$0x1EA00] =	vst v63  }
0x82: {  	_ =	swait.ge [sflag:s19], $0x4000  }
0x83: {  	[sflag:s19] =	ssyncset.done $0x0  }
0x84: {  	s31 =	sadd.s32 $0x100, s31;
	[sflag:s19] =	ssyncadd.s32 $0xFFFFC000  }
0x85: {  	[tilespmem:s22], [sflag:$0x2] =	stream.indirect.gather [hbm4b:s4+s21], $0x80, s29, s21, $0xb8;
	[tilespmem:$0x1EA00] =	vst v63  }
0x86: {  	_ =	swait.ge [sflag:s24], $0x4000  }
0x87: {  	[sflag:s24] =	ssyncset.done $0x0  }
0x88: {  	[sflag:s24] =	ssyncadd.s32 $0xFFFFC000  }
0x89: {  	_ =	swait.ge [sflag:s26], $0x4000  }
0x8a: {  	[sflag:s26] =	ssyncset.done $0x0  }
0x8b: {  	[sflag:s26] =	ssyncadd.s32 $0xFFFFC000  }
0x8c: {  	[bflag:$0x0] =	sbarrier.arrive $0xFFFF  }
0x8d: {  	[tilespmem:s20], [sflag:$0x3] =	stream.linear.gather [spmem:s5], $0x4000, $0x38;
	[tilespmem:$0x1EA00] =	vst v63  }
0x8e: {  	_ =	swait.ge [sflag:s19], $0x4000  }
0x8f: {  	[sflag:s19] =	ssyncset.done $0x0  }
0x90: {  	[sflag:s19] =	ssyncadd.s32 $0xFFFFC000  }
0x91: {  	[hbm4b:s11+s3] =	stream.linear.scatter [tilespmem:s20], [sflag:$0x3], $0x4000, $0x38;
	[tilespmem:$0x1EA00] =	vst v63  }
0x92: {  	_ =	swait.ge [sflag:s19], $0x4000  }
0x93: {  	[sflag:s19] =	ssyncset.done $0x0  }
0x94: {  	[sflag:s19] =	ssyncadd.s32 $0xFFFFC000  }
0x95: {  	[tilespmem:s22], [sflag:$0x3] =	stream.linear.gather [spmem:s7], $0x4000, $0x38;
	[tilespmem:$0x1EA00] =	vst v63  }
0x96: {  	_ =	swait.ge [sflag:s19], $0x4000  }
0x97: {  	[sflag:s19] =	ssyncset.done $0x0  }
0x98: {  	[sflag:s19] =	ssyncadd.s32 $0xFFFFC000  }
0x99: {  	[hbm4b:s12+s3] =	stream.linear.scatter [tilespmem:s22], [sflag:$0x3], $0x4000, $0x38;
	[tilespmem:$0x1EA00] =	vst v63  }
0x9a: {  	_ =	swait.ge [sflag:s19], $0x4000  }
0x9b: {  	[sflag:s19] =	ssyncset.done $0x0  }
0x9c: {  	[sflag:s19] =	ssyncadd.s32 $0xFFFFC000  }
0x9d: {  	[tilespmem:s20], [sflag:$0x3] =	stream.linear.gather [spmem:s8], $0x4000, $0x38;
	[tilespmem:$0x1EA00] =	vst v63  }
0x9e: {  	_ =	swait.ge [sflag:s19], $0x4000  }
0x9f: {  	[sflag:s19] =	ssyncset.done $0x0  }
0xa0: {  	[sflag:s19] =	ssyncadd.s32 $0xFFFFC000  }
0xa1: {  	[hbm4b:s13+s3] =	stream.linear.scatter [tilespmem:s20], [sflag:$0x3], $0x4000, $0x38;
	[tilespmem:$0x1EA00] =	vst v63  }
0xa2: {  	_ =	swait.ge [sflag:s19], $0x4000  }
0xa3: {  	[sflag:s19] =	ssyncset.done $0x0  }
0xa4: {  	[sflag:s19] =	ssyncadd.s32 $0xFFFFC000  }
0xa5: {  	[tilespmem:s22], [sflag:$0x3] =	stream.linear.gather [spmem:s9], $0x4000, $0x38;
	[tilespmem:$0x1EA00] =	vst v63  }
0xa6: {  	_ =	swait.ge [sflag:s19], $0x4000  }
0xa7: {  	[sflag:s19] =	ssyncset.done $0x0  }
0xa8: {  	[sflag:s19] =	ssyncadd.s32 $0xFFFFC000  }
0xa9: {  	[hbm4b:s14+s3] =	stream.linear.scatter [tilespmem:s22], [sflag:$0x3], $0x4000, $0x38;
	[tilespmem:$0x1EA00] =	vst v63  }
0xaa: {  	_ =	swait.ge [sflag:s19], $0x4000  }
0xab: {  	[sflag:s19] =	ssyncset.done $0x0  }
0xac: {  	[sflag:s19] =	ssyncadd.s32 $0xFFFFC000  }
0xad: {  	[tilespmem:s20], [sflag:$0x3] =	stream.linear.gather [spmem:s10], $0x4000, $0x38;
	[tilespmem:$0x1EA00] =	vst v63  }
0xae: {  	s28 =	sadd.s32 $0x1, s28;
	_ =	swait.ge [sflag:s19], $0x4000  }
0xaf: {  	p0 =	sne.s32 s28, s16;
	[sflag:s19] =	ssyncset.done $0x0  }
.Ltmp2:
0xb0: {  	[sflag:s19] =	ssyncadd.s32 $0xFFFFC000;
	(pc) =	sbr.rel @p0 .LBB2_1-.Ltmp2, $4  }
0xb1: {  	[hbm4b:s15+s3] =	stream.linear.scatter [tilespmem:s20], [sflag:$0x3], $0x4000, $0x38;
	[tilespmem:$0x1EA00] =	vst v63  }
0xb2: {  	_ =	swait.ge [sflag:s19], $0x4000  }
0xb3: {  	[sflag:s19] =	ssyncset.done $0x0  }
0xb4: {  	[sflag:s19] =	ssyncadd.s32 $0xFFFFC000  }
0xb5: {  	_ =	sfence.sel $0x180000  }
0xb6: {  	[bflag:$0x0] =	sbarrier.arrive $0xFFFF  }
0xb7: {  	_ =	strace $0x9000004D  }
0xb8: {  	s0 =	stileid.u32;
	[bflag:$0x2] =	sbarrier.arrive $0xFFFF  }
0xb9: {  	p0 =	sne.s32 s0, $0x0;
	s0 =	rddreg [dreg:$0x3]  }
0xba: {  	s0 =	sadd.s32 @!p0 $0x100000, s0  }
0xbb: {  	[sflag:s0] =	ssyncadd.tile.s32 @!p0 $0x1;
	_ =	shalt  }
.Lfunc_end2:
_tile_overlayer_lowered:
.L_overlay_start_2:
0xbc: {  	(tag) =	ssettag $0x2  }
0xbd: {  	s0 =	rddreg [dreg:$0x0];
	s2 =	stileid.u32  }
0xbe: {  	s1 =	rddreg [dreg:$0x1];
	p0 =	sne.s32 s2, $0x0  }
0xbf: {  	s3 =	rddreg [dreg:$0x2];
	[bflag:$0x3] =	sbarrier.arrive $0xFFFF;
	s2 =	simm.s32 @!p0 $0x1C03  }
0xc0: {  	[timem:s3], [sflag:s2] =	dma.local @!p0 [hbm:s0], s1  }
0xc1: {  	s0 =	simm.s32 @!p0 $0x3  }
0xc2: {  	_ =	swait.ge @!p0 [sflag:s0], s1  }
0xc3: {  	s1 =	ssub.s32 @!p0 $0x0, s1;
	[sflag:s0] =	ssyncset.done @!p0 $0x0  }
0xc4: {  	[sflag:s0] =	ssyncadd.s32 @!p0 s1  }
0xc5: {  	[bflag:$0x3] =	sbarrier.arrive $0xFFFF  }
0xc6: {  	_ =	shalt  }

// kernel: kernel.18.cloned.1.call-start
scs
__scs_entry_jumppad:
0x0: {  	(pc) =	sbr.rel $0x88, $3  }
0x1: {  	(tag) =	ssettag $0x0;
	lr =	simm.s32 $0x1  }
0x2: {  	[smem:$0x3F92] =	sst lr;
	_ =	strace $0xD0000000  }
0x3: {  	_ = 	snop  }
0x4: {  	_ = 	snop  }
0x5: {  	_ = 	snop  }
0x6: {  	_ = 	snop  }
0x7: {  	_ = 	snop  }
__scs_overlays_trampoline_lowered:
0x8: {  	[smem:$0x3FA1] =	sst s0  }
0x9: {  	[smem:$0x3FA2] =	sst s1  }
0xa: {  	[smem:$0x3FA3] =	sst s2  }
0xb: {  	[smem:$0x3FA4] =	sst s3  }
0xc: {  	[smem:$0x3FA5] =	sst s4  }
0xd: {  	[smem:$0x3FA6] =	sst s5  }
0xe: {  	[smem:$0x3FA7] =	sst s6  }
0xf: {  	[smem:$0x3FA8] =	sst s7  }
0x10: {  	[smem:$0x3FA9] =	sst s8  }
0x11: {  	[smem:$0x3FAA] =	sst s9;
	s0 =	simm.s32 @!p0 $0x0  }
0x12: {  	s1 =	sld [smem:$0x3F90];
	s0 =	simm.s32 @p0 $0x1  }
0x13: {  	[smem:$0x3FAB] =	sst s0;
	s0 =	simm.s32 @!p1 $0x0  }
0x14: {  	s2 =	sld [smem:$0x3F8F];
	s0 =	simm.s32 @p1 $0x1  }
0x15: {  	[smem:$0x3FAC] =	sst s0;
	s0 =	simm.s32 @!p2 $0x0  }
0x16: {  	s3 =	sld [smem:$0x3FDB];
	s0 =	simm.s32 @p2 $0x1  }
0x17: {  	s4 =	simm.s32 $0x1BF5;
	[smem:$0x3FAE] =	sst s0  }
0x18: {  	s0 =	sld [smem:$0x3F91];
	_ =	swait.ge [sflag:s4], $0x0  }
0x19: {  	s7 =	sld [smem:$0x3F92]  }
0x1a: {  	s8 =	sadd.s32 $0xFFFFE003, lr  }
0x1b: {  	s9 =	sadd.s32 $0xFFFFFEF7, lr;
	s5 =	simm.s32 $0xFFFFFFFF;
	p2 =	slt.u32 s8, $0xFFFFF086  }
0x1c: {  	p1 =	slt.u32 s9, $0xF7A;
	s5 =	simm.s32 @!p2 $0x0  }
0x1d: {  	s5 =	simm.s32 @p1 $0x1;
	p0 =	seq.s32 s7, s2  }
0x1e: {  	s7 =	smul.u32 @!p0 $0xF7A, s2;
	p2 =	seq.s32 @!p0 s5, $0x0  }
0x1f: {  	s9 =	smul.u32 $0xF7A, s1;
	s8 =	simm.s32 @!p0 $0x1BF5;
	p2 =	por !p2, p0  }
0x20: {  	[sflag:s8] =	ssyncset.s32 @!p0 $0xFFFFF086;
	s6 =	sadd.s32 @!p0 s3, s7;
	s7 =	simm.s32 @!p0 $0x108  }
0x21: {  	s3 =	sadd.s32 s3, s9;
	s6 =	sadd.s32 @!p0 $0x88, s6;
	s7 =	simm.s32 @p2 $0x1082  }
0x22: {  	[simem:s7], [sflag:s8] =	dma.local @!p0 [hbm:s6], $0xF7A  }
0x23: {  	s9 =	sor.u32 $0xD0000000, s2;
	s6 =	simm.s32 $0x108;
	_ =	swait.ge @!p0 [sflag:s8], $0x0  }
0x24: {  	s3 =	sadd.s32 $0x88, s3;
	s6 =	simm.s32 @!p1 $0x1082;
	[sflag:s4] =	ssyncset.s32 $0xFFFFF086  }
0x25: {  	[simem:s6], [sflag:s4] =	dma.local [hbm:s3], $0xF7A  }
0x26: {  	[smem:$0x3F92] =	sst s1;
	(tag) =	ssettag s2;
	_ =	strace s9  }
0x27: {  	s1 =	sld [smem:$0x3FA2]  }
0x28: {  	s2 =	sld [smem:$0x3FA3]  }
0x29: {  	s4 =	sld [smem:$0x3FA5]  }
0x2a: {  	p0 =	seq.s32 s5, $0x0;
	s5 =	sld [smem:$0x3FA6]  }
0x2b: {  	s6 =	sld [smem:$0x3FA7]  }
0x2c: {  	s7 =	sld [smem:$0x3FA8]  }
0x2d: {  	s3 =	simm.s32 $0x108;
	s8 =	sld [smem:$0x3FA9]  }
0x2e: {  	s3 =	simm.s32 @!p0 $0x1082;
	s9 =	sld [smem:$0x3FAA]  }
0x2f: {  	lr =	sadd.s32 s0, s3;
	s0 =	sld [smem:$0x3FA1]  }
0x30: {  	s3 =	sld [smem:$0x3FA4]  }
0x31: {  	[smem:$0x3FAD] =	sst s10  }
0x32: {  	s10 =	sld [smem:$0x3FAB];
	_ =	sdelay $0x3  }
0x33: {  	p0 =	seq.s32 s10, $0x1;
	s10 =	sld [smem:$0x3FAD];
	_ =	sdelay $0x3  }
0x34: {  	[smem:$0x3FAD] =	sst s10  }
0x35: {  	s10 =	sld [smem:$0x3FAC];
	_ =	sdelay $0x3  }
0x36: {  	p1 =	seq.s32 s10, $0x1;
	s10 =	sld [smem:$0x3FAD];
	_ =	sdelay $0x3  }
0x37: {  	[smem:$0x3FAD] =	sst s10  }
0x38: {  	s10 =	sld [smem:$0x3FAE]  }
0x39: {  	_ = 	snop;
	(pc) =	sbr.ind lr, $3  }
0x3a: {  	_ = 	snop  }
0x3b: {  	_ = 	snop  }
0x3c: {  	p2 =	seq.s32 s10, $0x1;
	s10 =	sld [smem:$0x3FAD]  }
0x3d: {  	_ =	shalt  }
0x3e: {  	_ =	shalt  }
0x3f: {  	_ =	shalt  }
0x40: {  	_ =	shalt  }
0x41: {  	_ =	shalt  }
0x42: {  	_ =	shalt  }
0x43: {  	_ =	shalt  }
0x44: {  	_ =	shalt  }
0x45: {  	_ =	shalt  }
0x46: {  	_ =	shalt  }
0x47: {  	_ =	shalt  }
0x48: {  	_ =	shalt  }
0x49: {  	_ =	shalt  }
0x4a: {  	_ =	shalt  }
0x4b: {  	_ =	shalt  }
0x4c: {  	_ =	shalt  }
0x4d: {  	_ =	shalt  }
0x4e: {  	_ =	shalt  }
0x4f: {  	_ =	shalt  }
0x50: {  	_ =	shalt  }
0x51: {  	_ =	shalt  }
0x52: {  	_ =	shalt  }
0x53: {  	_ =	shalt  }
0x54: {  	_ =	shalt  }
0x55: {  	_ =	shalt  }
0x56: {  	_ =	shalt  }
0x57: {  	_ =	shalt  }
0x58: {  	_ =	shalt  }
0x59: {  	_ =	shalt  }
0x5a: {  	_ =	shalt  }
0x5b: {  	_ =	shalt  }
0x5c: {  	_ =	shalt  }
0x5d: {  	_ =	shalt  }
0x5e: {  	_ =	shalt  }
0x5f: {  	_ =	shalt  }
0x60: {  	_ =	shalt  }
0x61: {  	_ =	shalt  }
0x62: {  	_ =	shalt  }
0x63: {  	_ =	shalt  }
0x64: {  	_ =	shalt  }
0x65: {  	_ =	shalt  }
0x66: {  	_ =	shalt  }
0x67: {  	_ =	shalt  }
0x68: {  	_ =	shalt  }
0x69: {  	_ =	shalt  }
0x6a: {  	_ =	shalt  }
0x6b: {  	_ =	shalt  }
0x6c: {  	_ =	shalt  }
0x6d: {  	_ =	shalt  }
0x6e: {  	_ =	shalt  }
0x6f: {  	_ =	shalt  }
0x70: {  	_ =	shalt  }
0x71: {  	_ =	shalt  }
0x72: {  	_ =	shalt  }
0x73: {  	_ =	shalt  }
0x74: {  	_ =	shalt  }
0x75: {  	_ =	shalt  }
0x76: {  	_ =	shalt  }
0x77: {  	_ =	shalt  }
0x78: {  	_ =	shalt  }
0x79: {  	_ =	shalt  }
0x7a: {  	_ =	shalt  }
0x7b: {  	_ =	shalt  }
0x7c: {  	_ =	shalt  }
0x7d: {  	_ =	shalt  }
0x7e: {  	_ =	shalt  }
0x7f: {  	_ =	shalt  }
0x80: {  	_ =	shalt  }
0x81: {  	_ =	shalt  }
0x82: {  	_ =	shalt  }
0x83: {  	_ =	shalt  }
0x84: {  	_ =	shalt  }
0x85: {  	_ =	shalt  }
0x86: {  	_ =	shalt  }
0x87: {  	_ =	shalt  }
.Lfunc_end0:
.L_simem_size_0:
called_computation.3_lowered:
.L_overlay_start_0:
0x88: {  	s2 =	sld [smem:$0x3FD9]  }
0x89: {  	s3 =	sld [smem:$0x3FFE];
	_ =	sdelay $0x1  }
0x8a: {  	s1 =	srdreg.scid  }
0x8b: {  	s0 =	sand.u32 $0x1, s1  }
0x8c: {  	s17 =	sshll.u32 s0, $0xA;
	s2 =	sadd.s32 s3, s2  }
0x8d: {  	s2 =	sadd.s32 s2, s17  }
0x8e: {  	[smem:$0x3FB9] =	sst s2  }
0x8f: {  	_ = 	snop  }
0x90: {  	s2 =	sld [smem:$0x3FD0];
	(tm) =	ssettm $0x1  }
0x91: {  	s18 =	sld [smem:$0x3FFB];
	_ =	sdelay $0x3  }
0x92: {  	_ =	strace s18  }
0x93: {  	s3 =	sld [smem:$0x3FFC];
	_ =	sdelay $0x3  }
0x94: {  	_ =	strace s3  }
0x95: {  	s3 =	sld [smem:$0x3FFD];
	_ =	sdelay $0x3  }
0x96: {  	_ =	strace s3  }
0x97: {  	_ =	strace $0x8FFFFFFF  }
0x98: {  	s19 =	sld [smem:$0x3FDB];
	_ =	sdelay $0x1  }
0x99: {  	s4 =	simm.s32 $_scs_section_size  }
0x9a: {  	s5 =	simm.s32 $_size__tile_overlayer_lowered;
	s6 =	simm.s32 $_tile_overlayer_lowered  }
0x9b: {  	s22 =	simm.s32 $0x1BFF;
	s21 =	sshll.u32 s6, $0x1;
	s3 =	sadd.s32 s4, s19  }
0x9c: {  	s7 =	simm.s32 $0x0;
	s20 =	sshll.u32 s5, $0x1;
	s5 =	sadd.s32 s21, s3  }
0x9d: {  	[timem:s7], [sflag:s22] =	dma.local [hbm:s5], s20  }
0x9e: {  	_ =	swait.ge [sflag:s22], s20  }
0x9f: {  	s4 =	ssub.s32 $0x0, s20;
	[sflag:s22] =	ssyncset.done $0x0  }
0xa0: {  	[sflag:s22] =	ssyncadd.s32 s4;
	_ =	sdelay $0x1  }
0xa1: {  	s23 =	simm.s32 $0x1B8B  }
0xa2: {  	_ =	swait.ge [sflag:s23], $0x1  }
0xa3: {  	[sflag:s23] =	ssyncset.done $0x0  }
0xa4: {  	s25 =	simm.s32 $0x1B8E;
	s24 =	sld [smem:$0x3FFE];
	[sflag:s23] =	ssyncadd.s32 $0xFFFFFFFF  }
0xa5: {  	s26 =	simm.s32 $execute0_lowered;
	[smem:$0x3FD2] =	sst s25  }
0xa6: {  	s5 =	sshll.u32 s26, $0x1;
	_ =	strace $0x8000004F;
	[dreg:$0x1] =	wrdreg $0xFFFFFFFF  }
0xa7: {  	s28 =	simm.s32 $_size_execute0_lowered;
	s3 =	sadd.s32 s3, s5;
	[dreg:$0x0] =	wrdreg $0x0  }
0xa8: {  	s5 =	sshll.u32 s28, $0x1;
	[dreg:$0x2] =	wrdreg s3  }
0xa9: {  	[dreg:$0x3] =	wrdreg s5  }
0xaa: {  	[dreg:$0x4] =	wrdreg $0xC0  }
0xab: {  	_ =	task [dreg:s7], $0x5FFFF  }
0xac: {  	[dreg:$0x1] =	wrdreg $0xFFFFFFFF  }
0xad: {  	[dreg:$0x0] =	wrdreg $0x60  }
0xae: {  	[dreg:$0x2] =	wrdreg s24  }
0xaf: {  	[dreg:$0x3] =	wrdreg s2  }
0xb0: {  	[dreg:$0x4] =	wrdreg $0xAA000  }
0xb1: {  	[dreg:$0x5] =	wrdreg $0x9  }
0xb2: {  	_ =	task.clear_ibuf [dreg:s7], $0x6FFFF;
	_ =	strace $0x9000004F  }
0xb3: {  	s29 =	simm.s32 $0x9;
	_ =	strace $0x80000051  }
0xb4: {  	_ =	swait.ge [sflag:s29], $0x1  }
0xb5: {  	[sflag:s29] =	ssyncadd.s32 $0xFFFFFFFF  }
0xb6: {  	_ =	strace $0x90000051  }
0xb7: {  	_ =	sfence  }
0xb8: {  	s30 =	sld [smem:$0x0];
	_ =	sdelay $0x2  }
0xb9: {  	s31 =	sshll.u32 s1, $0xD;
	s1 =	sshrl.u32 s1, $0x2  }
0xba: {  	s3 =	sand.u32 $0x4000, s31;
	s1 =	sadd.s32 s1, s30  }
0xbb: {  	s0 =	sor.u32 s3, s0;
	s1 =	sshll.u32 s1, $0x11  }
0xbc: {  	s0 =	sor.u32 s1, s0  }
0xbd: {  	s0 =	sadd.s32 $0x8F2B, s0  }
0xbe: {  	[sflag:s0] =	ssyncadd.remote.s32 $0x1  }
0xbf: {  	_ =	sfence.sel $0xFFFF  }
0xc0: {  	[dreg:$0x0] =	wrdreg $0xFFFFFFFF;
	(pc) =	sbr.abs _section_cstart, $3  }
0xc1: {  	[dreg:$0x1] =	wrdreg $0xFFFFFFFF  }
0xc2: {  	_ =	task.clear_ibuf [dreg:s7], $0x2FFFF;
	_ =	strace $0x9FFFFFFF  }
0xc3: {  	(tm) =	ssettm $0x7FFFFFFF  }
tec
execute0_lowered:
.L_overlay_start_1:
0x0: {  	(tag) =	ssettag $0x1  }
0x1: {  	s5 =	rddreg [dreg:$0x0]  }
0x2: {  	s6 =	rddreg [dreg:$0x1]  }
0x3: {  	s2 =	rddreg [dreg:$0x2]  }
0x4: {  	s4 =	srdreg.scid;
	s0 =	stileid.u32;
	s3 =	simm.s32 $0x0  }
0x5: {  	s21 =	simm.s32 $0x80;
	s22 =	simm.s32 $0x6A00;
	s23 =	simm.s32 $0x2900  }
0x6: {  	s24 =	simm.s32 $0x1;
	s25 =	simm.s32 $0x2980;
	s8 =	smul.u32 $0x280, s0  }
0x7: {  	s26 =	simm.s32 $0x2;
	s28 =	simm.s32 $0x0;
	s11 =	smul.u32 $0x50000, s0  }
0x8: {  	s7 =	sand.u32 $0x1, s4;
	[smem:$0x7FF] =	sst s3;
	s14 =	smul.u32 $0x2800, s0  }
0x9: {  	s4 =	sadd.s32 $0xE000, s5;
	s18 =	sadd.s32 $0x4000, s5;
	s9 =	smul.u32 $0x2800, s7  }
0xa: {  	_ =	strace $0x80000050;
	s29 =	sshll.u32 s7, $0x4;
	s10 =	ssub.s32 $0x2, s7  }
0xb: {  	s13 =	smul.u32 $0x28000, s7;
	s12 =	sshrl.u32 s10, $0x1;
	s30 =	sshrl.u32 s11, $0x2  }
0xc: {  	s8 =	sadd.s32 s8, s9;
	s9 =	sor.u32 s0, s29;
	s16 =	ssub.s32 s10, s12  }
0xd: {  	s17 =	sadd.s32 s14, s13;
	s8 =	sshll.u32 s8, $0x4;
	s9 =	smul.u32 $0x2800, s9  }
0xe: {  	s19 =	sor.u32 $0x80, s17;
	s20 =	sshrl.u32 s17, $0x3;
	s16 =	smax.u32 s16, $0x1  }
0xf: {  	s15 =	sadd.s32 s8, s5;
	s5 =	sadd.s32 s30, s2;
	s19 =	sshrl.u32 s19, $0x3  }
0x10: {  	s31 =	sshrl.u32 s9, $0x3;
	s7 =	sadd.s32 $0x4000, s5;
	s8 =	sadd.s32 $0x8000, s5  }
0x11: {  	s9 =	sadd.s32 $0xC000, s5;
	s10 =	sadd.s32 $0x10000, s5;
	s11 =	sadd.s32 $0x35200, s15  }
0x12: {  	s12 =	sadd.s32 $0x35A00, s15;
	s13 =	sadd.s32 $0x36200, s15;
	s14 =	sadd.s32 $0x36A00, s15  }
0x13: {  	s15 =	sadd.s32 $0x37200, s15;
	s17 =	sadd.s32 s19, s18;
	s18 =	sadd.s32 s20, s18  }
0x14: {  	v0 =	vimm.f32 $0.0e+00;
	v1 =	vimm.s32 $0x0;
	s19 =	simm.s32 $0x3;
	s20 =	simm.s32 $0x2A00;
	s6 =	sadd.s32 s6, s31  }
.LBB2_1:
0x15: {  	[tilespmem:s3], [sflag:$0x3] =	stream.linear.gather [hbm4b:s6+s3], $0x2800, $0x38;
	[tilespmem:$0x1EA00] =	vst v63  }
0x16: {  	_ =	swait.ge [sflag:s19], $0x2800  }
0x17: {  	[sflag:s19] =	ssyncset.done $0x0  }
0x18: {  	s29 =	simm.s32 $0x0;
	s30 =	simm.s32 $0x200;
	[sflag:s19] =	ssyncadd.s32 $0xFFFFD800  }
.LBB2_2:
0x19: {  	p0 =	sne.s32 s30, $0xFE00;
	[tilespmem:s29+$0x2A70] =	vst v0  }
0x1a: {  	[tilespmem:s29+$0x2A00] =	vst v0  }
0x1b: {  	[tilespmem:s29+$0x2A10] =	vst v0  }
.Ltmp0:
0x1c: {  	[tilespmem:s29+$0x2A20] =	vst v0;
	(pc) =	sbr.rel @p0 .LBB2_2-.Ltmp0, $4  }
0x1d: {  	[tilespmem:s29+$0x2A30] =	vst v0  }
0x1e: {  	[tilespmem:s29+$0x2A40] =	vst v0  }
0x1f: {  	[tilespmem:s29+$0x2A50] =	vst v0  }
0x20: {  	[tilespmem:s29+$0x2A60] =	vst v0;
	s29 =	sshra.s32 s30, $0x2;
	s30 =	sadd.s32 $0x200, s30  }
0x21: {  	[tilespmem:s29+$0x2A70] =	vst v0  }
0x22: {  	[tilespmem:s29+$0x2A00] =	vst v0  }
0x23: {  	[tilespmem:s29+$0x2A10] =	vst v0  }
0x24: {  	[tilespmem:s29+$0x2A20] =	vst v0  }
0x25: {  	[tilespmem:s29+$0x2A30] =	vst v0  }
0x26: {  	[tilespmem:s29+$0x2A40] =	vst v0  }
0x27: {  	[tilespmem:s29+$0x2A50] =	vst v0  }
0x28: {  	[tilespmem:s29+$0x2A60] =	vst v0  }
0x29: {  	[spmem:s5] =	stream.linear.scatter [tilespmem:s20], [sflag:$0x3], $0x4000, $0x38;
	[tilespmem:$0x1EA00] =	vst v63  }
0x2a: {  	_ =	swait.ge [sflag:s19], $0x4000  }
0x2b: {  	[sflag:s19] =	ssyncset.done $0x0  }
0x2c: {  	[sflag:s19] =	ssyncadd.s32 $0xFFFFC000  }
0x2d: {  	[spmem:s7] =	stream.linear.scatter [tilespmem:s20], [sflag:$0x3], $0x4000, $0x38;
	[tilespmem:$0x1EA00] =	vst v63  }
0x2e: {  	_ =	swait.ge [sflag:s19], $0x4000  }
0x2f: {  	[sflag:s19] =	ssyncset.done $0x0  }
0x30: {  	[sflag:s19] =	ssyncadd.s32 $0xFFFFC000  }
0x31: {  	[spmem:s8] =	stream.linear.scatter [tilespmem:s20], [sflag:$0x3], $0x4000, $0x38;
	[tilespmem:$0x1EA00] =	vst v63  }
0x32: {  	_ =	swait.ge [sflag:s19], $0x4000  }
0x33: {  	[sflag:s19] =	ssyncset.done $0x0  }
0x34: {  	[sflag:s19] =	ssyncadd.s32 $0xFFFFC000  }
0x35: {  	[spmem:s9] =	stream.linear.scatter [tilespmem:s20], [sflag:$0x3], $0x4000, $0x38;
	[tilespmem:$0x1EA00] =	vst v63  }
0x36: {  	_ =	swait.ge [sflag:s19], $0x4000  }
0x37: {  	[sflag:s19] =	ssyncset.done $0x0  }
0x38: {  	[sflag:s19] =	ssyncadd.s32 $0xFFFFC000  }
0x39: {  	[spmem:s10] =	stream.linear.scatter [tilespmem:s20], [sflag:$0x3], $0x4000, $0x38;
	[tilespmem:$0x1EA00] =	vst v63  }
0x3a: {  	_ =	swait.ge [sflag:s19], $0x4000  }
0x3b: {  	[sflag:s19] =	ssyncset.done $0x0  }
0x3c: {  	[sflag:s19] =	ssyncadd.s32 $0xFFFFC000  }
0x3d: {  	[tilespmem:$0x2800] =	vst v1  }
0x3e: {  	[tilespmem:$0x2810] =	vst v1  }
0x3f: {  	[tilespmem:$0x2820] =	vst v1  }
0x40: {  	[tilespmem:$0x2830] =	vst v1  }
0x41: {  	[tilespmem:$0x2840] =	vst v1  }
0x42: {  	[tilespmem:$0x2850] =	vst v1  }
0x43: {  	[tilespmem:$0x2860] =	vst v1  }
0x44: {  	[tilespmem:$0x2870] =	vst v1  }
0x45: {  	[tilespmem:$0x2880] =	vst v1  }
0x46: {  	[tilespmem:$0x2890] =	vst v1  }
0x47: {  	[tilespmem:$0x28A0] =	vst v1  }
0x48: {  	[tilespmem:$0x28B0] =	vst v1  }
0x49: {  	[tilespmem:$0x28C0] =	vst v1  }
0x4a: {  	[tilespmem:$0x28D0] =	vst v1  }
0x4b: {  	[tilespmem:$0x28E0] =	vst v1  }
0x4c: {  	[tilespmem:$0x28F0] =	vst v1  }
0x4d: {  	s29 =	simm.s32 $0x0;
	[bflag:$0x0] =	sbarrier.arrive $0xFFFF  }
0x4e: {  	[tilespmem:s20], [sflag:$0x1] =	stream.indirect.gather [hbm4b:s4+s21], $0x80, s29, s21, $0xb8;
	[tilespmem:$0x1EA00] =	vst v63  }
0x4f: {  	_ = 	snop  }
0x50: {  	[tilespmem:s22], [sflag:$0x2] =	stream.indirect.gather [hbm4b:s4+s21], $0x80, s21, s21, $0xb8;
	[tilespmem:$0x1EA00] =	vst v63  }
0x51: {  	s29 =	sadd.s32 $0x0, s18  }
0x52: {  	[tilespmem:s23], [sflag:$0x3] =	stream.linear.gather [hbm4b:s29+s3], $0x80, $0x38;
	[tilespmem:$0x1EA00] =	vst v63  }
0x53: {  	_ =	swait.ge [sflag:s19], $0x80  }
0x54: {  	[sflag:s19] =	ssyncset.done $0x0  }
0x55: {  	[sflag:s19] =	ssyncadd.s32 $0xFFFFFF80  }
0x56: {  	_ =	swait.ge [sflag:s24], $0x4000  }
0x57: {  	[sflag:s24] =	ssyncset.done $0x0  }
0x58: {  	[sflag:s24] =	ssyncadd.s32 $0xFFFFC000  }
0x59: {  	[spmem:s2] =	stream.indirect.scatter.add.f32 [tilespmem:s20], [sflag:$0x3], $0x80, s23, s21, $0xb8;
	[tilespmem:$0x1EA00] =	vst v63  }
0x5a: {  	_ =	swait.ge [sflag:s19], $0x4000  }
0x5b: {  	[sflag:s19] =	ssyncset.done $0x0  }
0x5c: {  	s29 =	simm.s32 $0x100;
	[sflag:s19] =	ssyncadd.s32 $0xFFFFC000  }
0x5d: {  	[tilespmem:s20], [sflag:$0x1] =	stream.indirect.gather [hbm4b:s4+s21], $0x80, s29, s21, $0xb8;
	[tilespmem:$0x1EA00] =	vst v63  }
0x5e: {  	s29 =	sadd.s32 $0x0, s17  }
0x5f: {  	[tilespmem:s25], [sflag:$0x3] =	stream.linear.gather [hbm4b:s29+s3], $0x80, $0x38;
	[tilespmem:$0x1EA00] =	vst v63  }
0x60: {  	_ =	swait.ge [sflag:s19], $0x80  }
0x61: {  	[sflag:s19] =	ssyncset.done $0x0  }
0x62: {  	[sflag:s19] =	ssyncadd.s32 $0xFFFFFF80  }
0x63: {  	_ =	swait.ge [sflag:s26], $0x4000  }
0x64: {  	[sflag:s26] =	ssyncset.done $0x0  }
0x65: {  	[sflag:s26] =	ssyncadd.s32 $0xFFFFC000  }
0x66: {  	[spmem:s2] =	stream.indirect.scatter.add.f32 [tilespmem:s22], [sflag:$0x3], $0x80, s25, s21, $0xb8;
	[tilespmem:$0x1EA00] =	vst v63  }
0x67: {  	_ =	swait.ge [sflag:s19], $0x4000  }
0x68: {  	s30 =	simm.s32 $0x20;
	[sflag:s19] =	ssyncset.done $0x0  }
0x69: {  	s31 =	simm.s32 $0x280;
	s29 =	simm.s32 $0x180;
	[sflag:s19] =	ssyncadd.s32 $0xFFFFC000  }
.LBB2_4:
0x6a: {  	[tilespmem:s22], [sflag:$0x2] =	stream.indirect.gather [hbm4b:s4+s21], $0x80, s29, s21, $0xb8;
	[tilespmem:$0x1EA00] =	vst v63  }
0x6b: {  	s0 =	smov.u32 s30;
	s29 =	smov.u32 s31  }
0x6c: {  	p0 =	sne.s32 s30, $0x4E0;
	s30 =	sadd.s32 $0x20, s30;
	s1 =	sadd.s32 s0, s18  }
0x6d: {  	[tilespmem:s23], [sflag:$0x3] =	stream.linear.gather [hbm4b:s1+s3], $0x80, $0x38;
	[tilespmem:$0x1EA00] =	vst v63  }
0x6e: {  	_ =	swait.ge [sflag:s19], $0x80  }
0x6f: {  	[sflag:s19] =	ssyncset.done $0x0  }
0x70: {  	[sflag:s19] =	ssyncadd.s32 $0xFFFFFF80  }
0x71: {  	_ =	swait.ge [sflag:s24], $0x4000  }
0x72: {  	[sflag:s24] =	ssyncset.done $0x0  }
0x73: {  	[sflag:s24] =	ssyncadd.s32 $0xFFFFC000  }
0x74: {  	[spmem:s2] =	stream.indirect.scatter.add.f32 [tilespmem:s20], [sflag:$0x3], $0x80, s23, s21, $0xb8;
	[tilespmem:$0x1EA00] =	vst v63  }
0x75: {  	_ =	swait.ge [sflag:s19], $0x4000  }
0x76: {  	[sflag:s19] =	ssyncset.done $0x0  }
0x77: {  	s1 =	sadd.s32 $0xFFFFFF80, s31;
	[sflag:s19] =	ssyncadd.s32 $0xFFFFC000  }
0x78: {  	[tilespmem:s20], [sflag:$0x1] =	stream.indirect.gather [hbm4b:s4+s21], $0x80, s1, s21, $0xb8;
	[tilespmem:$0x1EA00] =	vst v63  }
0x79: {  	s0 =	sadd.s32 s0, s17  }
0x7a: {  	[tilespmem:s25], [sflag:$0x3] =	stream.linear.gather [hbm4b:s0+s3], $0x80, $0x38;
	[tilespmem:$0x1EA00] =	vst v63  }
0x7b: {  	_ =	swait.ge [sflag:s19], $0x80  }
0x7c: {  	[sflag:s19] =	ssyncset.done $0x0  }
0x7d: {  	[sflag:s19] =	ssyncadd.s32 $0xFFFFFF80  }
0x7e: {  	_ =	swait.ge [sflag:s26], $0x4000  }
0x7f: {  	[sflag:s26] =	ssyncset.done $0x0  }
.Ltmp1:
0x80: {  	[sflag:s26] =	ssyncadd.s32 $0xFFFFC000;
	(pc) =	sbr.rel @p0 .LBB2_4-.Ltmp1, $4  }
0x81: {  	[spmem:s2] =	stream.indirect.scatter.add.f32 [tilespmem:s22], [sflag:$0x3], $0x80, s25, s21, $0xb8;
	[tilespmem:$0x1EA00] =	vst v63  }
0x82: {  	_ =	swait.ge [sflag:s19], $0x4000  }
0x83: {  	[sflag:s19] =	ssyncset.done $0x0  }
0x84: {  	s31 =	sadd.s32 $0x100, s31;
	[sflag:s19] =	ssyncadd.s32 $0xFFFFC000  }
0x85: {  	[tilespmem:s22], [sflag:$0x2] =	stream.indirect.gather [hbm4b:s4+s21], $0x80, s29, s21, $0xb8;
	[tilespmem:$0x1EA00] =	vst v63  }
0x86: {  	_ =	swait.ge [sflag:s24], $0x4000  }
0x87: {  	[sflag:s24] =	ssyncset.done $0x0  }
0x88: {  	[sflag:s24] =	ssyncadd.s32 $0xFFFFC000  }
0x89: {  	_ =	swait.ge [sflag:s26], $0x4000  }
0x8a: {  	[sflag:s26] =	ssyncset.done $0x0  }
0x8b: {  	[sflag:s26] =	ssyncadd.s32 $0xFFFFC000  }
0x8c: {  	[bflag:$0x0] =	sbarrier.arrive $0xFFFF  }
0x8d: {  	[tilespmem:s20], [sflag:$0x3] =	stream.linear.gather [spmem:s5], $0x4000, $0x38;
	[tilespmem:$0x1EA00] =	vst v63  }
0x8e: {  	_ =	swait.ge [sflag:s19], $0x4000  }
0x8f: {  	[sflag:s19] =	ssyncset.done $0x0  }
0x90: {  	[sflag:s19] =	ssyncadd.s32 $0xFFFFC000  }
0x91: {  	[hbm4b:s11+s3] =	stream.linear.scatter [tilespmem:s20], [sflag:$0x3], $0x4000, $0x38;
	[tilespmem:$0x1EA00] =	vst v63  }
0x92: {  	_ =	swait.ge [sflag:s19], $0x4000  }
0x93: {  	[sflag:s19] =	ssyncset.done $0x0  }
0x94: {  	[sflag:s19] =	ssyncadd.s32 $0xFFFFC000  }
0x95: {  	[tilespmem:s22], [sflag:$0x3] =	stream.linear.gather [spmem:s7], $0x4000, $0x38;
	[tilespmem:$0x1EA00] =	vst v63  }
0x96: {  	_ =	swait.ge [sflag:s19], $0x4000  }
0x97: {  	[sflag:s19] =	ssyncset.done $0x0  }
0x98: {  	[sflag:s19] =	ssyncadd.s32 $0xFFFFC000  }
0x99: {  	[hbm4b:s12+s3] =	stream.linear.scatter [tilespmem:s22], [sflag:$0x3], $0x4000, $0x38;
	[tilespmem:$0x1EA00] =	vst v63  }
0x9a: {  	_ =	swait.ge [sflag:s19], $0x4000  }
0x9b: {  	[sflag:s19] =	ssyncset.done $0x0  }
0x9c: {  	[sflag:s19] =	ssyncadd.s32 $0xFFFFC000  }
0x9d: {  	[tilespmem:s20], [sflag:$0x3] =	stream.linear.gather [spmem:s8], $0x4000, $0x38;
	[tilespmem:$0x1EA00] =	vst v63  }
0x9e: {  	_ =	swait.ge [sflag:s19], $0x4000  }
0x9f: {  	[sflag:s19] =	ssyncset.done $0x0  }
0xa0: {  	[sflag:s19] =	ssyncadd.s32 $0xFFFFC000  }
0xa1: {  	[hbm4b:s13+s3] =	stream.linear.scatter [tilespmem:s20], [sflag:$0x3], $0x4000, $0x38;
	[tilespmem:$0x1EA00] =	vst v63  }
0xa2: {  	_ =	swait.ge [sflag:s19], $0x4000  }
0xa3: {  	[sflag:s19] =	ssyncset.done $0x0  }
0xa4: {  	[sflag:s19] =	ssyncadd.s32 $0xFFFFC000  }
0xa5: {  	[tilespmem:s22], [sflag:$0x3] =	stream.linear.gather [spmem:s9], $0x4000, $0x38;
	[tilespmem:$0x1EA00] =	vst v63  }
0xa6: {  	_ =	swait.ge [sflag:s19], $0x4000  }
0xa7: {  	[sflag:s19] =	ssyncset.done $0x0  }
0xa8: {  	[sflag:s19] =	ssyncadd.s32 $0xFFFFC000  }
0xa9: {  	[hbm4b:s14+s3] =	stream.linear.scatter [tilespmem:s22], [sflag:$0x3], $0x4000, $0x38;
	[tilespmem:$0x1EA00] =	vst v63  }
0xaa: {  	_ =	swait.ge [sflag:s19], $0x4000  }
0xab: {  	[sflag:s19] =	ssyncset.done $0x0  }
0xac: {  	[sflag:s19] =	ssyncadd.s32 $0xFFFFC000  }
0xad: {  	[tilespmem:s20], [sflag:$0x3] =	stream.linear.gather [spmem:s10], $0x4000, $0x38;
	[tilespmem:$0x1EA00] =	vst v63  }
0xae: {  	s28 =	sadd.s32 $0x1, s28;
	_ =	swait.ge [sflag:s19], $0x4000  }
0xaf: {  	p0 =	sne.s32 s28, s16;
	[sflag:s19] =	ssyncset.done $0x0  }
.Ltmp2:
0xb0: {  	[sflag:s19] =	ssyncadd.s32 $0xFFFFC000;
	(pc) =	sbr.rel @p0 .LBB2_1-.Ltmp2, $4  }
0xb1: {  	[hbm4b:s15+s3] =	stream.linear.scatter [tilespmem:s20], [sflag:$0x3], $0x4000, $0x38;
	[tilespmem:$0x1EA00] =	vst v63  }
0xb2: {  	_ =	swait.ge [sflag:s19], $0x4000  }
0xb3: {  	[sflag:s19] =	ssyncset.done $0x0  }
0xb4: {  	[sflag:s19] =	ssyncadd.s32 $0xFFFFC000  }
0xb5: {  	_ =	sfence.sel $0x180000  }
0xb6: {  	[bflag:$0x0] =	sbarrier.arrive $0xFFFF  }
0xb7: {  	_ =	strace $0x90000050  }
0xb8: {  	s0 =	stileid.u32;
	[bflag:$0x2] =	sbarrier.arrive $0xFFFF  }
0xb9: {  	p0 =	sne.s32 s0, $0x0;
	s0 =	rddreg [dreg:$0x3]  }
0xba: {  	s0 =	sadd.s32 @!p0 $0x100000, s0  }
0xbb: {  	[sflag:s0] =	ssyncadd.tile.s32 @!p0 $0x1;
	_ =	shalt  }
.Lfunc_end2:
_tile_overlayer_lowered:
.L_overlay_start_2:
0xbc: {  	(tag) =	ssettag $0x2  }
0xbd: {  	s0 =	rddreg [dreg:$0x0];
	s2 =	stileid.u32  }
0xbe: {  	s1 =	rddreg [dreg:$0x1];
	p0 =	sne.s32 s2, $0x0  }
0xbf: {  	s3 =	rddreg [dreg:$0x2];
	[bflag:$0x3] =	sbarrier.arrive $0xFFFF;
	s2 =	simm.s32 @!p0 $0x1C03  }
0xc0: {  	[timem:s3], [sflag:s2] =	dma.local @!p0 [hbm:s0], s1  }
0xc1: {  	s0 =	simm.s32 @!p0 $0x3  }
0xc2: {  	_ =	swait.ge @!p0 [sflag:s0], s1  }
0xc3: {  	s1 =	ssub.s32 @!p0 $0x0, s1;
	[sflag:s0] =	ssyncset.done @!p0 $0x0  }
0xc4: {  	[sflag:s0] =	ssyncadd.s32 @!p0 s1  }
0xc5: {  	[bflag:$0x3] =	sbarrier.arrive $0xFFFF  }
0xc6: {  	_ =	shalt  }

// kernel: kernel.9.cloned.1.call-start
scs
__scs_entry_jumppad:
0x0: {  	(pc) =	sbr.rel $0x88, $3  }
0x1: {  	(tag) =	ssettag $0x0;
	lr =	simm.s32 $0x1  }
0x2: {  	[smem:$0x3F92] =	sst lr;
	_ =	strace $0xD0000000  }
0x3: {  	_ = 	snop  }
0x4: {  	_ = 	snop  }
0x5: {  	_ = 	snop  }
0x6: {  	_ = 	snop  }
0x7: {  	_ = 	snop  }
__scs_overlays_trampoline_lowered:
0x8: {  	[smem:$0x3FA1] =	sst s0  }
0x9: {  	[smem:$0x3FA2] =	sst s1  }
0xa: {  	[smem:$0x3FA3] =	sst s2  }
0xb: {  	[smem:$0x3FA4] =	sst s3  }
0xc: {  	[smem:$0x3FA5] =	sst s4  }
0xd: {  	[smem:$0x3FA6] =	sst s5  }
0xe: {  	[smem:$0x3FA7] =	sst s6  }
0xf: {  	[smem:$0x3FA8] =	sst s7  }
0x10: {  	[smem:$0x3FA9] =	sst s8  }
0x11: {  	[smem:$0x3FAA] =	sst s9;
	s0 =	simm.s32 @!p0 $0x0  }
0x12: {  	s1 =	sld [smem:$0x3F90];
	s0 =	simm.s32 @p0 $0x1  }
0x13: {  	[smem:$0x3FAB] =	sst s0;
	s0 =	simm.s32 @!p1 $0x0  }
0x14: {  	s2 =	sld [smem:$0x3F8F];
	s0 =	simm.s32 @p1 $0x1  }
0x15: {  	[smem:$0x3FAC] =	sst s0;
	s0 =	simm.s32 @!p2 $0x0  }
0x16: {  	s3 =	sld [smem:$0x3FDB];
	s0 =	simm.s32 @p2 $0x1  }
0x17: {  	s4 =	simm.s32 $0x1BF5;
	[smem:$0x3FAE] =	sst s0  }
0x18: {  	s0 =	sld [smem:$0x3F91];
	_ =	swait.ge [sflag:s4], $0x0  }
0x19: {  	s7 =	sld [smem:$0x3F92]  }
0x1a: {  	s8 =	sadd.s32 $0xFFFFE003, lr  }
0x1b: {  	s9 =	sadd.s32 $0xFFFFFEF7, lr;
	s5 =	simm.s32 $0xFFFFFFFF;
	p2 =	slt.u32 s8, $0xFFFFF086  }
0x1c: {  	p1 =	slt.u32 s9, $0xF7A;
	s5 =	simm.s32 @!p2 $0x0  }
0x1d: {  	s5 =	simm.s32 @p1 $0x1;
	p0 =	seq.s32 s7, s2  }
0x1e: {  	s7 =	smul.u32 @!p0 $0xF7A, s2;
	p2 =	seq.s32 @!p0 s5, $0x0  }
0x1f: {  	s9 =	smul.u32 $0xF7A, s1;
	s8 =	simm.s32 @!p0 $0x1BF5;
	p2 =	por !p2, p0  }
0x20: {  	[sflag:s8] =	ssyncset.s32 @!p0 $0xFFFFF086;
	s6 =	sadd.s32 @!p0 s3, s7;
	s7 =	simm.s32 @!p0 $0x108  }
0x21: {  	s3 =	sadd.s32 s3, s9;
	s6 =	sadd.s32 @!p0 $0x88, s6;
	s7 =	simm.s32 @p2 $0x1082  }
0x22: {  	[simem:s7], [sflag:s8] =	dma.local @!p0 [hbm:s6], $0xF7A  }
0x23: {  	s9 =	sor.u32 $0xD0000000, s2;
	s6 =	simm.s32 $0x108;
	_ =	swait.ge @!p0 [sflag:s8], $0x0  }
0x24: {  	s3 =	sadd.s32 $0x88, s3;
	s6 =	simm.s32 @!p1 $0x1082;
	[sflag:s4] =	ssyncset.s32 $0xFFFFF086  }
0x25: {  	[simem:s6], [sflag:s4] =	dma.local [hbm:s3], $0xF7A  }
0x26: {  	[smem:$0x3F92] =	sst s1;
	(tag) =	ssettag s2;
	_ =	strace s9  }
0x27: {  	s1 =	sld [smem:$0x3FA2]  }
0x28: {  	s2 =	sld [smem:$0x3FA3]  }
0x29: {  	s4 =	sld [smem:$0x3FA5]  }
0x2a: {  	p0 =	seq.s32 s5, $0x0;
	s5 =	sld [smem:$0x3FA6]  }
0x2b: {  	s6 =	sld [smem:$0x3FA7]  }
0x2c: {  	s7 =	sld [smem:$0x3FA8]  }
0x2d: {  	s3 =	simm.s32 $0x108;
	s8 =	sld [smem:$0x3FA9]  }
0x2e: {  	s3 =	simm.s32 @!p0 $0x1082;
	s9 =	sld [smem:$0x3FAA]  }
0x2f: {  	lr =	sadd.s32 s0, s3;
	s0 =	sld [smem:$0x3FA1]  }
0x30: {  	s3 =	sld [smem:$0x3FA4]  }
0x31: {  	[smem:$0x3FAD] =	sst s10  }
0x32: {  	s10 =	sld [smem:$0x3FAB];
	_ =	sdelay $0x3  }
0x33: {  	p0 =	seq.s32 s10, $0x1;
	s10 =	sld [smem:$0x3FAD];
	_ =	sdelay $0x3  }
0x34: {  	[smem:$0x3FAD] =	sst s10  }
0x35: {  	s10 =	sld [smem:$0x3FAC];
	_ =	sdelay $0x3  }
0x36: {  	p1 =	seq.s32 s10, $0x1;
	s10 =	sld [smem:$0x3FAD];
	_ =	sdelay $0x3  }
0x37: {  	[smem:$0x3FAD] =	sst s10  }
0x38: {  	s10 =	sld [smem:$0x3FAE]  }
0x39: {  	_ = 	snop;
	(pc) =	sbr.ind lr, $3  }
0x3a: {  	_ = 	snop  }
0x3b: {  	_ = 	snop  }
0x3c: {  	p2 =	seq.s32 s10, $0x1;
	s10 =	sld [smem:$0x3FAD]  }
0x3d: {  	_ =	shalt  }
0x3e: {  	_ =	shalt  }
0x3f: {  	_ =	shalt  }
0x40: {  	_ =	shalt  }
0x41: {  	_ =	shalt  }
0x42: {  	_ =	shalt  }
0x43: {  	_ =	shalt  }
0x44: {  	_ =	shalt  }
0x45: {  	_ =	shalt  }
0x46: {  	_ =	shalt  }
0x47: {  	_ =	shalt  }
0x48: {  	_ =	shalt  }
0x49: {  	_ =	shalt  }
0x4a: {  	_ =	shalt  }
0x4b: {  	_ =	shalt  }
0x4c: {  	_ =	shalt  }
0x4d: {  	_ =	shalt  }
0x4e: {  	_ =	shalt  }
0x4f: {  	_ =	shalt  }
0x50: {  	_ =	shalt  }
0x51: {  	_ =	shalt  }
0x52: {  	_ =	shalt  }
0x53: {  	_ =	shalt  }
0x54: {  	_ =	shalt  }
0x55: {  	_ =	shalt  }
0x56: {  	_ =	shalt  }
0x57: {  	_ =	shalt  }
0x58: {  	_ =	shalt  }
0x59: {  	_ =	shalt  }
0x5a: {  	_ =	shalt  }
0x5b: {  	_ =	shalt  }
0x5c: {  	_ =	shalt  }
0x5d: {  	_ =	shalt  }
0x5e: {  	_ =	shalt  }
0x5f: {  	_ =	shalt  }
0x60: {  	_ =	shalt  }
0x61: {  	_ =	shalt  }
0x62: {  	_ =	shalt  }
0x63: {  	_ =	shalt  }
0x64: {  	_ =	shalt  }
0x65: {  	_ =	shalt  }
0x66: {  	_ =	shalt  }
0x67: {  	_ =	shalt  }
0x68: {  	_ =	shalt  }
0x69: {  	_ =	shalt  }
0x6a: {  	_ =	shalt  }
0x6b: {  	_ =	shalt  }
0x6c: {  	_ =	shalt  }
0x6d: {  	_ =	shalt  }
0x6e: {  	_ =	shalt  }
0x6f: {  	_ =	shalt  }
0x70: {  	_ =	shalt  }
0x71: {  	_ =	shalt  }
0x72: {  	_ =	shalt  }
0x73: {  	_ =	shalt  }
0x74: {  	_ =	shalt  }
0x75: {  	_ =	shalt  }
0x76: {  	_ =	shalt  }
0x77: {  	_ =	shalt  }
0x78: {  	_ =	shalt  }
0x79: {  	_ =	shalt  }
0x7a: {  	_ =	shalt  }
0x7b: {  	_ =	shalt  }
0x7c: {  	_ =	shalt  }
0x7d: {  	_ =	shalt  }
0x7e: {  	_ =	shalt  }
0x7f: {  	_ =	shalt  }
0x80: {  	_ =	shalt  }
0x81: {  	_ =	shalt  }
0x82: {  	_ =	shalt  }
0x83: {  	_ =	shalt  }
0x84: {  	_ =	shalt  }
0x85: {  	_ =	shalt  }
0x86: {  	_ =	shalt  }
0x87: {  	_ =	shalt  }
.Lfunc_end0:
.L_simem_size_0:
called_computation_lowered:
.L_overlay_start_0:
0x88: {  	s2 =	sld [smem:$0x3FD9]  }
0x89: {  	s3 =	sld [smem:$0x3FFE];
	_ =	sdelay $0x1  }
0x8a: {  	s1 =	srdreg.scid  }
0x8b: {  	s0 =	sand.u32 $0x1, s1  }
0x8c: {  	s16 =	sshll.u32 s0, $0xA;
	s2 =	sadd.s32 s3, s2  }
0x8d: {  	s2 =	sadd.s32 s2, s16  }
0x8e: {  	[smem:$0x3FB9] =	sst s2  }
0x8f: {  	_ = 	snop  }
0x90: {  	(tm) =	ssettm $0x1  }
0x91: {  	s17 =	sld [smem:$0x3FFB];
	_ =	sdelay $0x3  }
0x92: {  	_ =	strace s17  }
0x93: {  	s2 =	sld [smem:$0x3FFC];
	_ =	sdelay $0x3  }
0x94: {  	_ =	strace s2  }
0x95: {  	s2 =	sld [smem:$0x3FFD];
	_ =	sdelay $0x3  }
0x96: {  	_ =	strace s2  }
0x97: {  	_ =	strace $0x8FFFFFFF  }
0x98: {  	s18 =	sld [smem:$0x3FDB];
	_ =	sdelay $0x1  }
0x99: {  	s19 =	simm.s32 $_scs_section_size  }
0x9a: {  	s4 =	simm.s32 $_size__tile_overlayer_lowered;
	s5 =	simm.s32 $_tile_overlayer_lowered  }
0x9b: {  	s22 =	simm.s32 $0x1BFF;
	s21 =	sshll.u32 s5, $0x1;
	s2 =	sadd.s32 s19, s18  }
0x9c: {  	s6 =	simm.s32 $0x0;
	s20 =	sshll.u32 s4, $0x1;
	s4 =	sadd.s32 s21, s2  }
0x9d: {  	[timem:s6], [sflag:s22] =	dma.local [hbm:s4], s20  }
0x9e: {  	_ =	swait.ge [sflag:s22], s20  }
0x9f: {  	s3 =	ssub.s32 $0x0, s20;
	[sflag:s22] =	ssyncset.done $0x0  }
0xa0: {  	[sflag:s22] =	ssyncadd.s32 s3;
	_ =	sdelay $0x1  }
0xa1: {  	s23 =	simm.s32 $0x1B8B  }
0xa2: {  	_ =	swait.ge [sflag:s23], $0x1  }
0xa3: {  	[sflag:s23] =	ssyncset.done $0x0  }
0xa4: {  	s25 =	simm.s32 $0x1B8E;
	s24 =	sld [smem:$0x3FFE];
	[sflag:s23] =	ssyncadd.s32 $0xFFFFFFFF  }
0xa5: {  	s26 =	simm.s32 $execute0_lowered;
	[smem:$0x3FD2] =	sst s25  }
0xa6: {  	s4 =	sshll.u32 s26, $0x1;
	_ =	strace $0x80000046;
	[dreg:$0x1] =	wrdreg $0xFFFFFFFF  }
0xa7: {  	s28 =	simm.s32 $_size_execute0_lowered;
	s2 =	sadd.s32 s2, s4;
	[dreg:$0x0] =	wrdreg $0x0  }
0xa8: {  	s4 =	sshll.u32 s28, $0x1;
	[dreg:$0x2] =	wrdreg s2  }
0xa9: {  	[dreg:$0x3] =	wrdreg s4  }
0xaa: {  	[dreg:$0x4] =	wrdreg $0xC0  }
0xab: {  	_ =	task [dreg:s6], $0x5FFFF  }
0xac: {  	[dreg:$0x1] =	wrdreg $0xFFFFFFFF  }
0xad: {  	[dreg:$0x0] =	wrdreg $0x60  }
0xae: {  	[dreg:$0x2] =	wrdreg s24  }
0xaf: {  	[dreg:$0x3] =	wrdreg $0x40800  }
0xb0: {  	[dreg:$0x4] =	wrdreg $0x9  }
0xb1: {  	_ =	task.clear_ibuf [dreg:s6], $0x5FFFF;
	_ =	strace $0x90000046  }
0xb2: {  	s29 =	simm.s32 $0x9;
	_ =	strace $0x80000048  }
0xb3: {  	_ =	swait.ge [sflag:s29], $0x1  }
0xb4: {  	[sflag:s29] =	ssyncadd.s32 $0xFFFFFFFF  }
0xb5: {  	_ =	strace $0x90000048  }
0xb6: {  	_ =	sfence  }
0xb7: {  	s30 =	sld [smem:$0x0];
	_ =	sdelay $0x2  }
0xb8: {  	s31 =	sshll.u32 s1, $0xD;
	s1 =	sshrl.u32 s1, $0x2  }
0xb9: {  	s3 =	sand.u32 $0x4000, s31;
	s1 =	sadd.s32 s1, s30  }
0xba: {  	s0 =	sor.u32 s3, s0;
	s1 =	sshll.u32 s1, $0x11  }
0xbb: {  	s0 =	sor.u32 s1, s0  }
0xbc: {  	s0 =	sadd.s32 $0x8F2B, s0  }
0xbd: {  	[sflag:s0] =	ssyncadd.remote.s32 $0x1  }
0xbe: {  	_ =	sfence.sel $0xFFFF  }
0xbf: {  	[dreg:$0x0] =	wrdreg $0xFFFFFFFF;
	(pc) =	sbr.abs _section_cstart, $3  }
0xc0: {  	[dreg:$0x1] =	wrdreg $0xFFFFFFFF  }
0xc1: {  	_ =	task.clear_ibuf [dreg:s6], $0x2FFFF;
	_ =	strace $0x9FFFFFFF  }
0xc2: {  	(tm) =	ssettm $0x7FFFFFFF  }
0xc3: {  	_ =	shalt  }
tec
execute0_lowered:
.L_overlay_start_1:
0x0: {  	(tag) =	ssettag $0x1  }
0x1: {  	s0 =	srdreg.scid;
	s5 =	rddreg [dreg:$0x0]  }
0x2: {  	s2 =	rddreg [dreg:$0x1];
	s4 =	sand.u32 $0x1, s0  }
0x3: {  	s0 =	stileid.u32;
	s6 =	smul.u32 $0x5000, s4  }
0x4: {  	s1 =	rddreg [dreg:$0x2];
	s7 =	smul.u32 $0x280, s0  }
0x5: {  	s3 =	simm.s32 $0x0;
	s17 =	simm.s32 $0x1;
	s8 =	smul.u32 $0x2800, s4  }
0x6: {  	s18 =	simm.s32 $0x0;
	[smem:$0x7FF] =	sst s3;
	s9 =	smul.u32 $0x50000, s0  }
0x7: {  	_ =	strace $0x80000047;
	s29 =	ssub.s32 $0x2, s4;
	s16 =	smul.u32 $0x500, s0  }
0x8: {  	s31 =	sshrl.u32 s29, $0x1;
	s13 =	sadd.s32 s6, s5;
	s28 =	sadd.s32 s7, s8  }
0x9: {  	s30 =	sshrl.u32 s9, $0x2;
	s15 =	ssub.s32 s29, s31;
	s6 =	sshll.u32 s28, $0x4  }
0xa: {  	s4 =	sadd.s32 s30, s2;
	s16 =	sadd.s32 s16, s13;
	s14 =	sadd.s32 s6, s5  }
0xb: {  	s5 =	sadd.s32 $0x4000, s4;
	s6 =	sadd.s32 $0x8000, s4;
	s7 =	sadd.s32 $0xC000, s4  }
0xc: {  	s8 =	sadd.s32 $0x10000, s4;
	s9 =	sadd.s32 $0xE000, s14;
	s10 =	sadd.s32 $0xE800, s14  }
0xd: {  	s11 =	sadd.s32 $0xF000, s14;
	s12 =	sadd.s32 $0xF800, s14;
	s13 =	sadd.s32 $0x10000, s14  }
0xe: {  	v0 =	vimm.f32 $0.0e+00;
	v1 =	vimm.f32 $1.000000000e+00;
	s14 =	smax.u32 s15, $0x1;
	s15 =	sadd.s32 $0x4000, s16;
	s16 =	simm.s32 $0x80  }
.LBB2_1:
0xf: {  	s19 =	simm.s32 $0x0;
	s20 =	simm.s32 $0x200  }
.LBB2_2:
0x10: {  	p0 =	sne.s32 s20, $0xFE00;
	[tilespmem:s19+$0xF0] =	vst v0  }
0x11: {  	[tilespmem:s19+$0x80] =	vst v0  }
0x12: {  	[tilespmem:s19+$0x90] =	vst v0  }
.Ltmp0:
0x13: {  	[tilespmem:s19+$0xA0] =	vst v0;
	(pc) =	sbr.rel @p0 .LBB2_2-.Ltmp0, $4  }
0x14: {  	[tilespmem:s19+$0xB0] =	vst v0  }
0x15: {  	[tilespmem:s19+$0xC0] =	vst v0  }
0x16: {  	[tilespmem:s19+$0xD0] =	vst v0  }
0x17: {  	[tilespmem:s19+$0xE0] =	vst v0;
	s19 =	sshra.s32 s20, $0x2;
	s20 =	sadd.s32 $0x200, s20  }
0x18: {  	[tilespmem:s19+$0xF0] =	vst v0  }
0x19: {  	[tilespmem:s19+$0x80] =	vst v0  }
0x1a: {  	[tilespmem:s19+$0x90] =	vst v0  }
0x1b: {  	[tilespmem:s19+$0xA0] =	vst v0  }
0x1c: {  	[tilespmem:s19+$0xB0] =	vst v0  }
0x1d: {  	[tilespmem:s19+$0xC0] =	vst v0  }
0x1e: {  	[tilespmem:s19+$0xD0] =	vst v0  }
0x1f: {  	[tilespmem:s19+$0xE0] =	vst v0  }
0x20: {  	[spmem:s4] =	stream.linear.scatter [tilespmem:s16], [sflag:$0x1], $0x4000, $0x38;
	[tilespmem:$0x18080] =	vst v63  }
0x21: {  	_ =	swait.ge [sflag:s17], $0x4000  }
0x22: {  	[sflag:s17] =	ssyncset.done $0x0  }
0x23: {  	[sflag:s17] =	ssyncadd.s32 $0xFFFFC000  }
0x24: {  	[spmem:s5] =	stream.linear.scatter [tilespmem:s16], [sflag:$0x1], $0x4000, $0x38;
	[tilespmem:$0x18080] =	vst v63  }
0x25: {  	_ =	swait.ge [sflag:s17], $0x4000  }
0x26: {  	[sflag:s17] =	ssyncset.done $0x0  }
0x27: {  	[sflag:s17] =	ssyncadd.s32 $0xFFFFC000  }
0x28: {  	[spmem:s6] =	stream.linear.scatter [tilespmem:s16], [sflag:$0x1], $0x4000, $0x38;
	[tilespmem:$0x18080] =	vst v63  }
0x29: {  	_ =	swait.ge [sflag:s17], $0x4000  }
0x2a: {  	[sflag:s17] =	ssyncset.done $0x0  }
0x2b: {  	[sflag:s17] =	ssyncadd.s32 $0xFFFFC000  }
0x2c: {  	[spmem:s7] =	stream.linear.scatter [tilespmem:s16], [sflag:$0x1], $0x4000, $0x38;
	[tilespmem:$0x18080] =	vst v63  }
0x2d: {  	_ =	swait.ge [sflag:s17], $0x4000  }
0x2e: {  	[sflag:s17] =	ssyncset.done $0x0  }
0x2f: {  	[sflag:s17] =	ssyncadd.s32 $0xFFFFC000  }
0x30: {  	[spmem:s8] =	stream.linear.scatter [tilespmem:s16], [sflag:$0x1], $0x4000, $0x38;
	[tilespmem:$0x18080] =	vst v63  }
0x31: {  	_ =	swait.ge [sflag:s17], $0x4000  }
0x32: {  	[sflag:s17] =	ssyncset.done $0x0  }
0x33: {  	s19 =	simm.s32 $0x0;
	s20 =	simm.s32 $0x200;
	[sflag:s17] =	ssyncadd.s32 $0xFFFFC000  }
.LBB2_4:
0x34: {  	p0 =	sne.s32 s20, $0xFE00;
	[tilespmem:s19+$0xF0] =	vst v1  }
0x35: {  	[tilespmem:s19+$0x80] =	vst v1  }
0x36: {  	[tilespmem:s19+$0x90] =	vst v1  }
.Ltmp1:
0x37: {  	[tilespmem:s19+$0xA0] =	vst v1;
	(pc) =	sbr.rel @p0 .LBB2_4-.Ltmp1, $4  }
0x38: {  	[tilespmem:s19+$0xB0] =	vst v1  }
0x39: {  	[tilespmem:s19+$0xC0] =	vst v1  }
0x3a: {  	[tilespmem:s19+$0xD0] =	vst v1  }
0x3b: {  	[tilespmem:s19+$0xE0] =	vst v1;
	s19 =	sshra.s32 s20, $0x2;
	s20 =	sadd.s32 $0x200, s20  }
0x3c: {  	[tilespmem:s19+$0xF0] =	vst v1  }
0x3d: {  	[tilespmem:s19+$0x80] =	vst v1  }
0x3e: {  	[tilespmem:s19+$0x90] =	vst v1  }
0x3f: {  	[tilespmem:s19+$0xA0] =	vst v1  }
0x40: {  	[tilespmem:s19+$0xB0] =	vst v1  }
0x41: {  	[tilespmem:s19+$0xC0] =	vst v1  }
0x42: {  	[tilespmem:s19+$0xD0] =	vst v1  }
0x43: {  	[tilespmem:s19+$0xE0] =	vst v1  }
0x44: {  	s31 =	sadd.s32 $0x0, s15;
	[bflag:$0x0] =	sbarrier.arrive $0xFFFF  }
0x45: {  	[tilespmem:s3], [sflag:$0x1] =	stream.linear.gather [hbm4b:s31+s3], $0x80, $0x38;
	[tilespmem:$0x18080] =	vst v63  }
0x46: {  	_ =	swait.ge [sflag:s17], $0x80  }
0x47: {  	[sflag:s17] =	ssyncset.done $0x0  }
0x48: {  	[sflag:s17] =	ssyncadd.s32 $0xFFFFFF80  }
0x49: {  	[spmem:s2] =	stream.indirect.scatter.add.f32 [tilespmem:s16], [sflag:$0x1], $0x80, s3, s16, $0xb8;
	[tilespmem:$0x18080] =	vst v63  }
0x4a: {  	_ =	swait.ge [sflag:s17], $0x4000  }
0x4b: {  	s19 =	simm.s32 $0x10;
	s20 =	simm.s32 $0x20;
	[sflag:s17] =	ssyncset.done $0x0  }
.LBB2_6:
0x4c: {  	s21 =	sadd.s32 s19, s15  }
0x4d: {  	[sflag:s17] =	ssyncadd.s32 $0xFFFFC000;
	s19 =	smov.u32 s20;
	s22 =	sadd.s32 $0x10, s20  }
0x4e: {  	[tilespmem:s3], [sflag:$0x1] =	stream.linear.gather [hbm4b:s21+s3], $0x80, $0x38;
	[tilespmem:$0x18080] =	vst v63  }
0x4f: {  	p0 =	sne.s32 s20, $0x4F0;
	_ =	swait.ge [sflag:s17], $0x80  }
.Ltmp2:
0x50: {  	[sflag:s17] =	ssyncset.done $0x0;
	(pc) =	sbr.rel @p0 .LBB2_6-.Ltmp2, $4  }
0x51: {  	[sflag:s17] =	ssyncadd.s32 $0xFFFFFF80  }
0x52: {  	[spmem:s2] =	stream.indirect.scatter.add.f32 [tilespmem:s16], [sflag:$0x1], $0x80, s3, s16, $0xb8;
	[tilespmem:$0x18080] =	vst v63  }
0x53: {  	_ =	swait.ge [sflag:s17], $0x4000  }
0x54: {  	s20 =	smov.u32 s22;
	[sflag:s17] =	ssyncset.done $0x0  }
0x55: {  	s19 =	sadd.s32 s19, s15;
	[sflag:s17] =	ssyncadd.s32 $0xFFFFC000  }
0x56: {  	[tilespmem:s3], [sflag:$0x1] =	stream.linear.gather [hbm4b:s19+s3], $0x80, $0x38;
	[tilespmem:$0x18080] =	vst v63  }
0x57: {  	_ =	swait.ge [sflag:s17], $0x80  }
0x58: {  	[sflag:s17] =	ssyncset.done $0x0  }
0x59: {  	[sflag:s17] =	ssyncadd.s32 $0xFFFFFF80  }
0x5a: {  	[spmem:s2] =	stream.indirect.scatter.add.f32 [tilespmem:s16], [sflag:$0x1], $0x80, s3, s16, $0xb8;
	[tilespmem:$0x18080] =	vst v63  }
0x5b: {  	_ =	swait.ge [sflag:s17], $0x4000  }
0x5c: {  	[sflag:s17] =	ssyncset.done $0x0  }
0x5d: {  	[sflag:s17] =	ssyncadd.s32 $0xFFFFC000  }
0x5e: {  	[bflag:$0x0] =	sbarrier.arrive $0xFFFF  }
0x5f: {  	[tilespmem:s16], [sflag:$0x1] =	stream.linear.gather [spmem:s4], $0x4000, $0x38;
	[tilespmem:$0x18080] =	vst v63  }
0x60: {  	_ =	swait.ge [sflag:s17], $0x4000  }
0x61: {  	[sflag:s17] =	ssyncset.done $0x0  }
0x62: {  	[sflag:s17] =	ssyncadd.s32 $0xFFFFC000  }
0x63: {  	[hbm4b:s9+s3] =	stream.linear.scatter [tilespmem:s16], [sflag:$0x1], $0x4000, $0x38;
	[tilespmem:$0x18080] =	vst v63  }
0x64: {  	_ =	swait.ge [sflag:s17], $0x4000  }
0x65: {  	[sflag:s17] =	ssyncset.done $0x0  }
0x66: {  	[sflag:s17] =	ssyncadd.s32 $0xFFFFC000  }
0x67: {  	[tilespmem:s16], [sflag:$0x1] =	stream.linear.gather [spmem:s5], $0x4000, $0x38;
	[tilespmem:$0x18080] =	vst v63  }
0x68: {  	_ =	swait.ge [sflag:s17], $0x4000  }
0x69: {  	[sflag:s17] =	ssyncset.done $0x0  }
0x6a: {  	[sflag:s17] =	ssyncadd.s32 $0xFFFFC000  }
0x6b: {  	[hbm4b:s10+s3] =	stream.linear.scatter [tilespmem:s16], [sflag:$0x1], $0x4000, $0x38;
	[tilespmem:$0x18080] =	vst v63  }
0x6c: {  	_ =	swait.ge [sflag:s17], $0x4000  }
0x6d: {  	[sflag:s17] =	ssyncset.done $0x0  }
0x6e: {  	[sflag:s17] =	ssyncadd.s32 $0xFFFFC000  }
0x6f: {  	[tilespmem:s16], [sflag:$0x1] =	stream.linear.gather [spmem:s6], $0x4000, $0x38;
	[tilespmem:$0x18080] =	vst v63  }
0x70: {  	_ =	swait.ge [sflag:s17], $0x4000  }
0x71: {  	[sflag:s17] =	ssyncset.done $0x0  }
0x72: {  	[sflag:s17] =	ssyncadd.s32 $0xFFFFC000  }
0x73: {  	[hbm4b:s11+s3] =	stream.linear.scatter [tilespmem:s16], [sflag:$0x1], $0x4000, $0x38;
	[tilespmem:$0x18080] =	vst v63  }
0x74: {  	_ =	swait.ge [sflag:s17], $0x4000  }
0x75: {  	[sflag:s17] =	ssyncset.done $0x0  }
0x76: {  	[sflag:s17] =	ssyncadd.s32 $0xFFFFC000  }
0x77: {  	[tilespmem:s16], [sflag:$0x1] =	stream.linear.gather [spmem:s7], $0x4000, $0x38;
	[tilespmem:$0x18080] =	vst v63  }
0x78: {  	_ =	swait.ge [sflag:s17], $0x4000  }
0x79: {  	[sflag:s17] =	ssyncset.done $0x0  }
0x7a: {  	[sflag:s17] =	ssyncadd.s32 $0xFFFFC000  }
0x7b: {  	[hbm4b:s12+s3] =	stream.linear.scatter [tilespmem:s16], [sflag:$0x1], $0x4000, $0x38;
	[tilespmem:$0x18080] =	vst v63  }
0x7c: {  	_ =	swait.ge [sflag:s17], $0x4000  }
0x7d: {  	[sflag:s17] =	ssyncset.done $0x0  }
0x7e: {  	[sflag:s17] =	ssyncadd.s32 $0xFFFFC000  }
0x7f: {  	[tilespmem:s16], [sflag:$0x1] =	stream.linear.gather [spmem:s8], $0x4000, $0x38;
	[tilespmem:$0x18080] =	vst v63  }
0x80: {  	s18 =	sadd.s32 $0x1, s18;
	_ =	swait.ge [sflag:s17], $0x4000  }
0x81: {  	p0 =	sne.s32 s18, s14;
	[sflag:s17] =	ssyncset.done $0x0  }
.Ltmp3:
0x82: {  	[sflag:s17] =	ssyncadd.s32 $0xFFFFC000;
	(pc) =	sbr.rel @p0 .LBB2_1-.Ltmp3, $4  }
0x83: {  	[hbm4b:s13+s3] =	stream.linear.scatter [tilespmem:s16], [sflag:$0x1], $0x4000, $0x38;
	[tilespmem:$0x18080] =	vst v63  }
0x84: {  	_ =	swait.ge [sflag:s17], $0x4000  }
0x85: {  	[sflag:s17] =	ssyncset.done $0x0  }
0x86: {  	[sflag:s17] =	ssyncadd.s32 $0xFFFFC000  }
0x87: {  	_ =	sfence.sel $0x180000  }
0x88: {  	[bflag:$0x0] =	sbarrier.arrive $0xFFFF  }
0x89: {  	p0 =	sne.s32 s0, $0x0;
	_ =	strace $0x90000047  }
0x8a: {  	s0 =	sadd.s32 @!p0 $0x100000, s1;
	[bflag:$0x2] =	sbarrier.arrive $0xFFFF  }
0x8b: {  	[sflag:s0] =	ssyncadd.tile.s32 @!p0 $0x1;
	_ =	shalt  }
.Lfunc_end2:
_tile_overlayer_lowered:
.L_overlay_start_2:
0x8c: {  	(tag) =	ssettag $0x2  }
0x8d: {  	s0 =	rddreg [dreg:$0x0];
	s2 =	stileid.u32  }
0x8e: {  	s1 =	rddreg [dreg:$0x1];
	p0 =	sne.s32 s2, $0x0  }
0x8f: {  	s3 =	rddreg [dreg:$0x2];
	[bflag:$0x3] =	sbarrier.arrive $0xFFFF;
	s2 =	simm.s32 @!p0 $0x1C01  }
0x90: {  	[timem:s3], [sflag:s2] =	dma.local @!p0 [hbm:s0], s1  }
0x91: {  	s0 =	simm.s32 @!p0 $0x1  }
0x92: {  	_ =	swait.ge @!p0 [sflag:s0], s1  }
0x93: {  	s1 =	ssub.s32 @!p0 $0x0, s1;
	[sflag:s0] =	ssyncset.done @!p0 $0x0  }
0x94: {  	[sflag:s0] =	ssyncadd.s32 @!p0 s1  }
0x95: {  	[bflag:$0x3] =	sbarrier.arrive $0xFFFF  }
0x96: {  	_ =	shalt  }

</sc_bundles>
